<compile_context>
chip_gen: v7x
topology: tpu7x:2x2x1
jax: 0.10.2.dev20260603
libtpu: 0.0.44.dev20260713+nightly
codegen_flags: <defaults>
</compile_context>

<pallas_src>
import functools

import jax
import jax.numpy as jnp
from jax import lax
from jax.experimental import pallas as pl
from jax.experimental.pallas import tpu as pltpu
from jax.experimental.pallas import tpu_sc as plsc

N = 10000
E = 160000
F = 128
H = 16
NG = 16
NC = 2
NS = 16
NW = NC * NS
EW = E // NW
C = 40
NCH = EW // C
NPAD = 10112
ROWS_PER_SUB = NPAD // NS
BE = 2000
GE = E // BE

_mesh = plsc.VectorSubcoreMesh(core_axis_name="c", subcore_axis_name="s")
_sc_params = pltpu.CompilerParams(use_tc_tiling_on_sc=False)


def _f32(shape):
    return jax.ShapeDtypeStruct(shape, jnp.float32)


@functools.partial(
    pl.kernel,
    out_type=(_f32((E, F)), _f32((E, F))),
    mesh=_mesh,
    compiler_params=_sc_params,
    scratch_types=[
        pltpu.VMEM((NCH, C), jnp.int32),
        pltpu.VMEM((NCH, C), jnp.int32),
        pltpu.VMEM((C, F), jnp.float32),
        pltpu.VMEM((C, F), jnp.float32),
        pltpu.SemaphoreType.DMA,
        pltpu.SemaphoreType.DMA,
    ],
)
def _sc_gather_edges(x_hbm, idxs_hbm, idxr_hbm, xs_hbm, xr_hbm,
                     idxs_v, idxr_v, rows_s, rows_r, sem_s, sem_r):
    wid = lax.axis_index("s") * NC + lax.axis_index("c")
    base = wid * EW
    pltpu.sync_copy(idxs_hbm.at[wid], idxs_v)
    pltpu.sync_copy(idxr_hbm.at[wid], idxr_v)

    def body(j, carry):
        cp_s = pltpu.async_copy(x_hbm.at[idxs_v.at[j]], rows_s, sem_s)
        cp_r = pltpu.async_copy(x_hbm.at[idxr_v.at[j]], rows_r, sem_r)
        cp_s.wait()
        pltpu.sync_copy(rows_s, xs_hbm.at[pl.ds(base + j * C, C)])
        cp_r.wait()
        pltpu.sync_copy(rows_r, xr_hbm.at[pl.ds(base + j * C, C)])
        return carry

    lax.fori_loop(0, NCH, body, 0)


def _make_sc_scatter(width):
    @functools.partial(
        pl.kernel,
        out_type=_f32((NC, NPAD, width)),
        mesh=_mesh,
        compiler_params=_sc_params,
        scratch_types=[
            pltpu.VMEM((NCH, C), jnp.int32),
            pltpu.VMEM((2, C, width), jnp.float32),
            pltpu.VMEM_SHARED((NPAD, width), jnp.float32),
            pltpu.SemaphoreType.DMA,
        ],
    )
    def sc_scatter(rows_hbm, idx_hbm, zeros_hbm, out_hbm, idx_v, rows_v, acc,
                   sem):
        cid = lax.axis_index("c")
        sid = lax.axis_index("s")
        wid = sid * NC + cid

        @pl.when(sid == 0)
        def _():
            pltpu.sync_copy(zeros_hbm, acc)

        plsc.subcore_barrier()
        pltpu.sync_copy(idx_hbm.at[wid], idx_v)
        pltpu.async_copy(rows_hbm.at[pl.ds(wid * EW, C)], rows_v.at[0], sem)

        def body(j, carry):
            @pl.when(j + 1 < NCH)
            def _():
                pltpu.async_copy(
                    rows_hbm.at[pl.ds(wid * EW + (j + 1) * C, C)],
                    rows_v.at[(j + 1) % 2], sem)

            pltpu.make_async_copy(rows_hbm.at[pl.ds(wid * EW + j * C, C)],
                                  rows_v.at[j % 2], sem).wait()
            pltpu.sync_copy(rows_v.at[j % 2], acc.at[idx_v.at[j]], add=True)
            return carry

        lax.fori_loop(0, NCH, body, 0)
        plsc.subcore_barrier()
        pltpu.sync_copy(acc.at[pl.ds(sid * ROWS_PER_SUB, ROWS_PER_SUB)],
                        out_hbm.at[cid, pl.ds(sid * ROWS_PER_SUB, ROWS_PER_SUB)])

    return sc_scatter


_sc_scatter16 = _make_sc_scatter(16)


def _make_sc_gcn(width):
    @functools.partial(
        pl.kernel,
        out_type=_f32((NC, NPAD, width)),
        mesh=_mesh,
        compiler_params=_sc_params,
        scratch_types=[
            pltpu.VMEM((NCH, C), jnp.int32),
            pltpu.VMEM((NCH, C), jnp.int32),
            pltpu.VMEM((2, C, width), jnp.float32),
            pltpu.VMEM_SHARED((NPAD, width), jnp.float32),
            pltpu.SemaphoreType.DMA,
        ],
    )
    def sc_gcn(z_hbm, idxr_hbm, idxs_hbm, zeros_hbm, out_hbm,
               idxr_v, idxs_v, rows_v, acc, sem):
        cid = lax.axis_index("c")
        sid = lax.axis_index("s")
        wid = sid * NC + cid

        @pl.when(sid == 0)
        def _():
            pltpu.sync_copy(zeros_hbm, acc)

        plsc.subcore_barrier()
        pltpu.sync_copy(idxr_hbm.at[wid], idxr_v)
        pltpu.sync_copy(idxs_hbm.at[wid], idxs_v)
        pltpu.async_copy(z_hbm.at[idxr_v.at[0]], rows_v.at[0], sem)

        def body(j, carry):
            @pl.when(j + 1 < NCH)
            def _():
                pltpu.async_copy(z_hbm.at[idxr_v.at[j + 1]],
                                 rows_v.at[(j + 1) % 2], sem)

            pltpu.make_async_copy(z_hbm.at[idxr_v.at[j]],
                                  rows_v.at[j % 2], sem).wait()
            pltpu.sync_copy(rows_v.at[j % 2], acc.at[idxs_v.at[j]], add=True)
            return carry

        lax.fori_loop(0, NCH, body, 0)
        plsc.subcore_barrier()
        pltpu.sync_copy(acc.at[pl.ds(sid * ROWS_PER_SUB, ROWS_PER_SUB)],
                        out_hbm.at[cid, pl.ds(sid * ROWS_PER_SUB, ROWS_PER_SUB)])

    return sc_gcn


_sc_gcn16 = _make_sc_gcn(16)
_sc_gcn32 = _make_sc_gcn(32)


def _tc_edge_body(xs_ref, xr_ref, k1f_ref, k1dv_ref, k2_ref, k3_ref,
                  kcat_ref, b1_ref, b2_ref, b3_ref,
                  msg_ref, m16_ref):
    xs = xs_ref[...]
    xr = xr_ref[...]
    diff = xr - xs
    d0 = diff[:, 0:1]
    d1 = diff[:, 1:2]
    d2 = diff[:, 2:3]
    sq = d0 * d0 + d1 * d1 + d2 * d2
    pos = sq > 0.0
    dists = jnp.where(pos, jnp.sqrt(jnp.where(pos, sq, 1.0)), 0.0)
    den = jnp.where(dists > 0.0, dists, 1.0)
    vpos = dists > 0.0
    v0 = jnp.where(vpos, d0 / den, 0.0)
    v1 = jnp.where(vpos, d1 / den, 0.0)
    v2 = jnp.where(vpos, d2 / den, 0.0)
    k1dv = k1dv_ref[...]
    h = (jnp.dot(diff, k1f_ref[...], preferred_element_type=jnp.float32)
         + dists * k1dv[0:1, :] + v0 * k1dv[1:2, :]
         + v1 * k1dv[2:3, :] + v2 * k1dv[3:4, :] + b1_ref[...])
    h = jnp.maximum(h, 0.0)
    h = jnp.maximum(jnp.dot(h, k2_ref[...], preferred_element_type=jnp.float32)
                    + b2_ref[...], 0.0)
    h = jnp.maximum(jnp.dot(h, k3_ref[...], preferred_element_type=jnp.float32)
                    + b3_ref[...], 0.0)
    p = jnp.dot(xr, kcat_ref[...], preferred_element_type=jnp.float32)
    msg = p[:, 16 * H:16 * H + H]
    for k in range(H):
        msg = msg + h[:, k:k + 1] * p[:, k * H:(k + 1) * H]
    mask = (diff[:, 3:4] >= 0.0).astype(jnp.float32)
    msg_ref[...] = mask * msg
    m16_ref[...] = jnp.broadcast_to(mask, (BE, H))


def _tc_edge(xs, xr, k1f, k1dv, k2, k3, kcat, b1r, b2r, b3r):
    wspec = lambda shape: pl.BlockSpec(shape, lambda i: (0, 0))
    return pl.pallas_call(
        _tc_edge_body,
        grid=(GE,),
        in_specs=[
            pl.BlockSpec((BE, F), lambda i: (i, 0)),
            pl.BlockSpec((BE, F), lambda i: (i, 0)),
            wspec((F, H)), wspec((8, H)), wspec((H, H)), wspec((H, H)),
            wspec((F, 17 * H)),
            wspec((1, H)), wspec((1, H)), wspec((1, H)),
        ],
        out_specs=[
            pl.BlockSpec((BE, H), lambda i: (i, 0)),
            pl.BlockSpec((BE, H), lambda i: (i, 0)),
        ],
        out_shape=[_f32((E, H)), _f32((E, H))],
    )(xs, xr, k1f, k1dv, k2, k3, kcat, b1r, b2r, b3r)


def _tc_root_body(a0_ref, a1_ref, x_ref, wroot_ref, broot_ref, wg1_ref, z1_ref):
    agg = a0_ref[0:N, :] + a1_ref[0:N, :]
    xh = jnp.maximum(
        agg + jnp.dot(x_ref[...], wroot_ref[...],
                      preferred_element_type=jnp.float32) + broot_ref[...],
        0.0)
    z1_ref[...] = jnp.dot(xh, wg1_ref[...], preferred_element_type=jnp.float32)


def _tc_root(a0, a1, x, wroot, brootr, wg1):
    return pl.pallas_call(_tc_root_body, out_shape=_f32((N, H)))(
        a0, a1, x, wroot, brootr, wg1)


def _leaky(z):
    return jnp.where(z >= 0.0, z, 0.2 * z)


def _tc_gcn1_body(a0_ref, a1_ref, bg1_ref, wg2_ref, z2_ref):
    s1 = a0_ref[0:N, :] + a1_ref[0:N, :] + bg1_ref[...]
    x1 = _leaky(s1)
    z2_ref[...] = jnp.dot(x1, wg2_ref[...], preferred_element_type=jnp.float32)


def _tc_gcn1(a0, a1, bg1r, wg2):
    return pl.pallas_call(_tc_gcn1_body, out_shape=_f32((N, 2 * H)))(
        a0, a1, bg1r, wg2)


def _tc_pool_body(a0_ref, a1_ref, bg2_ref, i_ref,
                  d1w_ref, d1b_ref, g1_ref, beta1_ref, m1_ref, v1_ref,
                  d2w_ref, d2b_ref, g2_ref, beta2_ref, m2_ref, v2_ref,
                  fw_ref, fb_ref, out_ref):
    x2 = _leaky(a0_ref[0:N, :] + a1_ref[0:N, :] + bg2_ref[...])
    iv = i_ref[...]
    neg = jnp.float32(-jnp.inf)
    pmax, psum, cnt = [], [], []
    for g in range(NG):
        mg = iv == g
        pmax.append(jnp.max(jnp.where(mg, x2, neg), axis=0, keepdims=True))
        psum.append(jnp.sum(jnp.where(mg, x2, 0.0), axis=0, keepdims=True))
        cnt.append(jnp.sum(mg.astype(jnp.float32), axis=0, keepdims=True))
    p_max = jnp.concatenate(pmax, axis=0)
    p_sum = jnp.concatenate(psum, axis=0)
    cntc = jnp.concatenate(cnt, axis=0)
    p_avg = p_sum / jnp.maximum(cntc, 1.0)
    xc = jnp.concatenate([p_max, p_avg, p_sum], axis=1)
    d = _leaky(jnp.dot(xc, d1w_ref[...], preferred_element_type=jnp.float32)
               + d1b_ref[...])
    d = g1_ref[...] * (d - m1_ref[...]) / jnp.sqrt(v1_ref[...] + 1e-3) \
        + beta1_ref[...]
    d = _leaky(jnp.dot(d, d2w_ref[...], preferred_element_type=jnp.float32)
               + d2b_ref[...])
    d = g2_ref[...] * (d - m2_ref[...]) / jnp.sqrt(v2_ref[...] + 1e-3) \
        + beta2_ref[...]
    out_ref[...] = jnp.dot(d, fw_ref[...], preferred_element_type=jnp.float32) \
        + fb_ref[...]


def _tc_pool(a0, a1, bg2r, i2, d1w, d1br, g1r, beta1r, m1r, v1r,
             d2w, d2br, g2r, beta2r, m2r, v2r, fw, fbr):
    return pl.pallas_call(_tc_pool_body, out_shape=_f32((NG, 4)))(
        a0, a1, bg2r, i2, d1w, d1br, g1r, beta1r, m1r, v1r,
        d2w, d2br, g2r, beta2r, m2r, v2r, fw, fbr)


def kernel(x, a_indices, i, K1, b1, K2, b2, K3, b3, K4, b4, Wroot, broot,
           Wg1, bg1, Wg2, bg2, D1w, D1b, g1, beta1, m1, v1, D2w, D2b, g2,
           beta2, m2, v2, Fw, Fb):
    send = a_indices[:, 0]
    receive = a_indices[:, 1]
    idx3s = send.reshape(NW, NCH, C)
    idx3r = receive.reshape(NW, NCH, C)

    k1f = jnp.concatenate([jnp.zeros((3, H), jnp.float32), K1[0:125]], axis=0)
    k1dv = jnp.concatenate([K1[125:129], jnp.zeros((4, H), jnp.float32)],
                           axis=0)
    k4n = K4.reshape(H, F, H).transpose(1, 0, 2).reshape(F, H * H)
    kcat = jnp.concatenate([k4n, b4.reshape(F, H)], axis=1)
    r1 = lambda v: v.reshape(1, -1)

    zeros16 = jnp.zeros((NPAD, H), jnp.float32)
    zeros32 = jnp.zeros((NPAD, 2 * H), jnp.float32)

    xs, xr = _sc_gather_edges(x, idx3s, idx3r)

    msgm, m16 = _tc_edge(xs, xr, k1f, k1dv, K2, K3, kcat,
                         r1(b1), r1(b2), r1(b3))

    send_m = jnp.where(m16[:, 0] > 0.0, send, N).astype(jnp.int32)
    idx3sm = send_m.reshape(NW, NCH, C)

    aggp = _sc_scatter16(msgm, idx3s, zeros16)

    z1 = _tc_root(aggp[0], aggp[1], x, Wroot, r1(broot), Wg1)

    s1p = _sc_gcn16(z1, idx3r, idx3sm, zeros16)

    z2 = _tc_gcn1(s1p[0], s1p[1], r1(bg1), Wg2)

    s2p = _sc_gcn32(z2, idx3r, idx3sm, zeros32)

    out = _tc_pool(s2p[0], s2p[1], r1(bg2), i.reshape(N, 1),
                   D1w, r1(D1b), r1(g1), r1(beta1), r1(m1), r1(v1),
                   D2w, r1(D2b), r1(g2), r1(beta2), r1(m2), r1(v2),
                   Fw, r1(Fb))
    return out

# --- scband reference (transcript-rebuilt; emitter-appended) ---
"""Pipeline reference for scband-model-89687507075367 (READ-ONLY COPY).

The authoritative reference and input builder live on the scoring server;
editing this copy changes nothing except your own understanding.
"""

import jax, jax.numpy as jnp
import numpy as np

N = 10000
E = 160000
F = 128
H = 16
NG = 16
EDIM = F - 3 + 1 + 3  # 129 edge-feature dims: diff_x[:,3:] (125) + dist (1) + unit vector (3)


def _w(key, fi, fo):
    return (jax.random.normal(key, (fi, fo), dtype=jnp.float32) / np.sqrt(fi)).astype(jnp.float32)


def setup_inputs(seed: int = 0) -> dict:
    key = jax.random.key(seed)
    ks = jax.random.split(key, 16)
    inp = {}
    inp['x'] = jax.random.normal(ks[0], (N, F), dtype=jnp.float32)
    inp['a_indices'] = jax.random.randint(ks[1], (E, 2), 0, N, dtype=jnp.int32)
    inp['i'] = jnp.sort(jax.random.randint(ks[2], (N,), 0, NG, dtype=jnp.int32))
    # ECC kernel network [H,H,H] -> F*H, root weight, bias
    inp['K1'] = _w(ks[3], EDIM, H); inp['b1'] = jnp.zeros((H,), jnp.float32)
    inp['K2'] = _w(ks[4], H, H); inp['b2'] = jnp.zeros((H,), jnp.float32)
    inp['K3'] = _w(ks[5], H, H); inp['b3'] = jnp.zeros((H,), jnp.float32)
    inp['K4'] = _w(ks[6], H, F * H); inp['b4'] = jnp.zeros((F * H,), jnp.float32)
    inp['Wroot'] = _w(ks[7], F, H); inp['broot'] = jnp.zeros((H,), jnp.float32)
    # GCN layers: channels = 16, 32
    inp['Wg1'] = _w(ks[8], H, H); inp['bg1'] = jnp.zeros((H,), jnp.float32)
    inp['Wg2'] = _w(ks[9], H, 2 * H); inp['bg2'] = jnp.zeros((2 * H,), jnp.float32)
    # decode MLP: concat(3 pools of 2H) = 6H -> H -> 2H -> n_out
    inp['D1w'] = _w(ks[10], 6 * H, H); inp['D1b'] = jnp.zeros((H,), jnp.float32)
    inp['g1'] = jnp.ones((H,), jnp.float32); inp['beta1'] = jnp.zeros((H,), jnp.float32)
    inp['m1'] = jnp.zeros((H,), jnp.float32); inp['v1'] = jnp.ones((H,), jnp.float32)
    inp['D2w'] = _w(ks[11], H, 2 * H); inp['D2b'] = jnp.zeros((2 * H,), jnp.float32)
    inp['g2'] = jnp.ones((2 * H,), jnp.float32); inp['beta2'] = jnp.zeros((2 * H,), jnp.float32)
    inp['m2'] = jnp.zeros((2 * H,), jnp.float32); inp['v2'] = jnp.ones((2 * H,), jnp.float32)
    inp['Fw'] = _w(ks[12], 2 * H, 4); inp['Fb'] = jnp.zeros((4,), jnp.float32)
    return inp


def _leaky(z):
    return jnp.where(z >= 0, z, 0.2 * z)


def _forward(x, a_indices, i, K1, b1, K2, b2, K3, b3, K4, b4, Wroot, broot, Wg1, bg1, Wg2, bg2, D1w, D1b, g1, beta1, m1, v1, D2w, D2b, g2, beta2, m2, v2, Fw, Fb):
    send = a_indices[:, 0]
    receive = a_indices[:, 1]
    # generate_edge_features with forward=True: keep edges where x[send,3] <= x[receive,3].
    # Implemented as a 0/1 mask on message/adjacency values (math-equivalent to dropping edges).
    mask = (x[send, 3] <= x[receive, 3]).astype(jnp.float32)
    diff = x[receive] - x[send]
    sq = jnp.sum(diff[:, :3] ** 2, axis=1)
    dists = jnp.where(sq > 0, jnp.sqrt(jnp.where(sq > 0, sq, 1.0)), 0.0)
    den = jnp.where(dists > 0, dists, 1.0)[:, None]
    vects = jnp.where(dists[:, None] > 0, diff[:, :3] / den, 0.0)  # divide_no_nan
    e = jnp.concatenate([diff[:, 3:], dists[:, None], vects], axis=1)  # [E, 129]
    # ECCConv: kernel network maps edge features to per-edge weight matrices [F, H]
    h = jax.nn.relu(e @ K1 + b1)
    h = jax.nn.relu(h @ K2 + b2)
    h = jax.nn.relu(h @ K3 + b3)
    We = (h @ K4 + b4).reshape(E, F, H)
    msg = jnp.einsum('ef,efo->eo', x[receive], We)
    agg = jnp.zeros((N, H), jnp.float32).at[send].add(mask[:, None] * msg)
    xh = jax.nn.relu(agg + x @ Wroot + broot)
    # GCNConv layers: out = A_filtered @ (x W) + b, activation LeakyReLU(0.2)
    z1 = xh @ Wg1
    x1 = _leaky(jnp.zeros((N, H), jnp.float32).at[send].add(mask[:, None] * z1[receive]) + bg1)
    z2 = x1 @ Wg2
    x2 = _leaky(jnp.zeros((N, 2 * H), jnp.float32).at[send].add(mask[:, None] * z2[receive]) + bg2)
    # global max / avg / sum pooling over graph segment ids
    p_max = jax.ops.segment_max(x2, i, num_segments=NG)
    p_sum = jax.ops.segment_sum(x2, i, num_segments=NG)
    cnt = jax.ops.segment_sum(jnp.ones((N, 1), jnp.float32), i, num_segments=NG)
    p_avg = p_sum / jnp.maximum(cnt, 1.0)
    xc = jnp.concatenate([p_max, p_avg, p_sum], axis=1)  # [NG, 6H]
    # decode: dropout(inference=identity) -> dense -> leaky -> batchnorm(inference)
    d = _leaky(xc @ D1w + D1b)
    d = g1 * (d - m1) / jnp.sqrt(v1 + 1e-3) + beta1
    d = _leaky(d @ D2w + D2b)
    d = g2 * (d - m2) / jnp.sqrt(v2 + 1e-3) + beta2
    return d @ Fw + Fb


def reference(x, a_indices, i, K1, b1, K2, b2, K3, b3, K4, b4, Wroot, broot, Wg1, bg1, Wg2, bg2, D1w, D1b, g1, beta1, m1, v1, D2w, D2b, g2, beta2, m2, v2, Fw, Fb):
    return _forward(x, a_indices, i, K1, b1, K2, b2, K3, b3, K4, b4, Wroot, broot, Wg1, bg1, Wg2, bg2, D1w, D1b, g1, beta1, m1, v1, D2w, D2b, g2, beta2, m2, v2, Fw, Fb)

if __name__ == "__main__":
    import jax
    _d = setup_inputs()
    print(jax.jit(kernel)(*tuple(_d.values())))

</pallas_src>

<mosaic_0001>
#map = affine_map<(d0, d1) -> (0, 0)>
#map1 = affine_map<(d0, d1) -> (0, 0, 0)>
module attributes {stable_mosaic.version = 14 : i64} {
  func.func @_sc_gather_edges(%arg0: i32, %arg1: i32, %arg2: memref<10000x128xf32, #tpu.memory_space<hbm>>, %arg3: memref<32x125x40xi32, #tpu.memory_space<hbm>>, %arg4: memref<32x125x40xi32, #tpu.memory_space<hbm>>, %arg5: memref<160000x128xf32, #tpu.memory_space<hbm>>, %arg6: memref<160000x128xf32, #tpu.memory_space<hbm>>, %arg7: memref<125x40xi32, #tpu.memory_space<vmem>>, %arg8: memref<125x40xi32, #tpu.memory_space<vmem>>, %arg9: memref<40x128xf32, #tpu.memory_space<vmem>>, %arg10: memref<40x128xf32, #tpu.memory_space<vmem>>, %arg11: memref<!tpu.dma_semaphore, #tpu.memory_space<semaphore_mem>>, %arg12: memref<!tpu.dma_semaphore, #tpu.memory_space<semaphore_mem>>) attributes {dimension_semantics = [#tpu.dimension_semantics<core_parallel>, #tpu.dimension_semantics<subcore_parallel>], iteration_bounds = array<i64: 2, 16>, scalar_prefetch = 0 : i64, scratch_operands = 6 : i64, tpu.core_type = #tpu.core_type<sc_vector_subcore>, window_params = [{transform_indices = #map}, {transform_indices = #map1}, {transform_indices = #map1}, {transform_indices = #map}, {transform_indices = #map}]} {
    %mul3A = arith.constant 2 : i32
    %mul3A_0 = arith.muli %arg1, %mul3A : i32
    %add3A = arith.addi %mul3A_0, %arg0 : i32
    %mul3A_1 = arith.constant 5000 : i32
    %mul3A_2 = arith.muli %add3A, %mul3A_1 : i32
    "tpu.region"() ({
      %run_scoped3A = tpu.sem_alloc : memref<!tpu.dma_semaphore, #tpu.memory_space<semaphore_mem>>
      %dma_start3A = arith.constant 0 : i32
      %dma_start3A_8 = arith.constant 0 : i32
      %dma_start3A_9 = tpu.memref_slice %arg3[%add3A, %dma_start3A, %dma_start3A_8] : memref<32x125x40xi32, #tpu.memory_space<hbm>> -> memref<1x125x40xi32, #tpu.memory_space<hbm>>
      %dma_start3A_10 = tpu.memref_squeeze %dma_start3A_9 : memref<1x125x40xi32, #tpu.memory_space<hbm>> -> memref<125x40xi32, #tpu.memory_space<hbm>>
      %dma_start3A_11 = arith.constant 0 : i32
      %dma_start3A_12 = arith.constant 0 : i32
      %dma_start3A_13 = tpu.memref_slice %arg3[%add3A, %dma_start3A_11, %dma_start3A_12] : memref<32x125x40xi32, #tpu.memory_space<hbm>> -> memref<1x125x40xi32, #tpu.memory_space<hbm>>
      %dma_start3A_14 = tpu.memref_squeeze %dma_start3A_13 : memref<1x125x40xi32, #tpu.memory_space<hbm>> -> memref<125x40xi32, #tpu.memory_space<hbm>>
      tpu.enqueue_dma source(%dma_start3A_14 : memref<125x40xi32, #tpu.memory_space<hbm>>) target(%arg7 : memref<125x40xi32, #tpu.memory_space<vmem>>) target_semaphore(%run_scoped3A : memref<!tpu.dma_semaphore, #tpu.memory_space<semaphore_mem>>)
      %dma_wait3A = arith.constant 0 : i32
      %dma_wait3A_15 = arith.constant 0 : i32
      %dma_wait3A_16 = tpu.memref_slice %arg3[%add3A, %dma_wait3A, %dma_wait3A_15] : memref<32x125x40xi32, #tpu.memory_space<hbm>> -> memref<1x125x40xi32, #tpu.memory_space<hbm>>
      %dma_wait3A_17 = tpu.memref_squeeze %dma_wait3A_16 : memref<1x125x40xi32, #tpu.memory_space<hbm>> -> memref<125x40xi32, #tpu.memory_space<hbm>>
      %dma_wait3A_18 = arith.constant 0 : i32
      %dma_wait3A_19 = arith.constant 0 : i32
      %dma_wait3A_20 = tpu.memref_slice %arg3[%add3A, %dma_wait3A_18, %dma_wait3A_19] : memref<32x125x40xi32, #tpu.memory_space<hbm>> -> memref<1x125x40xi32, #tpu.memory_space<hbm>>
      %dma_wait3A_21 = tpu.memref_squeeze %dma_wait3A_20 : memref<1x125x40xi32, #tpu.memory_space<hbm>> -> memref<125x40xi32, #tpu.memory_space<hbm>>
      tpu.wait_dma2 semaphore(%run_scoped3A : memref<!tpu.dma_semaphore, #tpu.memory_space<semaphore_mem>>) src(%dma_wait3A_21 : memref<125x40xi32, #tpu.memory_space<hbm>>) dst(%arg7 : memref<125x40xi32, #tpu.memory_space<vmem>>)
      tpu.yield
    }) : () -> ()
    "tpu.region"() ({
      %run_scoped3A = tpu.sem_alloc : memref<!tpu.dma_semaphore, #tpu.memory_space<semaphore_mem>>
      %dma_start3A = arith.constant 0 : i32
      %dma_start3A_8 = arith.constant 0 : i32
      %dma_start3A_9 = tpu.memref_slice %arg4[%add3A, %dma_start3A, %dma_start3A_8] : memref<32x125x40xi32, #tpu.memory_space<hbm>> -> memref<1x125x40xi32, #tpu.memory_space<hbm>>
      %dma_start3A_10 = tpu.memref_squeeze %dma_start3A_9 : memref<1x125x40xi32, #tpu.memory_space<hbm>> -> memref<125x40xi32, #tpu.memory_space<hbm>>
      %dma_start3A_11 = arith.constant 0 : i32
      %dma_start3A_12 = arith.constant 0 : i32
      %dma_start3A_13 = tpu.memref_slice %arg4[%add3A, %dma_start3A_11, %dma_start3A_12] : memref<32x125x40xi32, #tpu.memory_space<hbm>> -> memref<1x125x40xi32, #tpu.memory_space<hbm>>
      %dma_start3A_14 = tpu.memref_squeeze %dma_start3A_13 : memref<1x125x40xi32, #tpu.memory_space<hbm>> -> memref<125x40xi32, #tpu.memory_space<hbm>>
      tpu.enqueue_dma source(%dma_start3A_14 : memref<125x40xi32, #tpu.memory_space<hbm>>) target(%arg8 : memref<125x40xi32, #tpu.memory_space<vmem>>) target_semaphore(%run_scoped3A : memref<!tpu.dma_semaphore, #tpu.memory_space<semaphore_mem>>)
      %dma_wait3A = arith.constant 0 : i32
      %dma_wait3A_15 = arith.constant 0 : i32
      %dma_wait3A_16 = tpu.memref_slice %arg4[%add3A, %dma_wait3A, %dma_wait3A_15] : memref<32x125x40xi32, #tpu.memory_space<hbm>> -> memref<1x125x40xi32, #tpu.memory_space<hbm>>
      %dma_wait3A_17 = tpu.memref_squeeze %dma_wait3A_16 : memref<1x125x40xi32, #tpu.memory_space<hbm>> -> memref<125x40xi32, #tpu.memory_space<hbm>>
      %dma_wait3A_18 = arith.constant 0 : i32
      %dma_wait3A_19 = arith.constant 0 : i32
      %dma_wait3A_20 = tpu.memref_slice %arg4[%add3A, %dma_wait3A_18, %dma_wait3A_19] : memref<32x125x40xi32, #tpu.memory_space<hbm>> -> memref<1x125x40xi32, #tpu.memory_space<hbm>>
      %dma_wait3A_21 = tpu.memref_squeeze %dma_wait3A_20 : memref<1x125x40xi32, #tpu.memory_space<hbm>> -> memref<125x40xi32, #tpu.memory_space<hbm>>
      tpu.wait_dma2 semaphore(%run_scoped3A : memref<!tpu.dma_semaphore, #tpu.memory_space<semaphore_mem>>) src(%dma_wait3A_21 : memref<125x40xi32, #tpu.memory_space<hbm>>) dst(%arg8 : memref<125x40xi32, #tpu.memory_space<vmem>>)
      tpu.yield
    }) : () -> ()
    %scan3A = arith.constant 0 : i32
    %scan3A_3 = arith.constant 0 : i32
    %scan3A_4 = arith.constant 125 : i32
    %scan3A_5 = arith.addi %scan3A_3, %scan3A_4 : i32
    %scan3A_6 = arith.constant 1 : i32
    scf.for %scan3A_8 = %scan3A_3 to %scan3A_5 step %scan3A_6  : i32 {
      %dma_start3A = arith.constant 0 : i32
      %dma_start3A_9 = tpu.memref_slice %arg7[%scan3A_8, %dma_start3A] : memref<125x40xi32, #tpu.memory_space<vmem>> -> memref<1x40xi32, #tpu.memory_space<vmem>>
      %dma_start3A_10 = tpu.memref_squeeze %dma_start3A_9 : memref<1x40xi32, #tpu.memory_space<vmem>> -> memref<40xi32, #tpu.memory_space<vmem>>
      %dma_start3A_11 = arith.constant 0 : i32
      %dma_start3A_12 = arith.constant 0 : i32
      %dma_start3A_13 = tpu.memref_slice %arg2[%dma_start3A_11, %dma_start3A_12] : memref<10000x128xf32, #tpu.memory_space<hbm>> -> memref<10000x128xf32, #tpu.memory_space<hbm>>
      tpu.enqueue_indirect_dma source(%dma_start3A_13 : memref<10000x128xf32, #tpu.memory_space<hbm>>) target(%arg9 : memref<40x128xf32, #tpu.memory_space<vmem>>) offsets(%dma_start3A_10 : memref<40xi32, #tpu.memory_space<vmem>>) semaphore(%arg11 : memref<!tpu.dma_semaphore, #tpu.memory_space<semaphore_mem>>)
      %dma_start3A_14 = arith.constant 0 : i32
      %dma_start3A_15 = tpu.memref_slice %arg8[%scan3A_8, %dma_start3A_14] : memref<125x40xi32, #tpu.memory_space<vmem>> -> memref<1x40xi32, #tpu.memory_space<vmem>>
      %dma_start3A_16 = tpu.memref_squeeze %dma_start3A_15 : memref<1x40xi32, #tpu.memory_space<vmem>> -> memref<40xi32, #tpu.memory_space<vmem>>
      %dma_start3A_17 = arith.constant 0 : i32
      %dma_start3A_18 = arith.constant 0 : i32
      %dma_start3A_19 = tpu.memref_slice %arg2[%dma_start3A_17, %dma_start3A_18] : memref<10000x128xf32, #tpu.memory_space<hbm>> -> memref<10000x128xf32, #tpu.memory_space<hbm>>
      tpu.enqueue_indirect_dma source(%dma_start3A_19 : memref<10000x128xf32, #tpu.memory_space<hbm>>) target(%arg10 : memref<40x128xf32, #tpu.memory_space<vmem>>) offsets(%dma_start3A_16 : memref<40xi32, #tpu.memory_space<vmem>>) semaphore(%arg12 : memref<!tpu.dma_semaphore, #tpu.memory_space<semaphore_mem>>)
      %dma_wait3A = arith.constant 0 : i32
      %dma_wait3A_20 = tpu.memref_slice %arg7[%scan3A_8, %dma_wait3A] : memref<125x40xi32, #tpu.memory_space<vmem>> -> memref<1x40xi32, #tpu.memory_space<vmem>>
      %dma_wait3A_21 = tpu.memref_squeeze %dma_wait3A_20 : memref<1x40xi32, #tpu.memory_space<vmem>> -> memref<40xi32, #tpu.memory_space<vmem>>
      %dma_wait3A_22 = arith.constant 0 : i32
      %dma_wait3A_23 = arith.constant 0 : i32
      %dma_wait3A_24 = tpu.memref_slice %arg2[%dma_wait3A_22, %dma_wait3A_23] : memref<10000x128xf32, #tpu.memory_space<hbm>> -> memref<10000x128xf32, #tpu.memory_space<hbm>>
      tpu.wait_indirect_dma semaphore(%arg11 : memref<!tpu.dma_semaphore, #tpu.memory_space<semaphore_mem>>) src(%dma_wait3A_24 : memref<10000x128xf32, #tpu.memory_space<hbm>>) dst(%arg9 : memref<40x128xf32, #tpu.memory_space<vmem>>)
      %mul3A_25 = arith.constant 40 : i32
      %mul3A_26 = arith.muli %scan3A_8, %mul3A_25 : i32
      %add3A_27 = arith.addi %mul3A_2, %mul3A_26 : i32
      "tpu.region"() ({
        %run_scoped3A = tpu.sem_alloc : memref<!tpu.dma_semaphore, #tpu.memory_space<semaphore_mem>>
        %dma_start3A_37 = arith.constant 0 : i32
        %dma_start3A_38 = tpu.memref_slice %arg5[%add3A_27, %dma_start3A_37] : memref<160000x128xf32, #tpu.memory_space<hbm>> -> memref<40x128xf32, #tpu.memory_space<hbm>>
        %dma_start3A_39 = arith.constant 0 : i32
        %dma_start3A_40 = tpu.memref_slice %arg5[%add3A_27, %dma_start3A_39] : memref<160000x128xf32, #tpu.memory_space<hbm>> -> memref<40x128xf32, #tpu.memory_space<hbm>>
        tpu.enqueue_dma source(%arg9 : memref<40x128xf32, #tpu.memory_space<vmem>>) target(%dma_start3A_40 : memref<40x128xf32, #tpu.memory_space<hbm>>) target_semaphore(%run_scoped3A : memref<!tpu.dma_semaphore, #tpu.memory_space<semaphore_mem>>)
        %dma_wait3A_41 = arith.constant 0 : i32
        %dma_wait3A_42 = tpu.memref_slice %arg5[%add3A_27, %dma_wait3A_41] : memref<160000x128xf32, #tpu.memory_space<hbm>> -> memref<40x128xf32, #tpu.memory_space<hbm>>
        %dma_wait3A_43 = arith.constant 0 : i32
        %dma_wait3A_44 = tpu.memref_slice %arg5[%add3A_27, %dma_wait3A_43] : memref<160000x128xf32, #tpu.memory_space<hbm>> -> memref<40x128xf32, #tpu.memory_space<hbm>>
        tpu.wait_dma2 semaphore(%run_scoped3A : memref<!tpu.dma_semaphore, #tpu.memory_space<semaphore_mem>>) src(%arg9 : memref<40x128xf32, #tpu.memory_space<vmem>>) dst(%dma_wait3A_44 : memref<40x128xf32, #tpu.memory_space<hbm>>)
        tpu.yield
      }) : () -> ()
      %dma_wait3A_28 = arith.constant 0 : i32
      %dma_wait3A_29 = tpu.memref_slice %arg8[%scan3A_8, %dma_wait3A_28] : memref<125x40xi32, #tpu.memory_space<vmem>> -> memref<1x40xi32, #tpu.memory_space<vmem>>
      %dma_wait3A_30 = tpu.memref_squeeze %dma_wait3A_29 : memref<1x40xi32, #tpu.memory_space<vmem>> -> memref<40xi32, #tpu.memory_space<vmem>>
      %dma_wait3A_31 = arith.constant 0 : i32
      %dma_wait3A_32 = arith.constant 0 : i32
      %dma_wait3A_33 = tpu.memref_slice %arg2[%dma_wait3A_31, %dma_wait3A_32] : memref<10000x128xf32, #tpu.memory_space<hbm>> -> memref<10000x128xf32, #tpu.memory_space<hbm>>
      tpu.wait_indirect_dma semaphore(%arg12 : memref<!tpu.dma_semaphore, #tpu.memory_space<semaphore_mem>>) src(%dma_wait3A_33 : memref<10000x128xf32, #tpu.memory_space<hbm>>) dst(%arg10 : memref<40x128xf32, #tpu.memory_space<vmem>>)
      %mul3A_34 = arith.constant 40 : i32
      %mul3A_35 = arith.muli %scan3A_8, %mul3A_34 : i32
      %add3A_36 = arith.addi %mul3A_2, %mul3A_35 : i32
      "tpu.region"() ({
        %run_scoped3A = tpu.sem_alloc : memref<!tpu.dma_semaphore, #tpu.memory_space<semaphore_mem>>
        %dma_start3A_37 = arith.constant 0 : i32
        %dma_start3A_38 = tpu.memref_slice %arg6[%add3A_36, %dma_start3A_37] : memref<160000x128xf32, #tpu.memory_space<hbm>> -> memref<40x128xf32, #tpu.memory_space<hbm>>
        %dma_start3A_39 = arith.constant 0 : i32
        %dma_start3A_40 = tpu.memref_slice %arg6[%add3A_36, %dma_start3A_39] : memref<160000x128xf32, #tpu.memory_space<hbm>> -> memref<40x128xf32, #tpu.memory_space<hbm>>
        tpu.enqueue_dma source(%arg10 : memref<40x128xf32, #tpu.memory_space<vmem>>) target(%dma_start3A_40 : memref<40x128xf32, #tpu.memory_space<hbm>>) target_semaphore(%run_scoped3A : memref<!tpu.dma_semaphore, #tpu.memory_space<semaphore_mem>>)
        %dma_wait3A_41 = arith.constant 0 : i32
        %dma_wait3A_42 = tpu.memref_slice %arg6[%add3A_36, %dma_wait3A_41] : memref<160000x128xf32, #tpu.memory_space<hbm>> -> memref<40x128xf32, #tpu.memory_space<hbm>>
        %dma_wait3A_43 = arith.constant 0 : i32
        %dma_wait3A_44 = tpu.memref_slice %arg6[%add3A_36, %dma_wait3A_43] : memref<160000x128xf32, #tpu.memory_space<hbm>> -> memref<40x128xf32, #tpu.memory_space<hbm>>
        tpu.wait_dma2 semaphore(%run_scoped3A : memref<!tpu.dma_semaphore, #tpu.memory_space<semaphore_mem>>) src(%arg10 : memref<40x128xf32, #tpu.memory_space<vmem>>) dst(%dma_wait3A_44 : memref<40x128xf32, #tpu.memory_space<hbm>>)
        tpu.yield
      }) : () -> ()
    }
    %scan3A_7 = arith.constant 125 : i32
    return
  }
}

#map = affine_map<(d0, d1) -> (0, 0)>
#map1 = affine_map<(d0, d1) -> (0, 0, 0)>
module attributes {stable_mosaic.version = 14 : i64} {
  func.func @sc_scatter(%arg0: i32, %arg1: i32, %arg2: memref<160000x16xf32, #tpu.memory_space<hbm>>, %arg3: memref<32x125x40xi32, #tpu.memory_space<hbm>>, %arg4: memref<10112x16xf32, #tpu.memory_space<hbm>>, %arg5: memref<2x10112x16xf32, #tpu.memory_space<hbm>>, %arg6: memref<125x40xi32, #tpu.memory_space<vmem>>, %arg7: memref<2x40x16xf32, #tpu.memory_space<vmem>>, %arg8: memref<10112x16xf32, #tpu.memory_space<vmem_shared>>, %arg9: memref<!tpu.dma_semaphore, #tpu.memory_space<semaphore_mem>>) attributes {dimension_semantics = [#tpu.dimension_semantics<core_parallel>, #tpu.dimension_semantics<subcore_parallel>], iteration_bounds = array<i64: 2, 16>, scalar_prefetch = 0 : i64, scratch_operands = 4 : i64, tpu.core_type = #tpu.core_type<sc_vector_subcore>, window_params = [{transform_indices = #map}, {transform_indices = #map1}, {transform_indices = #map}, {transform_indices = #map1}]} {
    %mul3A = arith.constant 2 : i32
    %mul3A_0 = arith.muli %arg1, %mul3A : i32
    %add3A = arith.addi %mul3A_0, %arg0 : i32
    %eq3A = arith.constant 0 : i32
    %eq3A_1 = arith.cmpi eq, %arg1, %eq3A : i32
    %convert_element_type3A = arith.extui %eq3A_1 : i1 to i32
    %cond3A = arith.constant 0 : i32
    %cond3A_2 = arith.cmpi ne, %convert_element_type3A, %cond3A : i32
    scf.if %cond3A_2 {
      "tpu.region"() ({
        %run_scoped3A = tpu.sem_alloc : memref<!tpu.dma_semaphore, #tpu.memory_space<semaphore_mem>>
        tpu.enqueue_dma source(%arg4 : memref<10112x16xf32, #tpu.memory_space<hbm>>) target(%arg8 : memref<10112x16xf32, #tpu.memory_space<vmem_shared>>) target_semaphore(%run_scoped3A : memref<!tpu.dma_semaphore, #tpu.memory_space<semaphore_mem>>)
        tpu.wait_dma2 semaphore(%run_scoped3A : memref<!tpu.dma_semaphore, #tpu.memory_space<semaphore_mem>>) src(%arg4 : memref<10112x16xf32, #tpu.memory_space<hbm>>) dst(%arg8 : memref<10112x16xf32, #tpu.memory_space<vmem_shared>>)
        tpu.yield
      }) : () -> ()
    } else {
    }
    %barrier3A = arith.constant 0 : index
    tpu.barrier barrier_id(%barrier3A)
    "tpu.region"() ({
      %run_scoped3A = tpu.sem_alloc : memref<!tpu.dma_semaphore, #tpu.memory_space<semaphore_mem>>
      %dma_start3A_27 = arith.constant 0 : i32
      %dma_start3A_28 = arith.constant 0 : i32
      %dma_start3A_29 = tpu.memref_slice %arg3[%add3A, %dma_start3A_27, %dma_start3A_28] : memref<32x125x40xi32, #tpu.memory_space<hbm>> -> memref<1x125x40xi32, #tpu.memory_space<hbm>>
      %dma_start3A_30 = tpu.memref_squeeze %dma_start3A_29 : memref<1x125x40xi32, #tpu.memory_space<hbm>> -> memref<125x40xi32, #tpu.memory_space<hbm>>
      %dma_start3A_31 = arith.constant 0 : i32
      %dma_start3A_32 = arith.constant 0 : i32
      %dma_start3A_33 = tpu.memref_slice %arg3[%add3A, %dma_start3A_31, %dma_start3A_32] : memref<32x125x40xi32, #tpu.memory_space<hbm>> -> memref<1x125x40xi32, #tpu.memory_space<hbm>>
      %dma_start3A_34 = tpu.memref_squeeze %dma_start3A_33 : memref<1x125x40xi32, #tpu.memory_space<hbm>> -> memref<125x40xi32, #tpu.memory_space<hbm>>
      tpu.enqueue_dma source(%dma_start3A_34 : memref<125x40xi32, #tpu.memory_space<hbm>>) target(%arg6 : memref<125x40xi32, #tpu.memory_space<vmem>>) target_semaphore(%run_scoped3A : memref<!tpu.dma_semaphore, #tpu.memory_space<semaphore_mem>>)
      %dma_wait3A = arith.constant 0 : i32
      %dma_wait3A_35 = arith.constant 0 : i32
      %dma_wait3A_36 = tpu.memref_slice %arg3[%add3A, %dma_wait3A, %dma_wait3A_35] : memref<32x125x40xi32, #tpu.memory_space<hbm>> -> memref<1x125x40xi32, #tpu.memory_space<hbm>>
      %dma_wait3A_37 = tpu.memref_squeeze %dma_wait3A_36 : memref<1x125x40xi32, #tpu.memory_space<hbm>> -> memref<125x40xi32, #tpu.memory_space<hbm>>
      %dma_wait3A_38 = arith.constant 0 : i32
      %dma_wait3A_39 = arith.constant 0 : i32
      %dma_wait3A_40 = tpu.memref_slice %arg3[%add3A, %dma_wait3A_38, %dma_wait3A_39] : memref<32x125x40xi32, #tpu.memory_space<hbm>> -> memref<1x125x40xi32, #tpu.memory_space<hbm>>
      %dma_wait3A_41 = tpu.memref_squeeze %dma_wait3A_40 : memref<1x125x40xi32, #tpu.memory_space<hbm>> -> memref<125x40xi32, #tpu.memory_space<hbm>>
      tpu.wait_dma2 semaphore(%run_scoped3A : memref<!tpu.dma_semaphore, #tpu.memory_space<semaphore_mem>>) src(%dma_wait3A_41 : memref<125x40xi32, #tpu.memory_space<hbm>>) dst(%arg6 : memref<125x40xi32, #tpu.memory_space<vmem>>)
      tpu.yield
    }) : () -> ()
    %mul3A_3 = arith.constant 5000 : i32
    %mul3A_4 = arith.muli %add3A, %mul3A_3 : i32
    %dma_start3A = arith.constant 0 : i32
    %dma_start3A_5 = arith.constant 0 : i32
    %dma_start3A_6 = arith.constant 0 : i32
    %dma_start3A_7 = tpu.memref_slice %arg7[%dma_start3A, %dma_start3A_5, %dma_start3A_6] : memref<2x40x16xf32, #tpu.memory_space<vmem>> -> memref<1x40x16xf32, #tpu.memory_space<vmem>>
    %dma_start3A_8 = tpu.memref_squeeze %dma_start3A_7 : memref<1x40x16xf32, #tpu.memory_space<vmem>> -> memref<40x16xf32, #tpu.memory_space<vmem>>
    %dma_start3A_9 = arith.constant 0 : i32
    %dma_start3A_10 = tpu.memref_slice %arg2[%mul3A_4, %dma_start3A_9] : memref<160000x16xf32, #tpu.memory_space<hbm>> -> memref<40x16xf32, #tpu.memory_space<hbm>>
    %dma_start3A_11 = arith.constant 0 : i32
    %dma_start3A_12 = arith.constant 0 : i32
    %dma_start3A_13 = tpu.memref_slice %arg7[%dma_start3A, %dma_start3A_11, %dma_start3A_12] : memref<2x40x16xf32, #tpu.memory_space<vmem>> -> memref<1x40x16xf32, #tpu.memory_space<vmem>>
    %dma_start3A_14 = tpu.memref_squeeze %dma_start3A_13 : memref<1x40x16xf32, #tpu.memory_space<vmem>> -> memref<40x16xf32, #tpu.memory_space<vmem>>
    %dma_start3A_15 = arith.constant 0 : i32
    %dma_start3A_16 = tpu.memref_slice %arg2[%mul3A_4, %dma_start3A_15] : memref<160000x16xf32, #tpu.memory_space<hbm>> -> memref<40x16xf32, #tpu.memory_space<hbm>>
    tpu.enqueue_dma source(%dma_start3A_16 : memref<40x16xf32, #tpu.memory_space<hbm>>) target(%dma_start3A_14 : memref<40x16xf32, #tpu.memory_space<vmem>>) target_semaphore(%arg9 : memref<!tpu.dma_semaphore, #tpu.memory_space<semaphore_mem>>)
    %scan3A = arith.constant 0 : i32
    %scan3A_17 = arith.constant 0 : i32
    %scan3A_18 = arith.constant 125 : i32
    %scan3A_19 = arith.addi %scan3A_17, %scan3A_18 : i32
    %scan3A_20 = arith.constant 1 : i32
    scf.for %scan3A_27 = %scan3A_17 to %scan3A_19 step %scan3A_20  : i32 {
      %add3A_28 = arith.constant 1 : i32
      %add3A_29 = arith.addi %scan3A_27, %add3A_28 : i32
      %lt3A = arith.constant 125 : i32
      %lt3A_30 = arith.cmpi slt, %add3A_29, %lt3A : i32
      %convert_element_type3A_31 = arith.extui %lt3A_30 : i1 to i32
      %cond3A_32 = arith.constant 0 : i32
      %cond3A_33 = arith.cmpi ne, %convert_element_type3A_31, %cond3A_32 : i32
      scf.if %cond3A_33 {
        %mul3A_77 = arith.constant 5000 : i32
        %mul3A_78 = arith.muli %add3A, %mul3A_77 : i32
        %add3A_79 = arith.constant 1 : i32
        %add3A_80 = arith.addi %scan3A_27, %add3A_79 : i32
        %mul3A_81 = arith.constant 40 : i32
        %mul3A_82 = arith.muli %add3A_80, %mul3A_81 : i32
        %add3A_83 = arith.addi %mul3A_78, %mul3A_82 : i32
        %add3A_84 = arith.constant 1 : i32
        %add3A_85 = arith.addi %scan3A_27, %add3A_84 : i32
        %jit3A_86 = arith.constant 2 : i32
        %eq3A_87 = arith.constant 0 : i32
        %eq3A_88 = arith.cmpi eq, %jit3A_86, %eq3A_87 : i32
        %jit3A_89 = arith.constant 1 : i32
        %select_n3A_90 = arith.select %eq3A_88, %jit3A_89, %jit3A_86 : i32
        %rem3A_91 = arith.remsi %add3A_85, %select_n3A_90 : i32
        %ne3A_92 = arith.constant 0 : i32
        %ne3A_93 = arith.cmpi ne, %rem3A_91, %ne3A_92 : i32
        %lt3A_94 = arith.constant 0 : i32
        %lt3A_95 = arith.cmpi slt, %rem3A_91, %lt3A_94 : i32
        %lt3A_96 = arith.constant 0 : i32
        %lt3A_97 = arith.cmpi slt, %select_n3A_90, %lt3A_96 : i32
        %ne3A_98 = arith.xori %lt3A_95, %lt3A_97 : i1
        %and3A_99 = arith.andi %ne3A_98, %ne3A_93 : i1
        %add3A_100 = arith.addi %rem3A_91, %select_n3A_90 : i32
        %select_n3A_101 = arith.select %and3A_99, %add3A_100, %rem3A_91 : i32
        %dma_start3A_102 = arith.constant 0 : i32
        %dma_start3A_103 = arith.constant 0 : i32
        %dma_start3A_104 = tpu.memref_slice %arg7[%select_n3A_101, %dma_start3A_102, %dma_start3A_103] : memref<2x40x16xf32, #tpu.memory_space<vmem>> -> memref<1x40x16xf32, #tpu.memory_space<vmem>>
        %dma_start3A_105 = tpu.memref_squeeze %dma_start3A_104 : memref<1x40x16xf32, #tpu.memory_space<vmem>> -> memref<40x16xf32, #tpu.memory_space<vmem>>
        %dma_start3A_106 = arith.constant 0 : i32
        %dma_start3A_107 = tpu.memref_slice %arg2[%add3A_83, %dma_start3A_106] : memref<160000x16xf32, #tpu.memory_space<hbm>> -> memref<40x16xf32, #tpu.memory_space<hbm>>
        %dma_start3A_108 = arith.constant 0 : i32
        %dma_start3A_109 = arith.constant 0 : i32
        %dma_start3A_110 = tpu.memref_slice %arg7[%select_n3A_101, %dma_start3A_108, %dma_start3A_109] : memref<2x40x16xf32, #tpu.memory_space<vmem>> -> memref<1x40x16xf32, #tpu.memory_space<vmem>>
        %dma_start3A_111 = tpu.memref_squeeze %dma_start3A_110 : memref<1x40x16xf32, #tpu.memory_space<vmem>> -> memref<40x16xf32, #tpu.memory_space<vmem>>
        %dma_start3A_112 = arith.constant 0 : i32
        %dma_start3A_113 = tpu.memref_slice %arg2[%add3A_83, %dma_start3A_112] : memref<160000x16xf32, #tpu.memory_space<hbm>> -> memref<40x16xf32, #tpu.memory_space<hbm>>
        tpu.enqueue_dma source(%dma_start3A_113 : memref<40x16xf32, #tpu.memory_space<hbm>>) target(%dma_start3A_111 : memref<40x16xf32, #tpu.memory_space<vmem>>) target_semaphore(%arg9 : memref<!tpu.dma_semaphore, #tpu.memory_space<semaphore_mem>>)
      } else {
      }
      %mul3A_34 = arith.constant 5000 : i32
      %mul3A_35 = arith.muli %add3A, %mul3A_34 : i32
      %mul3A_36 = arith.constant 40 : i32
      %mul3A_37 = arith.muli %scan3A_27, %mul3A_36 : i32
      %add3A_38 = arith.addi %mul3A_35, %mul3A_37 : i32
      %jit3A = arith.constant 2 : i32
      %eq3A_39 = arith.constant 0 : i32
      %eq3A_40 = arith.cmpi eq, %jit3A, %eq3A_39 : i32
      %jit3A_41 = arith.constant 1 : i32
      %select_n3A = arith.select %eq3A_40, %jit3A_41, %jit3A : i32
      %rem3A = arith.remsi %scan3A_27, %select_n3A : i32
      %ne3A = arith.constant 0 : i32
      %ne3A_42 = arith.cmpi ne, %rem3A, %ne3A : i32
      %lt3A_43 = arith.constant 0 : i32
      %lt3A_44 = arith.cmpi slt, %rem3A, %lt3A_43 : i32
      %lt3A_45 = arith.constant 0 : i32
      %lt3A_46 = arith.cmpi slt, %select_n3A, %lt3A_45 : i32
      %ne3A_47 = arith.xori %lt3A_44, %lt3A_46 : i1
      %and3A = arith.andi %ne3A_47, %ne3A_42 : i1
      %add3A_48 = arith.addi %rem3A, %select_n3A : i32
      %select_n3A_49 = arith.select %and3A, %add3A_48, %rem3A : i32
      %dma_wait3A = arith.constant 0 : i32
      %dma_wait3A_50 = arith.constant 0 : i32
      %dma_wait3A_51 = tpu.memref_slice %arg7[%select_n3A_49, %dma_wait3A, %dma_wait3A_50] : memref<2x40x16xf32, #tpu.memory_space<vmem>> -> memref<1x40x16xf32, #tpu.memory_space<vmem>>
      %dma_wait3A_52 = tpu.memref_squeeze %dma_wait3A_51 : memref<1x40x16xf32, #tpu.memory_space<vmem>> -> memref<40x16xf32, #tpu.memory_space<vmem>>
      %dma_wait3A_53 = arith.constant 0 : i32
      %dma_wait3A_54 = tpu.memref_slice %arg2[%add3A_38, %dma_wait3A_53] : memref<160000x16xf32, #tpu.memory_space<hbm>> -> memref<40x16xf32, #tpu.memory_space<hbm>>
      %dma_wait3A_55 = arith.constant 0 : i32
      %dma_wait3A_56 = arith.constant 0 : i32
      %dma_wait3A_57 = tpu.memref_slice %arg7[%select_n3A_49, %dma_wait3A_55, %dma_wait3A_56] : memref<2x40x16xf32, #tpu.memory_space<vmem>> -> memref<1x40x16xf32, #tpu.memory_space<vmem>>
      %dma_wait3A_58 = tpu.memref_squeeze %dma_wait3A_57 : memref<1x40x16xf32, #tpu.memory_space<vmem>> -> memref<40x16xf32, #tpu.memory_space<vmem>>
      %dma_wait3A_59 = arith.constant 0 : i32
      %dma_wait3A_60 = tpu.memref_slice %arg2[%add3A_38, %dma_wait3A_59] : memref<160000x16xf32, #tpu.memory_space<hbm>> -> memref<40x16xf32, #tpu.memory_space<hbm>>
      tpu.wait_dma2 semaphore(%arg9 : memref<!tpu.dma_semaphore, #tpu.memory_space<semaphore_mem>>) src(%dma_wait3A_60 : memref<40x16xf32, #tpu.memory_space<hbm>>) dst(%dma_wait3A_58 : memref<40x16xf32, #tpu.memory_space<vmem>>)
      %jit3A_61 = arith.constant 2 : i32
      %eq3A_62 = arith.constant 0 : i32
      %eq3A_63 = arith.cmpi eq, %jit3A_61, %eq3A_62 : i32
      %jit3A_64 = arith.constant 1 : i32
      %select_n3A_65 = arith.select %eq3A_63, %jit3A_64, %jit3A_61 : i32
      %rem3A_66 = arith.remsi %scan3A_27, %select_n3A_65 : i32
      %ne3A_67 = arith.constant 0 : i32
      %ne3A_68 = arith.cmpi ne, %rem3A_66, %ne3A_67 : i32
      %lt3A_69 = arith.constant 0 : i32
      %lt3A_70 = arith.cmpi slt, %rem3A_66, %lt3A_69 : i32
      %lt3A_71 = arith.constant 0 : i32
      %lt3A_72 = arith.cmpi slt, %select_n3A_65, %lt3A_71 : i32
      %ne3A_73 = arith.xori %lt3A_70, %lt3A_72 : i1
      %and3A_74 = arith.andi %ne3A_73, %ne3A_68 : i1
      %add3A_75 = arith.addi %rem3A_66, %select_n3A_65 : i32
      %select_n3A_76 = arith.select %and3A_74, %add3A_75, %rem3A_66 : i32
      "tpu.region"() ({
        %run_scoped3A = tpu.sem_alloc : memref<!tpu.dma_semaphore, #tpu.memory_space<semaphore_mem>>
        %dma_start3A_77 = arith.constant 0 : i32
        %dma_start3A_78 = arith.constant 0 : i32
        %dma_start3A_79 = tpu.memref_slice %arg7[%select_n3A_76, %dma_start3A_77, %dma_start3A_78] : memref<2x40x16xf32, #tpu.memory_space<vmem>> -> memref<1x40x16xf32, #tpu.memory_space<vmem>>
        %dma_start3A_80 = tpu.memref_squeeze %dma_start3A_79 : memref<1x40x16xf32, #tpu.memory_space<vmem>> -> memref<40x16xf32, #tpu.memory_space<vmem>>
        %dma_start3A_81 = arith.constant 0 : i32
        %dma_start3A_82 = tpu.memref_slice %arg6[%scan3A_27, %dma_start3A_81] : memref<125x40xi32, #tpu.memory_space<vmem>> -> memref<1x40xi32, #tpu.memory_space<vmem>>
        %dma_start3A_83 = tpu.memref_squeeze %dma_start3A_82 : memref<1x40xi32, #tpu.memory_space<vmem>> -> memref<40xi32, #tpu.memory_space<vmem>>
        %dma_start3A_84 = arith.constant 0 : i32
        %dma_start3A_85 = arith.constant 0 : i32
        %dma_start3A_86 = tpu.memref_slice %arg8[%dma_start3A_84, %dma_start3A_85] : memref<10112x16xf32, #tpu.memory_space<vmem_shared>> -> memref<10112x16xf32, #tpu.memory_space<vmem_shared>>
        tpu.enqueue_indirect_dma source(%dma_start3A_80 : memref<40x16xf32, #tpu.memory_space<vmem>>) target(%dma_start3A_86 : memref<10112x16xf32, #tpu.memory_space<vmem_shared>>) offsets(%dma_start3A_83 : memref<40xi32, #tpu.memory_space<vmem>>) semaphore(%run_scoped3A : memref<!tpu.dma_semaphore, #tpu.memory_space<semaphore_mem>>) {add = true}
        %dma_wait3A_87 = arith.constant 0 : i32
        %dma_wait3A_88 = arith.constant 0 : i32
        %dma_wait3A_89 = tpu.memref_slice %arg7[%select_n3A_76, %dma_wait3A_87, %dma_wait3A_88] : memref<2x40x16xf32, #tpu.memory_space<vmem>> -> memref<1x40x16xf32, #tpu.memory_space<vmem>>
        %dma_wait3A_90 = tpu.memref_squeeze %dma_wait3A_89 : memref<1x40x16xf32, #tpu.memory_space<vmem>> -> memref<40x16xf32, #tpu.memory_space<vmem>>
        %dma_wait3A_91 = arith.constant 0 : i32
        %dma_wait3A_92 = tpu.memref_slice %arg6[%scan3A_27, %dma_wait3A_91] : memref<125x40xi32, #tpu.memory_space<vmem>> -> memref<1x40xi32, #tpu.memory_space<vmem>>
        %dma_wait3A_93 = tpu.memref_squeeze %dma_wait3A_92 : memref<1x40xi32, #tpu.memory_space<vmem>> -> memref<40xi32, #tpu.memory_space<vmem>>
        %dma_wait3A_94 = arith.constant 0 : i32
        %dma_wait3A_95 = arith.constant 0 : i32
        %dma_wait3A_96 = tpu.memref_slice %arg8[%dma_wait3A_94, %dma_wait3A_95] : memref<10112x16xf32, #tpu.memory_space<vmem_shared>> -> memref<10112x16xf32, #tpu.memory_space<vmem_shared>>
        tpu.wait_indirect_dma semaphore(%run_scoped3A : memref<!tpu.dma_semaphore, #tpu.memory_space<semaphore_mem>>) src(%dma_wait3A_90 : memref<40x16xf32, #tpu.memory_space<vmem>>) dst(%dma_wait3A_96 : memref<10112x16xf32, #tpu.memory_space<vmem_shared>>)
        tpu.yield
      }) : () -> ()
    }
    %scan3A_21 = arith.constant 125 : i32
    %barrier3A_22 = arith.constant 0 : index
    tpu.barrier barrier_id(%barrier3A_22)
    %mul3A_23 = arith.constant 632 : i32
    %mul3A_24 = arith.muli %arg1, %mul3A_23 : i32
    %mul3A_25 = arith.constant 632 : i32
    %mul3A_26 = arith.muli %arg1, %mul3A_25 : i32
    "tpu.region"() ({
      %run_scoped3A = tpu.sem_alloc : memref<!tpu.dma_semaphore, #tpu.memory_space<semaphore_mem>>
      %dma_start3A_27 = arith.constant 0 : i32
      %dma_start3A_28 = tpu.memref_slice %arg5[%arg0, %mul3A_26, %dma_start3A_27] : memref<2x10112x16xf32, #tpu.memory_space<hbm>> -> memref<1x632x16xf32, #tpu.memory_space<hbm>>
      %dma_start3A_29 = tpu.memref_squeeze %dma_start3A_28 : memref<1x632x16xf32, #tpu.memory_space<hbm>> -> memref<632x16xf32, #tpu.memory_space<hbm>>
      %dma_start3A_30 = arith.constant 0 : i32
      %dma_start3A_31 = tpu.memref_slice %arg8[%mul3A_24, %dma_start3A_30] : memref<10112x16xf32, #tpu.memory_space<vmem_shared>> -> memref<632x16xf32, #tpu.memory_space<vmem_shared>>
      tpu.enqueue_dma source(%dma_start3A_31 : memref<632x16xf32, #tpu.memory_space<vmem_shared>>) target(%dma_start3A_29 : memref<632x16xf32, #tpu.memory_space<hbm>>) target_semaphore(%run_scoped3A : memref<!tpu.dma_semaphore, #tpu.memory_space<semaphore_mem>>)
      %dma_wait3A = arith.constant 0 : i32
      %dma_wait3A_32 = tpu.memref_slice %arg5[%arg0, %mul3A_26, %dma_wait3A] : memref<2x10112x16xf32, #tpu.memory_space<hbm>> -> memref<1x632x16xf32, #tpu.memory_space<hbm>>
      %dma_wait3A_33 = tpu.memref_squeeze %dma_wait3A_32 : memref<1x632x16xf32, #tpu.memory_space<hbm>> -> memref<632x16xf32, #tpu.memory_space<hbm>>
      %dma_wait3A_34 = arith.constant 0 : i32
      %dma_wait3A_35 = tpu.memref_slice %arg8[%mul3A_24, %dma_wait3A_34] : memref<10112x16xf32, #tpu.memory_space<vmem_shared>> -> memref<632x16xf32, #tpu.memory_space<vmem_shared>>
      tpu.wait_dma2 semaphore(%run_scoped3A : memref<!tpu.dma_semaphore, #tpu.memory_space<semaphore_mem>>) src(%dma_wait3A_35 : memref<632x16xf32, #tpu.memory_space<vmem_shared>>) dst(%dma_wait3A_33 : memref<632x16xf32, #tpu.memory_space<hbm>>)
      tpu.yield
    }) : () -> ()
    return
  }
}

#map = affine_map<(d0, d1) -> (0, 0)>
#map1 = affine_map<(d0, d1) -> (0, 0, 0)>
module attributes {stable_mosaic.version = 14 : i64} {
  func.func @sc_gcn(%arg0: i32, %arg1: i32, %arg2: memref<10000x32xf32, #tpu.memory_space<hbm>>, %arg3: memref<32x125x40xi32, #tpu.memory_space<hbm>>, %arg4: memref<32x125x40xi32, #tpu.memory_space<hbm>>, %arg5: memref<10112x32xf32, #tpu.memory_space<hbm>>, %arg6: memref<2x10112x32xf32, #tpu.memory_space<hbm>>, %arg7: memref<125x40xi32, #tpu.memory_space<vmem>>, %arg8: memref<125x40xi32, #tpu.memory_space<vmem>>, %arg9: memref<2x40x32xf32, #tpu.memory_space<vmem>>, %arg10: memref<10112x32xf32, #tpu.memory_space<vmem_shared>>, %arg11: memref<!tpu.dma_semaphore, #tpu.memory_space<semaphore_mem>>) attributes {dimension_semantics = [#tpu.dimension_semantics<core_parallel>, #tpu.dimension_semantics<subcore_parallel>], iteration_bounds = array<i64: 2, 16>, scalar_prefetch = 0 : i64, scratch_operands = 5 : i64, tpu.core_type = #tpu.core_type<sc_vector_subcore>, window_params = [{transform_indices = #map}, {transform_indices = #map1}, {transform_indices = #map1}, {transform_indices = #map}, {transform_indices = #map1}]} {
    %mul3A = arith.constant 2 : i32
    %mul3A_0 = arith.muli %arg1, %mul3A : i32
    %add3A = arith.addi %mul3A_0, %arg0 : i32
    %eq3A = arith.constant 0 : i32
    %eq3A_1 = arith.cmpi eq, %arg1, %eq3A : i32
    %convert_element_type3A = arith.extui %eq3A_1 : i1 to i32
    %cond3A = arith.constant 0 : i32
    %cond3A_2 = arith.cmpi ne, %convert_element_type3A, %cond3A : i32
    scf.if %cond3A_2 {
      "tpu.region"() ({
        %run_scoped3A = tpu.sem_alloc : memref<!tpu.dma_semaphore, #tpu.memory_space<semaphore_mem>>
        tpu.enqueue_dma source(%arg5 : memref<10112x32xf32, #tpu.memory_space<hbm>>) target(%arg10 : memref<10112x32xf32, #tpu.memory_space<vmem_shared>>) target_semaphore(%run_scoped3A : memref<!tpu.dma_semaphore, #tpu.memory_space<semaphore_mem>>)
        tpu.wait_dma2 semaphore(%run_scoped3A : memref<!tpu.dma_semaphore, #tpu.memory_space<semaphore_mem>>) src(%arg5 : memref<10112x32xf32, #tpu.memory_space<hbm>>) dst(%arg10 : memref<10112x32xf32, #tpu.memory_space<vmem_shared>>)
        tpu.yield
      }) : () -> ()
    } else {
    }
    %barrier3A = arith.constant 0 : index
    tpu.barrier barrier_id(%barrier3A)
    "tpu.region"() ({
      %run_scoped3A = tpu.sem_alloc : memref<!tpu.dma_semaphore, #tpu.memory_space<semaphore_mem>>
      %dma_start3A_24 = arith.constant 0 : i32
      %dma_start3A_25 = arith.constant 0 : i32
      %dma_start3A_26 = tpu.memref_slice %arg3[%add3A, %dma_start3A_24, %dma_start3A_25] : memref<32x125x40xi32, #tpu.memory_space<hbm>> -> memref<1x125x40xi32, #tpu.memory_space<hbm>>
      %dma_start3A_27 = tpu.memref_squeeze %dma_start3A_26 : memref<1x125x40xi32, #tpu.memory_space<hbm>> -> memref<125x40xi32, #tpu.memory_space<hbm>>
      %dma_start3A_28 = arith.constant 0 : i32
      %dma_start3A_29 = arith.constant 0 : i32
      %dma_start3A_30 = tpu.memref_slice %arg3[%add3A, %dma_start3A_28, %dma_start3A_29] : memref<32x125x40xi32, #tpu.memory_space<hbm>> -> memref<1x125x40xi32, #tpu.memory_space<hbm>>
      %dma_start3A_31 = tpu.memref_squeeze %dma_start3A_30 : memref<1x125x40xi32, #tpu.memory_space<hbm>> -> memref<125x40xi32, #tpu.memory_space<hbm>>
      tpu.enqueue_dma source(%dma_start3A_31 : memref<125x40xi32, #tpu.memory_space<hbm>>) target(%arg7 : memref<125x40xi32, #tpu.memory_space<vmem>>) target_semaphore(%run_scoped3A : memref<!tpu.dma_semaphore, #tpu.memory_space<semaphore_mem>>)
      %dma_wait3A = arith.constant 0 : i32
      %dma_wait3A_32 = arith.constant 0 : i32
      %dma_wait3A_33 = tpu.memref_slice %arg3[%add3A, %dma_wait3A, %dma_wait3A_32] : memref<32x125x40xi32, #tpu.memory_space<hbm>> -> memref<1x125x40xi32, #tpu.memory_space<hbm>>
      %dma_wait3A_34 = tpu.memref_squeeze %dma_wait3A_33 : memref<1x125x40xi32, #tpu.memory_space<hbm>> -> memref<125x40xi32, #tpu.memory_space<hbm>>
      %dma_wait3A_35 = arith.constant 0 : i32
      %dma_wait3A_36 = arith.constant 0 : i32
      %dma_wait3A_37 = tpu.memref_slice %arg3[%add3A, %dma_wait3A_35, %dma_wait3A_36] : memref<32x125x40xi32, #tpu.memory_space<hbm>> -> memref<1x125x40xi32, #tpu.memory_space<hbm>>
      %dma_wait3A_38 = tpu.memref_squeeze %dma_wait3A_37 : memref<1x125x40xi32, #tpu.memory_space<hbm>> -> memref<125x40xi32, #tpu.memory_space<hbm>>
      tpu.wait_dma2 semaphore(%run_scoped3A : memref<!tpu.dma_semaphore, #tpu.memory_space<semaphore_mem>>) src(%dma_wait3A_38 : memref<125x40xi32, #tpu.memory_space<hbm>>) dst(%arg7 : memref<125x40xi32, #tpu.memory_space<vmem>>)
      tpu.yield
    }) : () -> ()
    "tpu.region"() ({
      %run_scoped3A = tpu.sem_alloc : memref<!tpu.dma_semaphore, #tpu.memory_space<semaphore_mem>>
      %dma_start3A_24 = arith.constant 0 : i32
      %dma_start3A_25 = arith.constant 0 : i32
      %dma_start3A_26 = tpu.memref_slice %arg4[%add3A, %dma_start3A_24, %dma_start3A_25] : memref<32x125x40xi32, #tpu.memory_space<hbm>> -> memref<1x125x40xi32, #tpu.memory_space<hbm>>
      %dma_start3A_27 = tpu.memref_squeeze %dma_start3A_26 : memref<1x125x40xi32, #tpu.memory_space<hbm>> -> memref<125x40xi32, #tpu.memory_space<hbm>>
      %dma_start3A_28 = arith.constant 0 : i32
      %dma_start3A_29 = arith.constant 0 : i32
      %dma_start3A_30 = tpu.memref_slice %arg4[%add3A, %dma_start3A_28, %dma_start3A_29] : memref<32x125x40xi32, #tpu.memory_space<hbm>> -> memref<1x125x40xi32, #tpu.memory_space<hbm>>
      %dma_start3A_31 = tpu.memref_squeeze %dma_start3A_30 : memref<1x125x40xi32, #tpu.memory_space<hbm>> -> memref<125x40xi32, #tpu.memory_space<hbm>>
      tpu.enqueue_dma source(%dma_start3A_31 : memref<125x40xi32, #tpu.memory_space<hbm>>) target(%arg8 : memref<125x40xi32, #tpu.memory_space<vmem>>) target_semaphore(%run_scoped3A : memref<!tpu.dma_semaphore, #tpu.memory_space<semaphore_mem>>)
      %dma_wait3A = arith.constant 0 : i32
      %dma_wait3A_32 = arith.constant 0 : i32
      %dma_wait3A_33 = tpu.memref_slice %arg4[%add3A, %dma_wait3A, %dma_wait3A_32] : memref<32x125x40xi32, #tpu.memory_space<hbm>> -> memref<1x125x40xi32, #tpu.memory_space<hbm>>
      %dma_wait3A_34 = tpu.memref_squeeze %dma_wait3A_33 : memref<1x125x40xi32, #tpu.memory_space<hbm>> -> memref<125x40xi32, #tpu.memory_space<hbm>>
      %dma_wait3A_35 = arith.constant 0 : i32
      %dma_wait3A_36 = arith.constant 0 : i32
      %dma_wait3A_37 = tpu.memref_slice %arg4[%add3A, %dma_wait3A_35, %dma_wait3A_36] : memref<32x125x40xi32, #tpu.memory_space<hbm>> -> memref<1x125x40xi32, #tpu.memory_space<hbm>>
      %dma_wait3A_38 = tpu.memref_squeeze %dma_wait3A_37 : memref<1x125x40xi32, #tpu.memory_space<hbm>> -> memref<125x40xi32, #tpu.memory_space<hbm>>
      tpu.wait_dma2 semaphore(%run_scoped3A : memref<!tpu.dma_semaphore, #tpu.memory_space<semaphore_mem>>) src(%dma_wait3A_38 : memref<125x40xi32, #tpu.memory_space<hbm>>) dst(%arg8 : memref<125x40xi32, #tpu.memory_space<vmem>>)
      tpu.yield
    }) : () -> ()
    %dma_start3A = arith.constant 0 : i32
    %dma_start3A_3 = arith.constant 0 : i32
    %dma_start3A_4 = arith.constant 0 : i32
    %dma_start3A_5 = arith.constant 0 : i32
    %dma_start3A_6 = tpu.memref_slice %arg9[%dma_start3A_3, %dma_start3A_4, %dma_start3A_5] : memref<2x40x32xf32, #tpu.memory_space<vmem>> -> memref<1x40x32xf32, #tpu.memory_space<vmem>>
    %dma_start3A_7 = tpu.memref_squeeze %dma_start3A_6 : memref<1x40x32xf32, #tpu.memory_space<vmem>> -> memref<40x32xf32, #tpu.memory_space<vmem>>
    %dma_start3A_8 = arith.constant 0 : i32
    %dma_start3A_9 = tpu.memref_slice %arg7[%dma_start3A, %dma_start3A_8] : memref<125x40xi32, #tpu.memory_space<vmem>> -> memref<1x40xi32, #tpu.memory_space<vmem>>
    %dma_start3A_10 = tpu.memref_squeeze %dma_start3A_9 : memref<1x40xi32, #tpu.memory_space<vmem>> -> memref<40xi32, #tpu.memory_space<vmem>>
    %dma_start3A_11 = arith.constant 0 : i32
    %dma_start3A_12 = arith.constant 0 : i32
    %dma_start3A_13 = tpu.memref_slice %arg2[%dma_start3A_11, %dma_start3A_12] : memref<10000x32xf32, #tpu.memory_space<hbm>> -> memref<10000x32xf32, #tpu.memory_space<hbm>>
    tpu.enqueue_indirect_dma source(%dma_start3A_13 : memref<10000x32xf32, #tpu.memory_space<hbm>>) target(%dma_start3A_7 : memref<40x32xf32, #tpu.memory_space<vmem>>) offsets(%dma_start3A_10 : memref<40xi32, #tpu.memory_space<vmem>>) semaphore(%arg11 : memref<!tpu.dma_semaphore, #tpu.memory_space<semaphore_mem>>)
    %scan3A = arith.constant 0 : i32
    %scan3A_14 = arith.constant 0 : i32
    %scan3A_15 = arith.constant 125 : i32
    %scan3A_16 = arith.addi %scan3A_14, %scan3A_15 : i32
    %scan3A_17 = arith.constant 1 : i32
    scf.for %scan3A_24 = %scan3A_14 to %scan3A_16 step %scan3A_17  : i32 {
      %add3A_25 = arith.constant 1 : i32
      %add3A_26 = arith.addi %scan3A_24, %add3A_25 : i32
      %lt3A = arith.constant 125 : i32
      %lt3A_27 = arith.cmpi slt, %add3A_26, %lt3A : i32
      %convert_element_type3A_28 = arith.extui %lt3A_27 : i1 to i32
      %cond3A_29 = arith.constant 0 : i32
      %cond3A_30 = arith.cmpi ne, %convert_element_type3A_28, %cond3A_29 : i32
      scf.if %cond3A_30 {
        %add3A_67 = arith.constant 1 : i32
        %add3A_68 = arith.addi %scan3A_24, %add3A_67 : i32
        %add3A_69 = arith.constant 1 : i32
        %add3A_70 = arith.addi %scan3A_24, %add3A_69 : i32
        %jit3A_71 = arith.constant 2 : i32
        %eq3A_72 = arith.constant 0 : i32
        %eq3A_73 = arith.cmpi eq, %jit3A_71, %eq3A_72 : i32
        %jit3A_74 = arith.constant 1 : i32
        %select_n3A_75 = arith.select %eq3A_73, %jit3A_74, %jit3A_71 : i32
        %rem3A_76 = arith.remsi %add3A_70, %select_n3A_75 : i32
        %ne3A_77 = arith.constant 0 : i32
        %ne3A_78 = arith.cmpi ne, %rem3A_76, %ne3A_77 : i32
        %lt3A_79 = arith.constant 0 : i32
        %lt3A_80 = arith.cmpi slt, %rem3A_76, %lt3A_79 : i32
        %lt3A_81 = arith.constant 0 : i32
        %lt3A_82 = arith.cmpi slt, %select_n3A_75, %lt3A_81 : i32
        %ne3A_83 = arith.xori %lt3A_80, %lt3A_82 : i1
        %and3A_84 = arith.andi %ne3A_83, %ne3A_78 : i1
        %add3A_85 = arith.addi %rem3A_76, %select_n3A_75 : i32
        %select_n3A_86 = arith.select %and3A_84, %add3A_85, %rem3A_76 : i32
        %dma_start3A_87 = arith.constant 0 : i32
        %dma_start3A_88 = arith.constant 0 : i32
        %dma_start3A_89 = tpu.memref_slice %arg9[%select_n3A_86, %dma_start3A_87, %dma_start3A_88] : memref<2x40x32xf32, #tpu.memory_space<vmem>> -> memref<1x40x32xf32, #tpu.memory_space<vmem>>
        %dma_start3A_90 = tpu.memref_squeeze %dma_start3A_89 : memref<1x40x32xf32, #tpu.memory_space<vmem>> -> memref<40x32xf32, #tpu.memory_space<vmem>>
        %dma_start3A_91 = arith.constant 0 : i32
        %dma_start3A_92 = tpu.memref_slice %arg7[%add3A_68, %dma_start3A_91] : memref<125x40xi32, #tpu.memory_space<vmem>> -> memref<1x40xi32, #tpu.memory_space<vmem>>
        %dma_start3A_93 = tpu.memref_squeeze %dma_start3A_92 : memref<1x40xi32, #tpu.memory_space<vmem>> -> memref<40xi32, #tpu.memory_space<vmem>>
        %dma_start3A_94 = arith.constant 0 : i32
        %dma_start3A_95 = arith.constant 0 : i32
        %dma_start3A_96 = tpu.memref_slice %arg2[%dma_start3A_94, %dma_start3A_95] : memref<10000x32xf32, #tpu.memory_space<hbm>> -> memref<10000x32xf32, #tpu.memory_space<hbm>>
        tpu.enqueue_indirect_dma source(%dma_start3A_96 : memref<10000x32xf32, #tpu.memory_space<hbm>>) target(%dma_start3A_90 : memref<40x32xf32, #tpu.memory_space<vmem>>) offsets(%dma_start3A_93 : memref<40xi32, #tpu.memory_space<vmem>>) semaphore(%arg11 : memref<!tpu.dma_semaphore, #tpu.memory_space<semaphore_mem>>)
      } else {
      }
      %jit3A = arith.constant 2 : i32
      %eq3A_31 = arith.constant 0 : i32
      %eq3A_32 = arith.cmpi eq, %jit3A, %eq3A_31 : i32
      %jit3A_33 = arith.constant 1 : i32
      %select_n3A = arith.select %eq3A_32, %jit3A_33, %jit3A : i32
      %rem3A = arith.remsi %scan3A_24, %select_n3A : i32
      %ne3A = arith.constant 0 : i32
      %ne3A_34 = arith.cmpi ne, %rem3A, %ne3A : i32
      %lt3A_35 = arith.constant 0 : i32
      %lt3A_36 = arith.cmpi slt, %rem3A, %lt3A_35 : i32
      %lt3A_37 = arith.constant 0 : i32
      %lt3A_38 = arith.cmpi slt, %select_n3A, %lt3A_37 : i32
      %ne3A_39 = arith.xori %lt3A_36, %lt3A_38 : i1
      %and3A = arith.andi %ne3A_39, %ne3A_34 : i1
      %add3A_40 = arith.addi %rem3A, %select_n3A : i32
      %select_n3A_41 = arith.select %and3A, %add3A_40, %rem3A : i32
      %dma_wait3A = arith.constant 0 : i32
      %dma_wait3A_42 = arith.constant 0 : i32
      %dma_wait3A_43 = tpu.memref_slice %arg9[%select_n3A_41, %dma_wait3A, %dma_wait3A_42] : memref<2x40x32xf32, #tpu.memory_space<vmem>> -> memref<1x40x32xf32, #tpu.memory_space<vmem>>
      %dma_wait3A_44 = tpu.memref_squeeze %dma_wait3A_43 : memref<1x40x32xf32, #tpu.memory_space<vmem>> -> memref<40x32xf32, #tpu.memory_space<vmem>>
      %dma_wait3A_45 = arith.constant 0 : i32
      %dma_wait3A_46 = tpu.memref_slice %arg7[%scan3A_24, %dma_wait3A_45] : memref<125x40xi32, #tpu.memory_space<vmem>> -> memref<1x40xi32, #tpu.memory_space<vmem>>
      %dma_wait3A_47 = tpu.memref_squeeze %dma_wait3A_46 : memref<1x40xi32, #tpu.memory_space<vmem>> -> memref<40xi32, #tpu.memory_space<vmem>>
      %dma_wait3A_48 = arith.constant 0 : i32
      %dma_wait3A_49 = arith.constant 0 : i32
      %dma_wait3A_50 = tpu.memref_slice %arg2[%dma_wait3A_48, %dma_wait3A_49] : memref<10000x32xf32, #tpu.memory_space<hbm>> -> memref<10000x32xf32, #tpu.memory_space<hbm>>
      tpu.wait_indirect_dma semaphore(%arg11 : memref<!tpu.dma_semaphore, #tpu.memory_space<semaphore_mem>>) src(%dma_wait3A_50 : memref<10000x32xf32, #tpu.memory_space<hbm>>) dst(%dma_wait3A_44 : memref<40x32xf32, #tpu.memory_space<vmem>>)
      %jit3A_51 = arith.constant 2 : i32
      %eq3A_52 = arith.constant 0 : i32
      %eq3A_53 = arith.cmpi eq, %jit3A_51, %eq3A_52 : i32
      %jit3A_54 = arith.constant 1 : i32
      %select_n3A_55 = arith.select %eq3A_53, %jit3A_54, %jit3A_51 : i32
      %rem3A_56 = arith.remsi %scan3A_24, %select_n3A_55 : i32
      %ne3A_57 = arith.constant 0 : i32
      %ne3A_58 = arith.cmpi ne, %rem3A_56, %ne3A_57 : i32
      %lt3A_59 = arith.constant 0 : i32
      %lt3A_60 = arith.cmpi slt, %rem3A_56, %lt3A_59 : i32
      %lt3A_61 = arith.constant 0 : i32
      %lt3A_62 = arith.cmpi slt, %select_n3A_55, %lt3A_61 : i32
      %ne3A_63 = arith.xori %lt3A_60, %lt3A_62 : i1
      %and3A_64 = arith.andi %ne3A_63, %ne3A_58 : i1
      %add3A_65 = arith.addi %rem3A_56, %select_n3A_55 : i32
      %select_n3A_66 = arith.select %and3A_64, %add3A_65, %rem3A_56 : i32
      "tpu.region"() ({
        %run_scoped3A = tpu.sem_alloc : memref<!tpu.dma_semaphore, #tpu.memory_space<semaphore_mem>>
        %dma_start3A_67 = arith.constant 0 : i32
        %dma_start3A_68 = arith.constant 0 : i32
        %dma_start3A_69 = tpu.memref_slice %arg9[%select_n3A_66, %dma_start3A_67, %dma_start3A_68] : memref<2x40x32xf32, #tpu.memory_space<vmem>> -> memref<1x40x32xf32, #tpu.memory_space<vmem>>
        %dma_start3A_70 = tpu.memref_squeeze %dma_start3A_69 : memref<1x40x32xf32, #tpu.memory_space<vmem>> -> memref<40x32xf32, #tpu.memory_space<vmem>>
        %dma_start3A_71 = arith.constant 0 : i32
        %dma_start3A_72 = tpu.memref_slice %arg8[%scan3A_24, %dma_start3A_71] : memref<125x40xi32, #tpu.memory_space<vmem>> -> memref<1x40xi32, #tpu.memory_space<vmem>>
        %dma_start3A_73 = tpu.memref_squeeze %dma_start3A_72 : memref<1x40xi32, #tpu.memory_space<vmem>> -> memref<40xi32, #tpu.memory_space<vmem>>
        %dma_start3A_74 = arith.constant 0 : i32
        %dma_start3A_75 = arith.constant 0 : i32
        %dma_start3A_76 = tpu.memref_slice %arg10[%dma_start3A_74, %dma_start3A_75] : memref<10112x32xf32, #tpu.memory_space<vmem_shared>> -> memref<10112x32xf32, #tpu.memory_space<vmem_shared>>
        tpu.enqueue_indirect_dma source(%dma_start3A_70 : memref<40x32xf32, #tpu.memory_space<vmem>>) target(%dma_start3A_76 : memref<10112x32xf32, #tpu.memory_space<vmem_shared>>) offsets(%dma_start3A_73 : memref<40xi32, #tpu.memory_space<vmem>>) semaphore(%run_scoped3A : memref<!tpu.dma_semaphore, #tpu.memory_space<semaphore_mem>>) {add = true}
        %dma_wait3A_77 = arith.constant 0 : i32
        %dma_wait3A_78 = arith.constant 0 : i32
        %dma_wait3A_79 = tpu.memref_slice %arg9[%select_n3A_66, %dma_wait3A_77, %dma_wait3A_78] : memref<2x40x32xf32, #tpu.memory_space<vmem>> -> memref<1x40x32xf32, #tpu.memory_space<vmem>>
        %dma_wait3A_80 = tpu.memref_squeeze %dma_wait3A_79 : memref<1x40x32xf32, #tpu.memory_space<vmem>> -> memref<40x32xf32, #tpu.memory_space<vmem>>
        %dma_wait3A_81 = arith.constant 0 : i32
        %dma_wait3A_82 = tpu.memref_slice %arg8[%scan3A_24, %dma_wait3A_81] : memref<125x40xi32, #tpu.memory_space<vmem>> -> memref<1x40xi32, #tpu.memory_space<vmem>>
        %dma_wait3A_83 = tpu.memref_squeeze %dma_wait3A_82 : memref<1x40xi32, #tpu.memory_space<vmem>> -> memref<40xi32, #tpu.memory_space<vmem>>
        %dma_wait3A_84 = arith.constant 0 : i32
        %dma_wait3A_85 = arith.constant 0 : i32
        %dma_wait3A_86 = tpu.memref_slice %arg10[%dma_wait3A_84, %dma_wait3A_85] : memref<10112x32xf32, #tpu.memory_space<vmem_shared>> -> memref<10112x32xf32, #tpu.memory_space<vmem_shared>>
        tpu.wait_indirect_dma semaphore(%run_scoped3A : memref<!tpu.dma_semaphore, #tpu.memory_space<semaphore_mem>>) src(%dma_wait3A_80 : memref<40x32xf32, #tpu.memory_space<vmem>>) dst(%dma_wait3A_86 : memref<10112x32xf32, #tpu.memory_space<vmem_shared>>)
        tpu.yield
      }) : () -> ()
    }
    %scan3A_18 = arith.constant 125 : i32
    %barrier3A_19 = arith.constant 0 : index
    tpu.barrier barrier_id(%barrier3A_19)
    %mul3A_20 = arith.constant 632 : i32
    %mul3A_21 = arith.muli %arg1, %mul3A_20 : i32
    %mul3A_22 = arith.constant 632 : i32
    %mul3A_23 = arith.muli %arg1, %mul3A_22 : i32
    "tpu.region"() ({
      %run_scoped3A = tpu.sem_alloc : memref<!tpu.dma_semaphore, #tpu.memory_space<semaphore_mem>>
      %dma_start3A_24 = arith.constant 0 : i32
      %dma_start3A_25 = tpu.memref_slice %arg6[%arg0, %mul3A_23, %dma_start3A_24] : memref<2x10112x32xf32, #tpu.memory_space<hbm>> -> memref<1x632x32xf32, #tpu.memory_space<hbm>>
      %dma_start3A_26 = tpu.memref_squeeze %dma_start3A_25 : memref<1x632x32xf32, #tpu.memory_space<hbm>> -> memref<632x32xf32, #tpu.memory_space<hbm>>
      %dma_start3A_27 = arith.constant 0 : i32
      %dma_start3A_28 = tpu.memref_slice %arg10[%mul3A_21, %dma_start3A_27] : memref<10112x32xf32, #tpu.memory_space<vmem_shared>> -> memref<632x32xf32, #tpu.memory_space<vmem_shared>>
      tpu.enqueue_dma source(%dma_start3A_28 : memref<632x32xf32, #tpu.memory_space<vmem_shared>>) target(%dma_start3A_26 : memref<632x32xf32, #tpu.memory_space<hbm>>) target_semaphore(%run_scoped3A : memref<!tpu.dma_semaphore, #tpu.memory_space<semaphore_mem>>)
      %dma_wait3A = arith.constant 0 : i32
      %dma_wait3A_29 = tpu.memref_slice %arg6[%arg0, %mul3A_23, %dma_wait3A] : memref<2x10112x32xf32, #tpu.memory_space<hbm>> -> memref<1x632x32xf32, #tpu.memory_space<hbm>>
      %dma_wait3A_30 = tpu.memref_squeeze %dma_wait3A_29 : memref<1x632x32xf32, #tpu.memory_space<hbm>> -> memref<632x32xf32, #tpu.memory_space<hbm>>
      %dma_wait3A_31 = arith.constant 0 : i32
      %dma_wait3A_32 = tpu.memref_slice %arg10[%mul3A_21, %dma_wait3A_31] : memref<10112x32xf32, #tpu.memory_space<vmem_shared>> -> memref<632x32xf32, #tpu.memory_space<vmem_shared>>
      tpu.wait_dma2 semaphore(%run_scoped3A : memref<!tpu.dma_semaphore, #tpu.memory_space<semaphore_mem>>) src(%dma_wait3A_32 : memref<632x32xf32, #tpu.memory_space<vmem_shared>>) dst(%dma_wait3A_30 : memref<632x32xf32, #tpu.memory_space<hbm>>)
      tpu.yield
    }) : () -> ()
    return
  }
}

#map = affine_map<(d0, d1) -> (0, 0)>
#map1 = affine_map<(d0, d1) -> (0, 0, 0)>
module attributes {stable_mosaic.version = 14 : i64} {
  func.func @sc_gcn(%arg0: i32, %arg1: i32, %arg2: memref<10000x16xf32, #tpu.memory_space<hbm>>, %arg3: memref<32x125x40xi32, #tpu.memory_space<hbm>>, %arg4: memref<32x125x40xi32, #tpu.memory_space<hbm>>, %arg5: memref<10112x16xf32, #tpu.memory_space<hbm>>, %arg6: memref<2x10112x16xf32, #tpu.memory_space<hbm>>, %arg7: memref<125x40xi32, #tpu.memory_space<vmem>>, %arg8: memref<125x40xi32, #tpu.memory_space<vmem>>, %arg9: memref<2x40x16xf32, #tpu.memory_space<vmem>>, %arg10: memref<10112x16xf32, #tpu.memory_space<vmem_shared>>, %arg11: memref<!tpu.dma_semaphore, #tpu.memory_space<semaphore_mem>>) attributes {dimension_semantics = [#tpu.dimension_semantics<core_parallel>, #tpu.dimension_semantics<subcore_parallel>], iteration_bounds = array<i64: 2, 16>, scalar_prefetch = 0 : i64, scratch_operands = 5 : i64, tpu.core_type = #tpu.core_type<sc_vector_subcore>, window_params = [{transform_indices = #map}, {transform_indices = #map1}, {transform_indices = #map1}, {transform_indices = #map}, {transform_indices = #map1}]} {
    %mul3A = arith.constant 2 : i32
    %mul3A_0 = arith.muli %arg1, %mul3A : i32
    %add3A = arith.addi %mul3A_0, %arg0 : i32
    %eq3A = arith.constant 0 : i32
    %eq3A_1 = arith.cmpi eq, %arg1, %eq3A : i32
    %convert_element_type3A = arith.extui %eq3A_1 : i1 to i32
    %cond3A = arith.constant 0 : i32
    %cond3A_2 = arith.cmpi ne, %convert_element_type3A, %cond3A : i32
    scf.if %cond3A_2 {
      "tpu.region"() ({
        %run_scoped3A = tpu.sem_alloc : memref<!tpu.dma_semaphore, #tpu.memory_space<semaphore_mem>>
        tpu.enqueue_dma source(%arg5 : memref<10112x16xf32, #tpu.memory_space<hbm>>) target(%arg10 : memref<10112x16xf32, #tpu.memory_space<vmem_shared>>) target_semaphore(%run_scoped3A : memref<!tpu.dma_semaphore, #tpu.memory_space<semaphore_mem>>)
        tpu.wait_dma2 semaphore(%run_scoped3A : memref<!tpu.dma_semaphore, #tpu.memory_space<semaphore_mem>>) src(%arg5 : memref<10112x16xf32, #tpu.memory_space<hbm>>) dst(%arg10 : memref<10112x16xf32, #tpu.memory_space<vmem_shared>>)
        tpu.yield
      }) : () -> ()
    } else {
    }
    %barrier3A = arith.constant 0 : index
    tpu.barrier barrier_id(%barrier3A)
    "tpu.region"() ({
      %run_scoped3A = tpu.sem_alloc : memref<!tpu.dma_semaphore, #tpu.memory_space<semaphore_mem>>
      %dma_start3A_24 = arith.constant 0 : i32
      %dma_start3A_25 = arith.constant 0 : i32
      %dma_start3A_26 = tpu.memref_slice %arg3[%add3A, %dma_start3A_24, %dma_start3A_25] : memref<32x125x40xi32, #tpu.memory_space<hbm>> -> memref<1x125x40xi32, #tpu.memory_space<hbm>>
      %dma_start3A_27 = tpu.memref_squeeze %dma_start3A_26 : memref<1x125x40xi32, #tpu.memory_space<hbm>> -> memref<125x40xi32, #tpu.memory_space<hbm>>
      %dma_start3A_28 = arith.constant 0 : i32
      %dma_start3A_29 = arith.constant 0 : i32
      %dma_start3A_30 = tpu.memref_slice %arg3[%add3A, %dma_start3A_28, %dma_start3A_29] : memref<32x125x40xi32, #tpu.memory_space<hbm>> -> memref<1x125x40xi32, #tpu.memory_space<hbm>>
      %dma_start3A_31 = tpu.memref_squeeze %dma_start3A_30 : memref<1x125x40xi32, #tpu.memory_space<hbm>> -> memref<125x40xi32, #tpu.memory_space<hbm>>
      tpu.enqueue_dma source(%dma_start3A_31 : memref<125x40xi32, #tpu.memory_space<hbm>>) target(%arg7 : memref<125x40xi32, #tpu.memory_space<vmem>>) target_semaphore(%run_scoped3A : memref<!tpu.dma_semaphore, #tpu.memory_space<semaphore_mem>>)
      %dma_wait3A = arith.constant 0 : i32
      %dma_wait3A_32 = arith.constant 0 : i32
      %dma_wait3A_33 = tpu.memref_slice %arg3[%add3A, %dma_wait3A, %dma_wait3A_32] : memref<32x125x40xi32, #tpu.memory_space<hbm>> -> memref<1x125x40xi32, #tpu.memory_space<hbm>>
      %dma_wait3A_34 = tpu.memref_squeeze %dma_wait3A_33 : memref<1x125x40xi32, #tpu.memory_space<hbm>> -> memref<125x40xi32, #tpu.memory_space<hbm>>
      %dma_wait3A_35 = arith.constant 0 : i32
      %dma_wait3A_36 = arith.constant 0 : i32
      %dma_wait3A_37 = tpu.memref_slice %arg3[%add3A, %dma_wait3A_35, %dma_wait3A_36] : memref<32x125x40xi32, #tpu.memory_space<hbm>> -> memref<1x125x40xi32, #tpu.memory_space<hbm>>
      %dma_wait3A_38 = tpu.memref_squeeze %dma_wait3A_37 : memref<1x125x40xi32, #tpu.memory_space<hbm>> -> memref<125x40xi32, #tpu.memory_space<hbm>>
      tpu.wait_dma2 semaphore(%run_scoped3A : memref<!tpu.dma_semaphore, #tpu.memory_space<semaphore_mem>>) src(%dma_wait3A_38 : memref<125x40xi32, #tpu.memory_space<hbm>>) dst(%arg7 : memref<125x40xi32, #tpu.memory_space<vmem>>)
      tpu.yield
    }) : () -> ()
    "tpu.region"() ({
      %run_scoped3A = tpu.sem_alloc : memref<!tpu.dma_semaphore, #tpu.memory_space<semaphore_mem>>
      %dma_start3A_24 = arith.constant 0 : i32
      %dma_start3A_25 = arith.constant 0 : i32
      %dma_start3A_26 = tpu.memref_slice %arg4[%add3A, %dma_start3A_24, %dma_start3A_25] : memref<32x125x40xi32, #tpu.memory_space<hbm>> -> memref<1x125x40xi32, #tpu.memory_space<hbm>>
      %dma_start3A_27 = tpu.memref_squeeze %dma_start3A_26 : memref<1x125x40xi32, #tpu.memory_space<hbm>> -> memref<125x40xi32, #tpu.memory_space<hbm>>
      %dma_start3A_28 = arith.constant 0 : i32
      %dma_start3A_29 = arith.constant 0 : i32
      %dma_start3A_30 = tpu.memref_slice %arg4[%add3A, %dma_start3A_28, %dma_start3A_29] : memref<32x125x40xi32, #tpu.memory_space<hbm>> -> memref<1x125x40xi32, #tpu.memory_space<hbm>>
      %dma_start3A_31 = tpu.memref_squeeze %dma_start3A_30 : memref<1x125x40xi32, #tpu.memory_space<hbm>> -> memref<125x40xi32, #tpu.memory_space<hbm>>
      tpu.enqueue_dma source(%dma_start3A_31 : memref<125x40xi32, #tpu.memory_space<hbm>>) target(%arg8 : memref<125x40xi32, #tpu.memory_space<vmem>>) target_semaphore(%run_scoped3A : memref<!tpu.dma_semaphore, #tpu.memory_space<semaphore_mem>>)
      %dma_wait3A = arith.constant 0 : i32
      %dma_wait3A_32 = arith.constant 0 : i32
      %dma_wait3A_33 = tpu.memref_slice %arg4[%add3A, %dma_wait3A, %dma_wait3A_32] : memref<32x125x40xi32, #tpu.memory_space<hbm>> -> memref<1x125x40xi32, #tpu.memory_space<hbm>>
      %dma_wait3A_34 = tpu.memref_squeeze %dma_wait3A_33 : memref<1x125x40xi32, #tpu.memory_space<hbm>> -> memref<125x40xi32, #tpu.memory_space<hbm>>
      %dma_wait3A_35 = arith.constant 0 : i32
      %dma_wait3A_36 = arith.constant 0 : i32
      %dma_wait3A_37 = tpu.memref_slice %arg4[%add3A, %dma_wait3A_35, %dma_wait3A_36] : memref<32x125x40xi32, #tpu.memory_space<hbm>> -> memref<1x125x40xi32, #tpu.memory_space<hbm>>
      %dma_wait3A_38 = tpu.memref_squeeze %dma_wait3A_37 : memref<1x125x40xi32, #tpu.memory_space<hbm>> -> memref<125x40xi32, #tpu.memory_space<hbm>>
      tpu.wait_dma2 semaphore(%run_scoped3A : memref<!tpu.dma_semaphore, #tpu.memory_space<semaphore_mem>>) src(%dma_wait3A_38 : memref<125x40xi32, #tpu.memory_space<hbm>>) dst(%arg8 : memref<125x40xi32, #tpu.memory_space<vmem>>)
      tpu.yield
    }) : () -> ()
    %dma_start3A = arith.constant 0 : i32
    %dma_start3A_3 = arith.constant 0 : i32
    %dma_start3A_4 = arith.constant 0 : i32
    %dma_start3A_5 = arith.constant 0 : i32
    %dma_start3A_6 = tpu.memref_slice %arg9[%dma_start3A_3, %dma_start3A_4, %dma_start3A_5] : memref<2x40x16xf32, #tpu.memory_space<vmem>> -> memref<1x40x16xf32, #tpu.memory_space<vmem>>
    %dma_start3A_7 = tpu.memref_squeeze %dma_start3A_6 : memref<1x40x16xf32, #tpu.memory_space<vmem>> -> memref<40x16xf32, #tpu.memory_space<vmem>>
    %dma_start3A_8 = arith.constant 0 : i32
    %dma_start3A_9 = tpu.memref_slice %arg7[%dma_start3A, %dma_start3A_8] : memref<125x40xi32, #tpu.memory_space<vmem>> -> memref<1x40xi32, #tpu.memory_space<vmem>>
    %dma_start3A_10 = tpu.memref_squeeze %dma_start3A_9 : memref<1x40xi32, #tpu.memory_space<vmem>> -> memref<40xi32, #tpu.memory_space<vmem>>
    %dma_start3A_11 = arith.constant 0 : i32
    %dma_start3A_12 = arith.constant 0 : i32
    %dma_start3A_13 = tpu.memref_slice %arg2[%dma_start3A_11, %dma_start3A_12] : memref<10000x16xf32, #tpu.memory_space<hbm>> -> memref<10000x16xf32, #tpu.memory_space<hbm>>
    tpu.enqueue_indirect_dma source(%dma_start3A_13 : memref<10000x16xf32, #tpu.memory_space<hbm>>) target(%dma_start3A_7 : memref<40x16xf32, #tpu.memory_space<vmem>>) offsets(%dma_start3A_10 : memref<40xi32, #tpu.memory_space<vmem>>) semaphore(%arg11 : memref<!tpu.dma_semaphore, #tpu.memory_space<semaphore_mem>>)
    %scan3A = arith.constant 0 : i32
    %scan3A_14 = arith.constant 0 : i32
    %scan3A_15 = arith.constant 125 : i32
    %scan3A_16 = arith.addi %scan3A_14, %scan3A_15 : i32
    %scan3A_17 = arith.constant 1 : i32
    scf.for %scan3A_24 = %scan3A_14 to %scan3A_16 step %scan3A_17  : i32 {
      %add3A_25 = arith.constant 1 : i32
      %add3A_26 = arith.addi %scan3A_24, %add3A_25 : i32
      %lt3A = arith.constant 125 : i32
      %lt3A_27 = arith.cmpi slt, %add3A_26, %lt3A : i32
      %convert_element_type3A_28 = arith.extui %lt3A_27 : i1 to i32
      %cond3A_29 = arith.constant 0 : i32
      %cond3A_30 = arith.cmpi ne, %convert_element_type3A_28, %cond3A_29 : i32
      scf.if %cond3A_30 {
        %add3A_67 = arith.constant 1 : i32
        %add3A_68 = arith.addi %scan3A_24, %add3A_67 : i32
        %add3A_69 = arith.constant 1 : i32
        %add3A_70 = arith.addi %scan3A_24, %add3A_69 : i32
        %jit3A_71 = arith.constant 2 : i32
        %eq3A_72 = arith.constant 0 : i32
        %eq3A_73 = arith.cmpi eq, %jit3A_71, %eq3A_72 : i32
        %jit3A_74 = arith.constant 1 : i32
        %select_n3A_75 = arith.select %eq3A_73, %jit3A_74, %jit3A_71 : i32
        %rem3A_76 = arith.remsi %add3A_70, %select_n3A_75 : i32
        %ne3A_77 = arith.constant 0 : i32
        %ne3A_78 = arith.cmpi ne, %rem3A_76, %ne3A_77 : i32
        %lt3A_79 = arith.constant 0 : i32
        %lt3A_80 = arith.cmpi slt, %rem3A_76, %lt3A_79 : i32
        %lt3A_81 = arith.constant 0 : i32
        %lt3A_82 = arith.cmpi slt, %select_n3A_75, %lt3A_81 : i32
        %ne3A_83 = arith.xori %lt3A_80, %lt3A_82 : i1
        %and3A_84 = arith.andi %ne3A_83, %ne3A_78 : i1
        %add3A_85 = arith.addi %rem3A_76, %select_n3A_75 : i32
        %select_n3A_86 = arith.select %and3A_84, %add3A_85, %rem3A_76 : i32
        %dma_start3A_87 = arith.constant 0 : i32
        %dma_start3A_88 = arith.constant 0 : i32
        %dma_start3A_89 = tpu.memref_slice %arg9[%select_n3A_86, %dma_start3A_87, %dma_start3A_88] : memref<2x40x16xf32, #tpu.memory_space<vmem>> -> memref<1x40x16xf32, #tpu.memory_space<vmem>>
        %dma_start3A_90 = tpu.memref_squeeze %dma_start3A_89 : memref<1x40x16xf32, #tpu.memory_space<vmem>> -> memref<40x16xf32, #tpu.memory_space<vmem>>
        %dma_start3A_91 = arith.constant 0 : i32
        %dma_start3A_92 = tpu.memref_slice %arg7[%add3A_68, %dma_start3A_91] : memref<125x40xi32, #tpu.memory_space<vmem>> -> memref<1x40xi32, #tpu.memory_space<vmem>>
        %dma_start3A_93 = tpu.memref_squeeze %dma_start3A_92 : memref<1x40xi32, #tpu.memory_space<vmem>> -> memref<40xi32, #tpu.memory_space<vmem>>
        %dma_start3A_94 = arith.constant 0 : i32
        %dma_start3A_95 = arith.constant 0 : i32
        %dma_start3A_96 = tpu.memref_slice %arg2[%dma_start3A_94, %dma_start3A_95] : memref<10000x16xf32, #tpu.memory_space<hbm>> -> memref<10000x16xf32, #tpu.memory_space<hbm>>
        tpu.enqueue_indirect_dma source(%dma_start3A_96 : memref<10000x16xf32, #tpu.memory_space<hbm>>) target(%dma_start3A_90 : memref<40x16xf32, #tpu.memory_space<vmem>>) offsets(%dma_start3A_93 : memref<40xi32, #tpu.memory_space<vmem>>) semaphore(%arg11 : memref<!tpu.dma_semaphore, #tpu.memory_space<semaphore_mem>>)
      } else {
      }
      %jit3A = arith.constant 2 : i32
      %eq3A_31 = arith.constant 0 : i32
      %eq3A_32 = arith.cmpi eq, %jit3A, %eq3A_31 : i32
      %jit3A_33 = arith.constant 1 : i32
      %select_n3A = arith.select %eq3A_32, %jit3A_33, %jit3A : i32
      %rem3A = arith.remsi %scan3A_24, %select_n3A : i32
      %ne3A = arith.constant 0 : i32
      %ne3A_34 = arith.cmpi ne, %rem3A, %ne3A : i32
      %lt3A_35 = arith.constant 0 : i32
      %lt3A_36 = arith.cmpi slt, %rem3A, %lt3A_35 : i32
      %lt3A_37 = arith.constant 0 : i32
      %lt3A_38 = arith.cmpi slt, %select_n3A, %lt3A_37 : i32
      %ne3A_39 = arith.xori %lt3A_36, %lt3A_38 : i1
      %and3A = arith.andi %ne3A_39, %ne3A_34 : i1
      %add3A_40 = arith.addi %rem3A, %select_n3A : i32
      %select_n3A_41 = arith.select %and3A, %add3A_40, %rem3A : i32
      %dma_wait3A = arith.constant 0 : i32
      %dma_wait3A_42 = arith.constant 0 : i32
      %dma_wait3A_43 = tpu.memref_slice %arg9[%select_n3A_41, %dma_wait3A, %dma_wait3A_42] : memref<2x40x16xf32, #tpu.memory_space<vmem>> -> memref<1x40x16xf32, #tpu.memory_space<vmem>>
      %dma_wait3A_44 = tpu.memref_squeeze %dma_wait3A_43 : memref<1x40x16xf32, #tpu.memory_space<vmem>> -> memref<40x16xf32, #tpu.memory_space<vmem>>
      %dma_wait3A_45 = arith.constant 0 : i32
      %dma_wait3A_46 = tpu.memref_slice %arg7[%scan3A_24, %dma_wait3A_45] : memref<125x40xi32, #tpu.memory_space<vmem>> -> memref<1x40xi32, #tpu.memory_space<vmem>>
      %dma_wait3A_47 = tpu.memref_squeeze %dma_wait3A_46 : memref<1x40xi32, #tpu.memory_space<vmem>> -> memref<40xi32, #tpu.memory_space<vmem>>
      %dma_wait3A_48 = arith.constant 0 : i32
      %dma_wait3A_49 = arith.constant 0 : i32
      %dma_wait3A_50 = tpu.memref_slice %arg2[%dma_wait3A_48, %dma_wait3A_49] : memref<10000x16xf32, #tpu.memory_space<hbm>> -> memref<10000x16xf32, #tpu.memory_space<hbm>>
      tpu.wait_indirect_dma semaphore(%arg11 : memref<!tpu.dma_semaphore, #tpu.memory_space<semaphore_mem>>) src(%dma_wait3A_50 : memref<10000x16xf32, #tpu.memory_space<hbm>>) dst(%dma_wait3A_44 : memref<40x16xf32, #tpu.memory_space<vmem>>)
      %jit3A_51 = arith.constant 2 : i32
      %eq3A_52 = arith.constant 0 : i32
      %eq3A_53 = arith.cmpi eq, %jit3A_51, %eq3A_52 : i32
      %jit3A_54 = arith.constant 1 : i32
      %select_n3A_55 = arith.select %eq3A_53, %jit3A_54, %jit3A_51 : i32
      %rem3A_56 = arith.remsi %scan3A_24, %select_n3A_55 : i32
      %ne3A_57 = arith.constant 0 : i32
      %ne3A_58 = arith.cmpi ne, %rem3A_56, %ne3A_57 : i32
      %lt3A_59 = arith.constant 0 : i32
      %lt3A_60 = arith.cmpi slt, %rem3A_56, %lt3A_59 : i32
      %lt3A_61 = arith.constant 0 : i32
      %lt3A_62 = arith.cmpi slt, %select_n3A_55, %lt3A_61 : i32
      %ne3A_63 = arith.xori %lt3A_60, %lt3A_62 : i1
      %and3A_64 = arith.andi %ne3A_63, %ne3A_58 : i1
      %add3A_65 = arith.addi %rem3A_56, %select_n3A_55 : i32
      %select_n3A_66 = arith.select %and3A_64, %add3A_65, %rem3A_56 : i32
      "tpu.region"() ({
        %run_scoped3A = tpu.sem_alloc : memref<!tpu.dma_semaphore, #tpu.memory_space<semaphore_mem>>
        %dma_start3A_67 = arith.constant 0 : i32
        %dma_start3A_68 = arith.constant 0 : i32
        %dma_start3A_69 = tpu.memref_slice %arg9[%select_n3A_66, %dma_start3A_67, %dma_start3A_68] : memref<2x40x16xf32, #tpu.memory_space<vmem>> -> memref<1x40x16xf32, #tpu.memory_space<vmem>>
        %dma_start3A_70 = tpu.memref_squeeze %dma_start3A_69 : memref<1x40x16xf32, #tpu.memory_space<vmem>> -> memref<40x16xf32, #tpu.memory_space<vmem>>
        %dma_start3A_71 = arith.constant 0 : i32
        %dma_start3A_72 = tpu.memref_slice %arg8[%scan3A_24, %dma_start3A_71] : memref<125x40xi32, #tpu.memory_space<vmem>> -> memref<1x40xi32, #tpu.memory_space<vmem>>
        %dma_start3A_73 = tpu.memref_squeeze %dma_start3A_72 : memref<1x40xi32, #tpu.memory_space<vmem>> -> memref<40xi32, #tpu.memory_space<vmem>>
        %dma_start3A_74 = arith.constant 0 : i32
        %dma_start3A_75 = arith.constant 0 : i32
        %dma_start3A_76 = tpu.memref_slice %arg10[%dma_start3A_74, %dma_start3A_75] : memref<10112x16xf32, #tpu.memory_space<vmem_shared>> -> memref<10112x16xf32, #tpu.memory_space<vmem_shared>>
        tpu.enqueue_indirect_dma source(%dma_start3A_70 : memref<40x16xf32, #tpu.memory_space<vmem>>) target(%dma_start3A_76 : memref<10112x16xf32, #tpu.memory_space<vmem_shared>>) offsets(%dma_start3A_73 : memref<40xi32, #tpu.memory_space<vmem>>) semaphore(%run_scoped3A : memref<!tpu.dma_semaphore, #tpu.memory_space<semaphore_mem>>) {add = true}
        %dma_wait3A_77 = arith.constant 0 : i32
        %dma_wait3A_78 = arith.constant 0 : i32
        %dma_wait3A_79 = tpu.memref_slice %arg9[%select_n3A_66, %dma_wait3A_77, %dma_wait3A_78] : memref<2x40x16xf32, #tpu.memory_space<vmem>> -> memref<1x40x16xf32, #tpu.memory_space<vmem>>
        %dma_wait3A_80 = tpu.memref_squeeze %dma_wait3A_79 : memref<1x40x16xf32, #tpu.memory_space<vmem>> -> memref<40x16xf32, #tpu.memory_space<vmem>>
        %dma_wait3A_81 = arith.constant 0 : i32
        %dma_wait3A_82 = tpu.memref_slice %arg8[%scan3A_24, %dma_wait3A_81] : memref<125x40xi32, #tpu.memory_space<vmem>> -> memref<1x40xi32, #tpu.memory_space<vmem>>
        %dma_wait3A_83 = tpu.memref_squeeze %dma_wait3A_82 : memref<1x40xi32, #tpu.memory_space<vmem>> -> memref<40xi32, #tpu.memory_space<vmem>>
        %dma_wait3A_84 = arith.constant 0 : i32
        %dma_wait3A_85 = arith.constant 0 : i32
        %dma_wait3A_86 = tpu.memref_slice %arg10[%dma_wait3A_84, %dma_wait3A_85] : memref<10112x16xf32, #tpu.memory_space<vmem_shared>> -> memref<10112x16xf32, #tpu.memory_space<vmem_shared>>
        tpu.wait_indirect_dma semaphore(%run_scoped3A : memref<!tpu.dma_semaphore, #tpu.memory_space<semaphore_mem>>) src(%dma_wait3A_80 : memref<40x16xf32, #tpu.memory_space<vmem>>) dst(%dma_wait3A_86 : memref<10112x16xf32, #tpu.memory_space<vmem_shared>>)
        tpu.yield
      }) : () -> ()
    }
    %scan3A_18 = arith.constant 125 : i32
    %barrier3A_19 = arith.constant 0 : index
    tpu.barrier barrier_id(%barrier3A_19)
    %mul3A_20 = arith.constant 632 : i32
    %mul3A_21 = arith.muli %arg1, %mul3A_20 : i32
    %mul3A_22 = arith.constant 632 : i32
    %mul3A_23 = arith.muli %arg1, %mul3A_22 : i32
    "tpu.region"() ({
      %run_scoped3A = tpu.sem_alloc : memref<!tpu.dma_semaphore, #tpu.memory_space<semaphore_mem>>
      %dma_start3A_24 = arith.constant 0 : i32
      %dma_start3A_25 = tpu.memref_slice %arg6[%arg0, %mul3A_23, %dma_start3A_24] : memref<2x10112x16xf32, #tpu.memory_space<hbm>> -> memref<1x632x16xf32, #tpu.memory_space<hbm>>
      %dma_start3A_26 = tpu.memref_squeeze %dma_start3A_25 : memref<1x632x16xf32, #tpu.memory_space<hbm>> -> memref<632x16xf32, #tpu.memory_space<hbm>>
      %dma_start3A_27 = arith.constant 0 : i32
      %dma_start3A_28 = tpu.memref_slice %arg10[%mul3A_21, %dma_start3A_27] : memref<10112x16xf32, #tpu.memory_space<vmem_shared>> -> memref<632x16xf32, #tpu.memory_space<vmem_shared>>
      tpu.enqueue_dma source(%dma_start3A_28 : memref<632x16xf32, #tpu.memory_space<vmem_shared>>) target(%dma_start3A_26 : memref<632x16xf32, #tpu.memory_space<hbm>>) target_semaphore(%run_scoped3A : memref<!tpu.dma_semaphore, #tpu.memory_space<semaphore_mem>>)
      %dma_wait3A = arith.constant 0 : i32
      %dma_wait3A_29 = tpu.memref_slice %arg6[%arg0, %mul3A_23, %dma_wait3A] : memref<2x10112x16xf32, #tpu.memory_space<hbm>> -> memref<1x632x16xf32, #tpu.memory_space<hbm>>
      %dma_wait3A_30 = tpu.memref_squeeze %dma_wait3A_29 : memref<1x632x16xf32, #tpu.memory_space<hbm>> -> memref<632x16xf32, #tpu.memory_space<hbm>>
      %dma_wait3A_31 = arith.constant 0 : i32
      %dma_wait3A_32 = tpu.memref_slice %arg10[%mul3A_21, %dma_wait3A_31] : memref<10112x16xf32, #tpu.memory_space<vmem_shared>> -> memref<632x16xf32, #tpu.memory_space<vmem_shared>>
      tpu.wait_dma2 semaphore(%run_scoped3A : memref<!tpu.dma_semaphore, #tpu.memory_space<semaphore_mem>>) src(%dma_wait3A_32 : memref<632x16xf32, #tpu.memory_space<vmem_shared>>) dst(%dma_wait3A_30 : memref<632x16xf32, #tpu.memory_space<hbm>>)
      tpu.yield
    }) : () -> ()
    return
  }
}

module attributes {stable_mosaic.version = 14 : i64} {
  func.func @_tc_edge_body(%arg0: i32, %arg1: memref<2000x128xf32, #tpu.memory_space<vmem>>, %arg2: memref<2000x128xf32, #tpu.memory_space<vmem>>, %arg3: memref<128x16xf32, #tpu.memory_space<vmem>>, %arg4: memref<8x16xf32, #tpu.memory_space<vmem>>, %arg5: memref<16x16xf32, #tpu.memory_space<vmem>>, %arg6: memref<16x16xf32, #tpu.memory_space<vmem>>, %arg7: memref<128x272xf32, #tpu.memory_space<vmem>>, %arg8: memref<1x16xf32, #tpu.memory_space<vmem>>, %arg9: memref<1x16xf32, #tpu.memory_space<vmem>>, %arg10: memref<1x16xf32, #tpu.memory_space<vmem>>, %arg11: memref<2000x16xf32, #tpu.memory_space<vmem>>, %arg12: memref<2000x16xf32, #tpu.memory_space<vmem>>) attributes {dimension_semantics = [#tpu.dimension_semantics<arbitrary>], iteration_bounds = array<i64: 80>, scalar_prefetch = 0 : i64, scratch_operands = 0 : i64, tpu.core_type = #tpu.core_type<tc>, window_params = [{transform_indices = @transform_0, window_bounds = array<i64: 2000, 128>}, {transform_indices = @transform_1, window_bounds = array<i64: 2000, 128>}, {pipeline_mode = #tpu.pipeline_mode<synchronous>, transform_indices = @transform_2, window_bounds = array<i64: 128, 16>}, {pipeline_mode = #tpu.pipeline_mode<synchronous>, transform_indices = @transform_3, window_bounds = array<i64: 8, 16>}, {pipeline_mode = #tpu.pipeline_mode<synchronous>, transform_indices = @transform_4, window_bounds = array<i64: 16, 16>}, {pipeline_mode = #tpu.pipeline_mode<synchronous>, transform_indices = @transform_5, window_bounds = array<i64: 16, 16>}, {pipeline_mode = #tpu.pipeline_mode<synchronous>, transform_indices = @transform_6, window_bounds = array<i64: 128, 272>}, {pipeline_mode = #tpu.pipeline_mode<synchronous>, transform_indices = @transform_7, window_bounds = array<i64: 1, 16>}, {pipeline_mode = #tpu.pipeline_mode<synchronous>, transform_indices = @transform_8, window_bounds = array<i64: 1, 16>}, {pipeline_mode = #tpu.pipeline_mode<synchronous>, transform_indices = @transform_9, window_bounds = array<i64: 1, 16>}, {transform_indices = @transform_10, window_bounds = array<i64: 2000, 16>}, {transform_indices = @transform_11, window_bounds = array<i64: 2000, 16>}]} {
    %get3A = arith.constant 0 : index
    %get3A_0 = arith.constant 0 : index
    %get3A_1 = vector.load %arg1[%get3A, %get3A_0] : memref<2000x128xf32, #tpu.memory_space<vmem>>, vector<2000x128xf32>
    %get3A_2 = arith.constant 0 : index
    %get3A_3 = arith.constant 0 : index
    %get3A_4 = vector.load %arg2[%get3A_2, %get3A_3] : memref<2000x128xf32, #tpu.memory_space<vmem>>, vector<2000x128xf32>
    %sub3A = arith.subf %get3A_4, %get3A_1 : vector<2000x128xf32>
    %slice3A = vector.extract_strided_slice %sub3A {offsets = [0, 0], sizes = [2000, 1], strides = [1, 1]} : vector<2000x128xf32> to vector<2000x1xf32>
    %slice3A_5 = vector.extract_strided_slice %sub3A {offsets = [0, 1], sizes = [2000, 1], strides = [1, 1]} : vector<2000x128xf32> to vector<2000x1xf32>
    %slice3A_6 = vector.extract_strided_slice %sub3A {offsets = [0, 2], sizes = [2000, 1], strides = [1, 1]} : vector<2000x128xf32> to vector<2000x1xf32>
    %mul3A = arith.mulf %slice3A, %slice3A : vector<2000x1xf32>
    %mul3A_7 = arith.mulf %slice3A_5, %slice3A_5 : vector<2000x1xf32>
    %add3A = arith.addf %mul3A, %mul3A_7 : vector<2000x1xf32>
    %mul3A_8 = arith.mulf %slice3A_6, %slice3A_6 : vector<2000x1xf32>
    %add3A_9 = arith.addf %add3A, %mul3A_8 : vector<2000x1xf32>
    %gt3A = arith.constant 0.000000e+00 : f32
    %gt3A_10 = vector.broadcast %gt3A : f32 to vector<2000x1xf32>
    %gt3A_11 = arith.cmpf ogt, %add3A_9, %gt3A_10 : vector<2000x1xf32>
    %jit3A = arith.constant 1.000000e+00 : f32
    %broadcast_in_dim3A = vector.broadcast %jit3A : f32 to vector<2000x1xf32>
    %select_n3A = arith.select %gt3A_11, %add3A_9, %broadcast_in_dim3A : vector<2000x1xi1>, vector<2000x1xf32>
    %sqrt3A = math.sqrt %select_n3A : vector<2000x1xf32>
    %jit3A_12 = arith.constant 0.000000e+00 : f32
    %broadcast_in_dim3A_13 = vector.broadcast %jit3A_12 : f32 to vector<2000x1xf32>
    %select_n3A_14 = arith.select %gt3A_11, %sqrt3A, %broadcast_in_dim3A_13 : vector<2000x1xi1>, vector<2000x1xf32>
    %gt3A_15 = arith.constant 0.000000e+00 : f32
    %gt3A_16 = vector.broadcast %gt3A_15 : f32 to vector<2000x1xf32>
    %gt3A_17 = arith.cmpf ogt, %select_n3A_14, %gt3A_16 : vector<2000x1xf32>
    %jit3A_18 = arith.constant 1.000000e+00 : f32
    %broadcast_in_dim3A_19 = vector.broadcast %jit3A_18 : f32 to vector<2000x1xf32>
    %select_n3A_20 = arith.select %gt3A_17, %select_n3A_14, %broadcast_in_dim3A_19 : vector<2000x1xi1>, vector<2000x1xf32>
    %gt3A_21 = arith.constant 0.000000e+00 : f32
    %gt3A_22 = vector.broadcast %gt3A_21 : f32 to vector<2000x1xf32>
    %gt3A_23 = arith.cmpf ogt, %select_n3A_14, %gt3A_22 : vector<2000x1xf32>
    %div3A = arith.divf %slice3A, %select_n3A_20 : vector<2000x1xf32>
    %jit3A_24 = arith.constant 0.000000e+00 : f32
    %broadcast_in_dim3A_25 = vector.broadcast %jit3A_24 : f32 to vector<2000x1xf32>
    %select_n3A_26 = arith.select %gt3A_23, %div3A, %broadcast_in_dim3A_25 : vector<2000x1xi1>, vector<2000x1xf32>
    %div3A_27 = arith.divf %slice3A_5, %select_n3A_20 : vector<2000x1xf32>
    %jit3A_28 = arith.constant 0.000000e+00 : f32
    %broadcast_in_dim3A_29 = vector.broadcast %jit3A_28 : f32 to vector<2000x1xf32>
    %select_n3A_30 = arith.select %gt3A_23, %div3A_27, %broadcast_in_dim3A_29 : vector<2000x1xi1>, vector<2000x1xf32>
    %div3A_31 = arith.divf %slice3A_6, %select_n3A_20 : vector<2000x1xf32>
    %jit3A_32 = arith.constant 0.000000e+00 : f32
    %broadcast_in_dim3A_33 = vector.broadcast %jit3A_32 : f32 to vector<2000x1xf32>
    %select_n3A_34 = arith.select %gt3A_23, %div3A_31, %broadcast_in_dim3A_33 : vector<2000x1xi1>, vector<2000x1xf32>
    %get3A_35 = arith.constant 0 : index
    %get3A_36 = arith.constant 0 : index
    %get3A_37 = vector.load %arg4[%get3A_35, %get3A_36] : memref<8x16xf32, #tpu.memory_space<vmem>>, vector<8x16xf32>
    %get3A_38 = arith.constant 0 : index
    %get3A_39 = arith.constant 0 : index
    %get3A_40 = vector.load %arg3[%get3A_38, %get3A_39] : memref<128x16xf32, #tpu.memory_space<vmem>>, vector<128x16xf32>
    %dot_general3A = arith.constant dense<0.000000e+00> : vector<2000x16xf32>
    %dot_general3A_41 = tpu.matmul %sub3A, %get3A_40, %dot_general3A {dimension_numbers = #tpu.dot_dimension_numbers<[1], [0], [0], [1], [0, 0, 1, 1], [], []>, transpose_lhs_hint = false} : vector<2000x128xf32>, vector<128x16xf32>, vector<2000x16xf32> -> vector<2000x16xf32>
    %slice3A_42 = vector.extract_strided_slice %get3A_37 {offsets = [0, 0], sizes = [1, 16], strides = [1, 1]} : vector<8x16xf32> to vector<1x16xf32>
    %mul3A_43 = vector.broadcast %select_n3A_14 : vector<2000x1xf32> to vector<2000x16xf32>
    %mul3A_44 = vector.broadcast %slice3A_42 : vector<1x16xf32> to vector<2000x16xf32>
    %mul3A_45 = arith.mulf %mul3A_43, %mul3A_44 : vector<2000x16xf32>
    %add3A_46 = arith.addf %dot_general3A_41, %mul3A_45 : vector<2000x16xf32>
    %slice3A_47 = vector.extract_strided_slice %get3A_37 {offsets = [1, 0], sizes = [1, 16], strides = [1, 1]} : vector<8x16xf32> to vector<1x16xf32>
    %mul3A_48 = vector.broadcast %select_n3A_26 : vector<2000x1xf32> to vector<2000x16xf32>
    %mul3A_49 = vector.broadcast %slice3A_47 : vector<1x16xf32> to vector<2000x16xf32>
    %mul3A_50 = arith.mulf %mul3A_48, %mul3A_49 : vector<2000x16xf32>
    %add3A_51 = arith.addf %add3A_46, %mul3A_50 : vector<2000x16xf32>
    %slice3A_52 = vector.extract_strided_slice %get3A_37 {offsets = [2, 0], sizes = [1, 16], strides = [1, 1]} : vector<8x16xf32> to vector<1x16xf32>
    %mul3A_53 = vector.broadcast %select_n3A_30 : vector<2000x1xf32> to vector<2000x16xf32>
    %mul3A_54 = vector.broadcast %slice3A_52 : vector<1x16xf32> to vector<2000x16xf32>
    %mul3A_55 = arith.mulf %mul3A_53, %mul3A_54 : vector<2000x16xf32>
    %add3A_56 = arith.addf %add3A_51, %mul3A_55 : vector<2000x16xf32>
    %slice3A_57 = vector.extract_strided_slice %get3A_37 {offsets = [3, 0], sizes = [1, 16], strides = [1, 1]} : vector<8x16xf32> to vector<1x16xf32>
    %mul3A_58 = vector.broadcast %select_n3A_34 : vector<2000x1xf32> to vector<2000x16xf32>
    %mul3A_59 = vector.broadcast %slice3A_57 : vector<1x16xf32> to vector<2000x16xf32>
    %mul3A_60 = arith.mulf %mul3A_58, %mul3A_59 : vector<2000x16xf32>
    %add3A_61 = arith.addf %add3A_56, %mul3A_60 : vector<2000x16xf32>
    %get3A_62 = arith.constant 0 : index
    %get3A_63 = arith.constant 0 : index
    %get3A_64 = vector.load %arg8[%get3A_62, %get3A_63] : memref<1x16xf32, #tpu.memory_space<vmem>>, vector<1x16xf32>
    %add3A_65 = vector.broadcast %get3A_64 : vector<1x16xf32> to vector<2000x16xf32>
    %add3A_66 = arith.addf %add3A_61, %add3A_65 : vector<2000x16xf32>
    %max3A = arith.constant 0.000000e+00 : f32
    %max3A_67 = vector.broadcast %max3A : f32 to vector<2000x16xf32>
    %max3A_68 = arith.maximumf %add3A_66, %max3A_67 : vector<2000x16xf32>
    %get3A_69 = arith.constant 0 : index
    %get3A_70 = arith.constant 0 : index
    %get3A_71 = vector.load %arg5[%get3A_69, %get3A_70] : memref<16x16xf32, #tpu.memory_space<vmem>>, vector<16x16xf32>
    %dot_general3A_72 = arith.constant dense<0.000000e+00> : vector<2000x16xf32>
    %dot_general3A_73 = tpu.matmul %max3A_68, %get3A_71, %dot_general3A_72 {dimension_numbers = #tpu.dot_dimension_numbers<[1], [0], [0], [1], [0, 0, 1, 1], [], []>, transpose_lhs_hint = false} : vector<2000x16xf32>, vector<16x16xf32>, vector<2000x16xf32> -> vector<2000x16xf32>
    %get3A_74 = arith.constant 0 : index
    %get3A_75 = arith.constant 0 : index
    %get3A_76 = vector.load %arg9[%get3A_74, %get3A_75] : memref<1x16xf32, #tpu.memory_space<vmem>>, vector<1x16xf32>
    %add3A_77 = vector.broadcast %get3A_76 : vector<1x16xf32> to vector<2000x16xf32>
    %add3A_78 = arith.addf %dot_general3A_73, %add3A_77 : vector<2000x16xf32>
    %max3A_79 = arith.constant 0.000000e+00 : f32
    %max3A_80 = vector.broadcast %max3A_79 : f32 to vector<2000x16xf32>
    %max3A_81 = arith.maximumf %add3A_78, %max3A_80 : vector<2000x16xf32>
    %get3A_82 = arith.constant 0 : index
    %get3A_83 = arith.constant 0 : index
    %get3A_84 = vector.load %arg6[%get3A_82, %get3A_83] : memref<16x16xf32, #tpu.memory_space<vmem>>, vector<16x16xf32>
    %dot_general3A_85 = arith.constant dense<0.000000e+00> : vector<2000x16xf32>
    %dot_general3A_86 = tpu.matmul %max3A_81, %get3A_84, %dot_general3A_85 {dimension_numbers = #tpu.dot_dimension_numbers<[1], [0], [0], [1], [0, 0, 1, 1], [], []>, transpose_lhs_hint = false} : vector<2000x16xf32>, vector<16x16xf32>, vector<2000x16xf32> -> vector<2000x16xf32>
    %get3A_87 = arith.constant 0 : index
    %get3A_88 = arith.constant 0 : index
    %get3A_89 = vector.load %arg10[%get3A_87, %get3A_88] : memref<1x16xf32, #tpu.memory_space<vmem>>, vector<1x16xf32>
    %add3A_90 = vector.broadcast %get3A_89 : vector<1x16xf32> to vector<2000x16xf32>
    %add3A_91 = arith.addf %dot_general3A_86, %add3A_90 : vector<2000x16xf32>
    %max3A_92 = arith.constant 0.000000e+00 : f32
    %max3A_93 = vector.broadcast %max3A_92 : f32 to vector<2000x16xf32>
    %max3A_94 = arith.maximumf %add3A_91, %max3A_93 : vector<2000x16xf32>
    %get3A_95 = arith.constant 0 : index
    %get3A_96 = arith.constant 0 : index
    %get3A_97 = vector.load %arg7[%get3A_95, %get3A_96] : memref<128x272xf32, #tpu.memory_space<vmem>>, vector<128x272xf32>
    %dot_general3A_98 = arith.constant dense<0.000000e+00> : vector<2000x272xf32>
    %dot_general3A_99 = tpu.matmul %get3A_4, %get3A_97, %dot_general3A_98 {dimension_numbers = #tpu.dot_dimension_numbers<[1], [0], [0], [1], [0, 0, 1, 1], [], []>, transpose_lhs_hint = false} : vector<2000x128xf32>, vector<128x272xf32>, vector<2000x272xf32> -> vector<2000x272xf32>
    %slice3A_100 = vector.extract_strided_slice %dot_general3A_99 {offsets = [0, 256], sizes = [2000, 16], strides = [1, 1]} : vector<2000x272xf32> to vector<2000x16xf32>
    %slice3A_101 = vector.extract_strided_slice %max3A_94 {offsets = [0, 0], sizes = [2000, 1], strides = [1, 1]} : vector<2000x16xf32> to vector<2000x1xf32>
    %slice3A_102 = vector.extract_strided_slice %dot_general3A_99 {offsets = [0, 0], sizes = [2000, 16], strides = [1, 1]} : vector<2000x272xf32> to vector<2000x16xf32>
    %mul3A_103 = vector.broadcast %slice3A_101 : vector<2000x1xf32> to vector<2000x16xf32>
    %mul3A_104 = arith.mulf %mul3A_103, %slice3A_102 : vector<2000x16xf32>
    %add3A_105 = arith.addf %slice3A_100, %mul3A_104 : vector<2000x16xf32>
    %slice3A_106 = vector.extract_strided_slice %max3A_94 {offsets = [0, 1], sizes = [2000, 1], strides = [1, 1]} : vector<2000x16xf32> to vector<2000x1xf32>
    %slice3A_107 = vector.extract_strided_slice %dot_general3A_99 {offsets = [0, 16], sizes = [2000, 16], strides = [1, 1]} : vector<2000x272xf32> to vector<2000x16xf32>
    %mul3A_108 = vector.broadcast %slice3A_106 : vector<2000x1xf32> to vector<2000x16xf32>
    %mul3A_109 = arith.mulf %mul3A_108, %slice3A_107 : vector<2000x16xf32>
    %add3A_110 = arith.addf %add3A_105, %mul3A_109 : vector<2000x16xf32>
    %slice3A_111 = vector.extract_strided_slice %max3A_94 {offsets = [0, 2], sizes = [2000, 1], strides = [1, 1]} : vector<2000x16xf32> to vector<2000x1xf32>
    %slice3A_112 = vector.extract_strided_slice %dot_general3A_99 {offsets = [0, 32], sizes = [2000, 16], strides = [1, 1]} : vector<2000x272xf32> to vector<2000x16xf32>
    %mul3A_113 = vector.broadcast %slice3A_111 : vector<2000x1xf32> to vector<2000x16xf32>
    %mul3A_114 = arith.mulf %mul3A_113, %slice3A_112 : vector<2000x16xf32>
    %add3A_115 = arith.addf %add3A_110, %mul3A_114 : vector<2000x16xf32>
    %slice3A_116 = vector.extract_strided_slice %max3A_94 {offsets = [0, 3], sizes = [2000, 1], strides = [1, 1]} : vector<2000x16xf32> to vector<2000x1xf32>
    %slice3A_117 = vector.extract_strided_slice %dot_general3A_99 {offsets = [0, 48], sizes = [2000, 16], strides = [1, 1]} : vector<2000x272xf32> to vector<2000x16xf32>
    %mul3A_118 = vector.broadcast %slice3A_116 : vector<2000x1xf32> to vector<2000x16xf32>
    %mul3A_119 = arith.mulf %mul3A_118, %slice3A_117 : vector<2000x16xf32>
    %add3A_120 = arith.addf %add3A_115, %mul3A_119 : vector<2000x16xf32>
    %slice3A_121 = vector.extract_strided_slice %max3A_94 {offsets = [0, 4], sizes = [2000, 1], strides = [1, 1]} : vector<2000x16xf32> to vector<2000x1xf32>
    %slice3A_122 = vector.extract_strided_slice %dot_general3A_99 {offsets = [0, 64], sizes = [2000, 16], strides = [1, 1]} : vector<2000x272xf32> to vector<2000x16xf32>
    %mul3A_123 = vector.broadcast %slice3A_121 : vector<2000x1xf32> to vector<2000x16xf32>
    %mul3A_124 = arith.mulf %mul3A_123, %slice3A_122 : vector<2000x16xf32>
    %add3A_125 = arith.addf %add3A_120, %mul3A_124 : vector<2000x16xf32>
    %slice3A_126 = vector.extract_strided_slice %max3A_94 {offsets = [0, 5], sizes = [2000, 1], strides = [1, 1]} : vector<2000x16xf32> to vector<2000x1xf32>
    %slice3A_127 = vector.extract_strided_slice %dot_general3A_99 {offsets = [0, 80], sizes = [2000, 16], strides = [1, 1]} : vector<2000x272xf32> to vector<2000x16xf32>
    %mul3A_128 = vector.broadcast %slice3A_126 : vector<2000x1xf32> to vector<2000x16xf32>
    %mul3A_129 = arith.mulf %mul3A_128, %slice3A_127 : vector<2000x16xf32>
    %add3A_130 = arith.addf %add3A_125, %mul3A_129 : vector<2000x16xf32>
    %slice3A_131 = vector.extract_strided_slice %max3A_94 {offsets = [0, 6], sizes = [2000, 1], strides = [1, 1]} : vector<2000x16xf32> to vector<2000x1xf32>
    %slice3A_132 = vector.extract_strided_slice %dot_general3A_99 {offsets = [0, 96], sizes = [2000, 16], strides = [1, 1]} : vector<2000x272xf32> to vector<2000x16xf32>
    %mul3A_133 = vector.broadcast %slice3A_131 : vector<2000x1xf32> to vector<2000x16xf32>
    %mul3A_134 = arith.mulf %mul3A_133, %slice3A_132 : vector<2000x16xf32>
    %add3A_135 = arith.addf %add3A_130, %mul3A_134 : vector<2000x16xf32>
    %slice3A_136 = vector.extract_strided_slice %max3A_94 {offsets = [0, 7], sizes = [2000, 1], strides = [1, 1]} : vector<2000x16xf32> to vector<2000x1xf32>
    %slice3A_137 = vector.extract_strided_slice %dot_general3A_99 {offsets = [0, 112], sizes = [2000, 16], strides = [1, 1]} : vector<2000x272xf32> to vector<2000x16xf32>
    %mul3A_138 = vector.broadcast %slice3A_136 : vector<2000x1xf32> to vector<2000x16xf32>
    %mul3A_139 = arith.mulf %mul3A_138, %slice3A_137 : vector<2000x16xf32>
    %add3A_140 = arith.addf %add3A_135, %mul3A_139 : vector<2000x16xf32>
    %slice3A_141 = vector.extract_strided_slice %max3A_94 {offsets = [0, 8], sizes = [2000, 1], strides = [1, 1]} : vector<2000x16xf32> to vector<2000x1xf32>
    %slice3A_142 = vector.extract_strided_slice %dot_general3A_99 {offsets = [0, 128], sizes = [2000, 16], strides = [1, 1]} : vector<2000x272xf32> to vector<2000x16xf32>
    %mul3A_143 = vector.broadcast %slice3A_141 : vector<2000x1xf32> to vector<2000x16xf32>
    %mul3A_144 = arith.mulf %mul3A_143, %slice3A_142 : vector<2000x16xf32>
    %add3A_145 = arith.addf %add3A_140, %mul3A_144 : vector<2000x16xf32>
    %slice3A_146 = vector.extract_strided_slice %max3A_94 {offsets = [0, 9], sizes = [2000, 1], strides = [1, 1]} : vector<2000x16xf32> to vector<2000x1xf32>
    %slice3A_147 = vector.extract_strided_slice %dot_general3A_99 {offsets = [0, 144], sizes = [2000, 16], strides = [1, 1]} : vector<2000x272xf32> to vector<2000x16xf32>
    %mul3A_148 = vector.broadcast %slice3A_146 : vector<2000x1xf32> to vector<2000x16xf32>
    %mul3A_149 = arith.mulf %mul3A_148, %slice3A_147 : vector<2000x16xf32>
    %add3A_150 = arith.addf %add3A_145, %mul3A_149 : vector<2000x16xf32>
    %slice3A_151 = vector.extract_strided_slice %max3A_94 {offsets = [0, 10], sizes = [2000, 1], strides = [1, 1]} : vector<2000x16xf32> to vector<2000x1xf32>
    %slice3A_152 = vector.extract_strided_slice %dot_general3A_99 {offsets = [0, 160], sizes = [2000, 16], strides = [1, 1]} : vector<2000x272xf32> to vector<2000x16xf32>
    %mul3A_153 = vector.broadcast %slice3A_151 : vector<2000x1xf32> to vector<2000x16xf32>
    %mul3A_154 = arith.mulf %mul3A_153, %slice3A_152 : vector<2000x16xf32>
    %add3A_155 = arith.addf %add3A_150, %mul3A_154 : vector<2000x16xf32>
    %slice3A_156 = vector.extract_strided_slice %max3A_94 {offsets = [0, 11], sizes = [2000, 1], strides = [1, 1]} : vector<2000x16xf32> to vector<2000x1xf32>
    %slice3A_157 = vector.extract_strided_slice %dot_general3A_99 {offsets = [0, 176], sizes = [2000, 16], strides = [1, 1]} : vector<2000x272xf32> to vector<2000x16xf32>
    %mul3A_158 = vector.broadcast %slice3A_156 : vector<2000x1xf32> to vector<2000x16xf32>
    %mul3A_159 = arith.mulf %mul3A_158, %slice3A_157 : vector<2000x16xf32>
    %add3A_160 = arith.addf %add3A_155, %mul3A_159 : vector<2000x16xf32>
    %slice3A_161 = vector.extract_strided_slice %max3A_94 {offsets = [0, 12], sizes = [2000, 1], strides = [1, 1]} : vector<2000x16xf32> to vector<2000x1xf32>
    %slice3A_162 = vector.extract_strided_slice %dot_general3A_99 {offsets = [0, 192], sizes = [2000, 16], strides = [1, 1]} : vector<2000x272xf32> to vector<2000x16xf32>
    %mul3A_163 = vector.broadcast %slice3A_161 : vector<2000x1xf32> to vector<2000x16xf32>
    %mul3A_164 = arith.mulf %mul3A_163, %slice3A_162 : vector<2000x16xf32>
    %add3A_165 = arith.addf %add3A_160, %mul3A_164 : vector<2000x16xf32>
    %slice3A_166 = vector.extract_strided_slice %max3A_94 {offsets = [0, 13], sizes = [2000, 1], strides = [1, 1]} : vector<2000x16xf32> to vector<2000x1xf32>
    %slice3A_167 = vector.extract_strided_slice %dot_general3A_99 {offsets = [0, 208], sizes = [2000, 16], strides = [1, 1]} : vector<2000x272xf32> to vector<2000x16xf32>
    %mul3A_168 = vector.broadcast %slice3A_166 : vector<2000x1xf32> to vector<2000x16xf32>
    %mul3A_169 = arith.mulf %mul3A_168, %slice3A_167 : vector<2000x16xf32>
    %add3A_170 = arith.addf %add3A_165, %mul3A_169 : vector<2000x16xf32>
    %slice3A_171 = vector.extract_strided_slice %max3A_94 {offsets = [0, 14], sizes = [2000, 1], strides = [1, 1]} : vector<2000x16xf32> to vector<2000x1xf32>
    %slice3A_172 = vector.extract_strided_slice %dot_general3A_99 {offsets = [0, 224], sizes = [2000, 16], strides = [1, 1]} : vector<2000x272xf32> to vector<2000x16xf32>
    %mul3A_173 = vector.broadcast %slice3A_171 : vector<2000x1xf32> to vector<2000x16xf32>
    %mul3A_174 = arith.mulf %mul3A_173, %slice3A_172 : vector<2000x16xf32>
    %add3A_175 = arith.addf %add3A_170, %mul3A_174 : vector<2000x16xf32>
    %slice3A_176 = vector.extract_strided_slice %max3A_94 {offsets = [0, 15], sizes = [2000, 1], strides = [1, 1]} : vector<2000x16xf32> to vector<2000x1xf32>
    %slice3A_177 = vector.extract_strided_slice %dot_general3A_99 {offsets = [0, 240], sizes = [2000, 16], strides = [1, 1]} : vector<2000x272xf32> to vector<2000x16xf32>
    %mul3A_178 = vector.broadcast %slice3A_176 : vector<2000x1xf32> to vector<2000x16xf32>
    %mul3A_179 = arith.mulf %mul3A_178, %slice3A_177 : vector<2000x16xf32>
    %add3A_180 = arith.addf %add3A_175, %mul3A_179 : vector<2000x16xf32>
    %slice3A_181 = vector.extract_strided_slice %sub3A {offsets = [0, 3], sizes = [2000, 1], strides = [1, 1]} : vector<2000x128xf32> to vector<2000x1xf32>
    %ge3A = arith.constant 0.000000e+00 : f32
    %ge3A_182 = vector.broadcast %ge3A : f32 to vector<2000x1xf32>
    %ge3A_183 = arith.cmpf oge, %slice3A_181, %ge3A_182 : vector<2000x1xf32>
    %convert_element_type3A = arith.extui %ge3A_183 : vector<2000x1xi1> to vector<2000x1xi32>
    %convert_element_type3A_184 = arith.sitofp %convert_element_type3A : vector<2000x1xi32> to vector<2000x1xf32>
    %mul3A_185 = vector.broadcast %convert_element_type3A_184 : vector<2000x1xf32> to vector<2000x16xf32>
    %mul3A_186 = arith.mulf %mul3A_185, %add3A_180 : vector<2000x16xf32>
    %swap3A = arith.constant 0 : index
    %swap3A_187 = arith.constant 0 : index
    %swap3A_188 = vector.load %arg11[%swap3A, %swap3A_187] : memref<2000x16xf32, #tpu.memory_space<vmem>>, vector<2000x16xf32>
    tpu.vector_store %arg11[%swap3A, %swap3A_187], %mul3A_186 {strides = array<i32>} : memref<2000x16xf32, #tpu.memory_space<vmem>>, vector<2000x16xf32>,
    %broadcast_in_dim3A_189 = vector.shape_cast %convert_element_type3A_184 : vector<2000x1xf32> to vector<2000x1xf32>
    %broadcast_in_dim3A_190 = vector.broadcast %broadcast_in_dim3A_189 : vector<2000x1xf32> to vector<2000x16xf32>
    %swap3A_191 = arith.constant 0 : index
    %swap3A_192 = arith.constant 0 : index
    %swap3A_193 = vector.load %arg12[%swap3A_191, %swap3A_192] : memref<2000x16xf32, #tpu.memory_space<vmem>>, vector<2000x16xf32>
    tpu.vector_store %arg12[%swap3A_191, %swap3A_192], %broadcast_in_dim3A_190 {strides = array<i32>} : memref<2000x16xf32, #tpu.memory_space<vmem>>, vector<2000x16xf32>,
    return
  }
  func.func @transform_0(%arg0: i32) -> (i32, i32) {
    %c0_i32 = arith.constant 0 : i32
    %c0_i32_0 = arith.constant 0 : i32
    return %arg0, %c0_i32 : i32, i32
  }
  func.func @transform_1(%arg0: i32) -> (i32, i32) {
    %c0_i32 = arith.constant 0 : i32
    %c0_i32_0 = arith.constant 0 : i32
    return %arg0, %c0_i32 : i32, i32
  }
  func.func @transform_2(%arg0: i32) -> (i32, i32) {
    %c0_i32 = arith.constant 0 : i32
    %c0_i32_0 = arith.constant 0 : i32
    %c0_i32_1 = arith.constant 0 : i32
    return %c0_i32, %c0_i32_0 : i32, i32
  }
  func.func @transform_3(%arg0: i32) -> (i32, i32) {
    %c0_i32 = arith.constant 0 : i32
    %c0_i32_0 = arith.constant 0 : i32
    %c0_i32_1 = arith.constant 0 : i32
    return %c0_i32, %c0_i32_0 : i32, i32
  }
  func.func @transform_4(%arg0: i32) -> (i32, i32) {
    %c0_i32 = arith.constant 0 : i32
    %c0_i32_0 = arith.constant 0 : i32
    %c0_i32_1 = arith.constant 0 : i32
    return %c0_i32, %c0_i32_0 : i32, i32
  }
  func.func @transform_5(%arg0: i32) -> (i32, i32) {
    %c0_i32 = arith.constant 0 : i32
    %c0_i32_0 = arith.constant 0 : i32
    %c0_i32_1 = arith.constant 0 : i32
    return %c0_i32, %c0_i32_0 : i32, i32
  }
  func.func @transform_6(%arg0: i32) -> (i32, i32) {
    %c0_i32 = arith.constant 0 : i32
    %c0_i32_0 = arith.constant 0 : i32
    %c0_i32_1 = arith.constant 0 : i32
    return %c0_i32, %c0_i32_0 : i32, i32
  }
  func.func @transform_7(%arg0: i32) -> (i32, i32) {
    %c0_i32 = arith.constant 0 : i32
    %c0_i32_0 = arith.constant 0 : i32
    %c0_i32_1 = arith.constant 0 : i32
    return %c0_i32, %c0_i32_0 : i32, i32
  }
  func.func @transform_8(%arg0: i32) -> (i32, i32) {
    %c0_i32 = arith.constant 0 : i32
    %c0_i32_0 = arith.constant 0 : i32
    %c0_i32_1 = arith.constant 0 : i32
    return %c0_i32, %c0_i32_0 : i32, i32
  }
  func.func @transform_9(%arg0: i32) -> (i32, i32) {
    %c0_i32 = arith.constant 0 : i32
    %c0_i32_0 = arith.constant 0 : i32
    %c0_i32_1 = arith.constant 0 : i32
    return %c0_i32, %c0_i32_0 : i32, i32
  }
  func.func @transform_10(%arg0: i32) -> (i32, i32) {
    %c0_i32 = arith.constant 0 : i32
    %c0_i32_0 = arith.constant 0 : i32
    return %arg0, %c0_i32 : i32, i32
  }
  func.func @transform_11(%arg0: i32) -> (i32, i32) {
    %c0_i32 = arith.constant 0 : i32
    %c0_i32_0 = arith.constant 0 : i32
    return %arg0, %c0_i32 : i32, i32
  }
}

module attributes {stable_mosaic.version = 14 : i64} {
  func.func @_tc_root_body(%arg0: memref<10112x16xf32, #tpu.memory_space<vmem>>, %arg1: memref<10112x16xf32, #tpu.memory_space<vmem>>, %arg2: memref<10000x128xf32, #tpu.memory_space<vmem>>, %arg3: memref<128x16xf32, #tpu.memory_space<vmem>>, %arg4: memref<1x16xf32, #tpu.memory_space<vmem>>, %arg5: memref<16x16xf32, #tpu.memory_space<vmem>>, %arg6: memref<10000x16xf32, #tpu.memory_space<vmem>>) attributes {dimension_semantics = [], scalar_prefetch = 0 : i64, scratch_operands = 0 : i64, tpu.core_type = #tpu.core_type<tc>} {
    %get3A = arith.constant 0 : index
    %get3A_0 = arith.constant 0 : index
    %get3A_1 = vector.load %arg0[%get3A, %get3A_0] : memref<10112x16xf32, #tpu.memory_space<vmem>>, vector<10000x16xf32>
    %get3A_2 = arith.constant 0 : index
    %get3A_3 = arith.constant 0 : index
    %get3A_4 = vector.load %arg1[%get3A_2, %get3A_3] : memref<10112x16xf32, #tpu.memory_space<vmem>>, vector<10000x16xf32>
    %add3A = arith.addf %get3A_1, %get3A_4 : vector<10000x16xf32>
    %get3A_5 = arith.constant 0 : index
    %get3A_6 = arith.constant 0 : index
    %get3A_7 = vector.load %arg2[%get3A_5, %get3A_6] : memref<10000x128xf32, #tpu.memory_space<vmem>>, vector<10000x128xf32>
    %get3A_8 = arith.constant 0 : index
    %get3A_9 = arith.constant 0 : index
    %get3A_10 = vector.load %arg3[%get3A_8, %get3A_9] : memref<128x16xf32, #tpu.memory_space<vmem>>, vector<128x16xf32>
    %dot_general3A = arith.constant dense<0.000000e+00> : vector<10000x16xf32>
    %dot_general3A_11 = tpu.matmul %get3A_7, %get3A_10, %dot_general3A {dimension_numbers = #tpu.dot_dimension_numbers<[1], [0], [0], [1], [0, 0, 1, 1], [], []>, transpose_lhs_hint = false} : vector<10000x128xf32>, vector<128x16xf32>, vector<10000x16xf32> -> vector<10000x16xf32>
    %add3A_12 = arith.addf %add3A, %dot_general3A_11 : vector<10000x16xf32>
    %get3A_13 = arith.constant 0 : index
    %get3A_14 = arith.constant 0 : index
    %get3A_15 = vector.load %arg4[%get3A_13, %get3A_14] : memref<1x16xf32, #tpu.memory_space<vmem>>, vector<1x16xf32>
    %add3A_16 = vector.broadcast %get3A_15 : vector<1x16xf32> to vector<10000x16xf32>
    %add3A_17 = arith.addf %add3A_12, %add3A_16 : vector<10000x16xf32>
    %max3A = arith.constant 0.000000e+00 : f32
    %max3A_18 = vector.broadcast %max3A : f32 to vector<10000x16xf32>
    %max3A_19 = arith.maximumf %add3A_17, %max3A_18 : vector<10000x16xf32>
    %get3A_20 = arith.constant 0 : index
    %get3A_21 = arith.constant 0 : index
    %get3A_22 = vector.load %arg5[%get3A_20, %get3A_21] : memref<16x16xf32, #tpu.memory_space<vmem>>, vector<16x16xf32>
    %dot_general3A_23 = arith.constant dense<0.000000e+00> : vector<10000x16xf32>
    %dot_general3A_24 = tpu.matmul %max3A_19, %get3A_22, %dot_general3A_23 {dimension_numbers = #tpu.dot_dimension_numbers<[1], [0], [0], [1], [0, 0, 1, 1], [], []>, transpose_lhs_hint = false} : vector<10000x16xf32>, vector<16x16xf32>, vector<10000x16xf32> -> vector<10000x16xf32>
    %swap3A = arith.constant 0 : index
    %swap3A_25 = arith.constant 0 : index
    %swap3A_26 = vector.load %arg6[%swap3A, %swap3A_25] : memref<10000x16xf32, #tpu.memory_space<vmem>>, vector<10000x16xf32>
    tpu.vector_store %arg6[%swap3A, %swap3A_25], %dot_general3A_24 {strides = array<i32>} : memref<10000x16xf32, #tpu.memory_space<vmem>>, vector<10000x16xf32>,
    return
  }
}

module attributes {stable_mosaic.version = 14 : i64} {
  func.func @_tc_gcn1_body(%arg0: memref<10112x16xf32, #tpu.memory_space<vmem>>, %arg1: memref<10112x16xf32, #tpu.memory_space<vmem>>, %arg2: memref<1x16xf32, #tpu.memory_space<vmem>>, %arg3: memref<16x32xf32, #tpu.memory_space<vmem>>, %arg4: memref<10000x32xf32, #tpu.memory_space<vmem>>) attributes {dimension_semantics = [], scalar_prefetch = 0 : i64, scratch_operands = 0 : i64, tpu.core_type = #tpu.core_type<tc>} {
    %get3A = arith.constant 0 : index
    %get3A_0 = arith.constant 0 : index
    %get3A_1 = vector.load %arg0[%get3A, %get3A_0] : memref<10112x16xf32, #tpu.memory_space<vmem>>, vector<10000x16xf32>
    %get3A_2 = arith.constant 0 : index
    %get3A_3 = arith.constant 0 : index
    %get3A_4 = vector.load %arg1[%get3A_2, %get3A_3] : memref<10112x16xf32, #tpu.memory_space<vmem>>, vector<10000x16xf32>
    %add3A = arith.addf %get3A_1, %get3A_4 : vector<10000x16xf32>
    %get3A_5 = arith.constant 0 : index
    %get3A_6 = arith.constant 0 : index
    %get3A_7 = vector.load %arg2[%get3A_5, %get3A_6] : memref<1x16xf32, #tpu.memory_space<vmem>>, vector<1x16xf32>
    %add3A_8 = vector.broadcast %get3A_7 : vector<1x16xf32> to vector<10000x16xf32>
    %add3A_9 = arith.addf %add3A, %add3A_8 : vector<10000x16xf32>
    %ge3A = arith.constant 0.000000e+00 : f32
    %ge3A_10 = vector.broadcast %ge3A : f32 to vector<10000x16xf32>
    %ge3A_11 = arith.cmpf oge, %add3A_9, %ge3A_10 : vector<10000x16xf32>
    %mul3A = arith.constant 2.000000e-01 : f32
    %mul3A_12 = vector.broadcast %mul3A : f32 to vector<10000x16xf32>
    %mul3A_13 = arith.mulf %mul3A_12, %add3A_9 : vector<10000x16xf32>
    %select_n3A = arith.select %ge3A_11, %add3A_9, %mul3A_13 : vector<10000x16xi1>, vector<10000x16xf32>
    %get3A_14 = arith.constant 0 : index
    %get3A_15 = arith.constant 0 : index
    %get3A_16 = vector.load %arg3[%get3A_14, %get3A_15] : memref<16x32xf32, #tpu.memory_space<vmem>>, vector<16x32xf32>
    %dot_general3A = arith.constant dense<0.000000e+00> : vector<10000x32xf32>
    %dot_general3A_17 = tpu.matmul %select_n3A, %get3A_16, %dot_general3A {dimension_numbers = #tpu.dot_dimension_numbers<[1], [0], [0], [1], [0, 0, 1, 1], [], []>, transpose_lhs_hint = false} : vector<10000x16xf32>, vector<16x32xf32>, vector<10000x32xf32> -> vector<10000x32xf32>
    %swap3A = arith.constant 0 : index
    %swap3A_18 = arith.constant 0 : index
    %swap3A_19 = vector.load %arg4[%swap3A, %swap3A_18] : memref<10000x32xf32, #tpu.memory_space<vmem>>, vector<10000x32xf32>
    tpu.vector_store %arg4[%swap3A, %swap3A_18], %dot_general3A_17 {strides = array<i32>} : memref<10000x32xf32, #tpu.memory_space<vmem>>, vector<10000x32xf32>,
    return
  }
}

module attributes {stable_mosaic.version = 14 : i64} {
  func.func @_tc_pool_body(%arg0: memref<10112x32xf32, #tpu.memory_space<vmem>>, %arg1: memref<10112x32xf32, #tpu.memory_space<vmem>>, %arg2: memref<1x32xf32, #tpu.memory_space<vmem>>, %arg3: memref<10000x1xi32, #tpu.memory_space<vmem>>, %arg4: memref<96x16xf32, #tpu.memory_space<vmem>>, %arg5: memref<1x16xf32, #tpu.memory_space<vmem>>, %arg6: memref<1x16xf32, #tpu.memory_space<vmem>>, %arg7: memref<1x16xf32, #tpu.memory_space<vmem>>, %arg8: memref<1x16xf32, #tpu.memory_space<vmem>>, %arg9: memref<1x16xf32, #tpu.memory_space<vmem>>, %arg10: memref<16x32xf32, #tpu.memory_space<vmem>>, %arg11: memref<1x32xf32, #tpu.memory_space<vmem>>, %arg12: memref<1x32xf32, #tpu.memory_space<vmem>>, %arg13: memref<1x32xf32, #tpu.memory_space<vmem>>, %arg14: memref<1x32xf32, #tpu.memory_space<vmem>>, %arg15: memref<1x32xf32, #tpu.memory_space<vmem>>, %arg16: memref<32x4xf32, #tpu.memory_space<vmem>>, %arg17: memref<1x4xf32, #tpu.memory_space<vmem>>, %arg18: memref<16x4xf32, #tpu.memory_space<vmem>>) attributes {dimension_semantics = [], scalar_prefetch = 0 : i64, scratch_operands = 0 : i64, tpu.core_type = #tpu.core_type<tc>} {
    %get3A = arith.constant 0 : index
    %get3A_0 = arith.constant 0 : index
    %get3A_1 = vector.load %arg0[%get3A, %get3A_0] : memref<10112x32xf32, #tpu.memory_space<vmem>>, vector<10000x32xf32>
    %get3A_2 = arith.constant 0 : index
    %get3A_3 = arith.constant 0 : index
    %get3A_4 = vector.load %arg1[%get3A_2, %get3A_3] : memref<10112x32xf32, #tpu.memory_space<vmem>>, vector<10000x32xf32>
    %add3A = arith.addf %get3A_1, %get3A_4 : vector<10000x32xf32>
    %get3A_5 = arith.constant 0 : index
    %get3A_6 = arith.constant 0 : index
    %get3A_7 = vector.load %arg2[%get3A_5, %get3A_6] : memref<1x32xf32, #tpu.memory_space<vmem>>, vector<1x32xf32>
    %add3A_8 = vector.broadcast %get3A_7 : vector<1x32xf32> to vector<10000x32xf32>
    %add3A_9 = arith.addf %add3A, %add3A_8 : vector<10000x32xf32>
    %ge3A = arith.constant 0.000000e+00 : f32
    %ge3A_10 = vector.broadcast %ge3A : f32 to vector<10000x32xf32>
    %ge3A_11 = arith.cmpf oge, %add3A_9, %ge3A_10 : vector<10000x32xf32>
    %mul3A = arith.constant 2.000000e-01 : f32
    %mul3A_12 = vector.broadcast %mul3A : f32 to vector<10000x32xf32>
    %mul3A_13 = arith.mulf %mul3A_12, %add3A_9 : vector<10000x32xf32>
    %select_n3A = arith.select %ge3A_11, %add3A_9, %mul3A_13 : vector<10000x32xi1>, vector<10000x32xf32>
    %get3A_14 = arith.constant 0 : index
    %get3A_15 = arith.constant 0 : index
    %get3A_16 = vector.load %arg3[%get3A_14, %get3A_15] : memref<10000x1xi32, #tpu.memory_space<vmem>>, vector<10000x1xi32>
    %eq3A = arith.constant 0 : i32
    %eq3A_17 = vector.broadcast %eq3A : i32 to vector<10000x1xi32>
    %eq3A_18 = arith.cmpi eq, %get3A_16, %eq3A_17 : vector<10000x1xi32>
    %jit3A = arith.constant 0xFF800000 : f32
    %broadcast_in_dim3A = vector.shape_cast %eq3A_18 : vector<10000x1xi1> to vector<10000x1xi1>
    %broadcast_in_dim3A_19 = vector.broadcast %broadcast_in_dim3A : vector<10000x1xi1> to vector<10000x32xi1>
    %broadcast_in_dim3A_20 = vector.broadcast %jit3A : f32 to vector<10000x32xf32>
    %select_n3A_21 = arith.select %broadcast_in_dim3A_19, %select_n3A, %broadcast_in_dim3A_20 : vector<10000x32xi1>, vector<10000x32xf32>
    %reduce_max3A = arith.constant dense<0xFF800000> : vector<32xf32>
    %reduce_max3A_22 = vector.multi_reduction <maximumf>, %select_n3A_21, %reduce_max3A [0] : vector<10000x32xf32> to vector<32xf32>
    %broadcast_in_dim3A_23 = vector.shape_cast %reduce_max3A_22 : vector<32xf32> to vector<1x32xf32>
    %jit3A_24 = arith.constant 0.000000e+00 : f32
    %broadcast_in_dim3A_25 = vector.shape_cast %eq3A_18 : vector<10000x1xi1> to vector<10000x1xi1>
    %broadcast_in_dim3A_26 = vector.broadcast %broadcast_in_dim3A_25 : vector<10000x1xi1> to vector<10000x32xi1>
    %broadcast_in_dim3A_27 = vector.broadcast %jit3A_24 : f32 to vector<10000x32xf32>
    %select_n3A_28 = arith.select %broadcast_in_dim3A_26, %select_n3A, %broadcast_in_dim3A_27 : vector<10000x32xi1>, vector<10000x32xf32>
    %reduce_sum3A = arith.constant dense<0.000000e+00> : vector<32xf32>
    %reduce_sum3A_29 = vector.multi_reduction <add>, %select_n3A_28, %reduce_sum3A [0] : vector<10000x32xf32> to vector<32xf32>
    %broadcast_in_dim3A_30 = vector.shape_cast %reduce_sum3A_29 : vector<32xf32> to vector<1x32xf32>
    %convert_element_type3A = arith.extui %eq3A_18 : vector<10000x1xi1> to vector<10000x1xi32>
    %convert_element_type3A_31 = arith.sitofp %convert_element_type3A : vector<10000x1xi32> to vector<10000x1xf32>
    %reduce_sum3A_32 = arith.constant dense<0.000000e+00> : vector<1xf32>
    %reduce_sum3A_33 = vector.multi_reduction <add>, %convert_element_type3A_31, %reduce_sum3A_32 [0] : vector<10000x1xf32> to vector<1xf32>
    %broadcast_in_dim3A_34 = vector.shape_cast %reduce_sum3A_33 : vector<1xf32> to vector<1x1xf32>
    %eq3A_35 = arith.constant 1 : i32
    %eq3A_36 = vector.broadcast %eq3A_35 : i32 to vector<10000x1xi32>
    %eq3A_37 = arith.cmpi eq, %get3A_16, %eq3A_36 : vector<10000x1xi32>
    %jit3A_38 = arith.constant 0xFF800000 : f32
    %broadcast_in_dim3A_39 = vector.shape_cast %eq3A_37 : vector<10000x1xi1> to vector<10000x1xi1>
    %broadcast_in_dim3A_40 = vector.broadcast %broadcast_in_dim3A_39 : vector<10000x1xi1> to vector<10000x32xi1>
    %broadcast_in_dim3A_41 = vector.broadcast %jit3A_38 : f32 to vector<10000x32xf32>
    %select_n3A_42 = arith.select %broadcast_in_dim3A_40, %select_n3A, %broadcast_in_dim3A_41 : vector<10000x32xi1>, vector<10000x32xf32>
    %reduce_max3A_43 = arith.constant dense<0xFF800000> : vector<32xf32>
    %reduce_max3A_44 = vector.multi_reduction <maximumf>, %select_n3A_42, %reduce_max3A_43 [0] : vector<10000x32xf32> to vector<32xf32>
    %broadcast_in_dim3A_45 = vector.shape_cast %reduce_max3A_44 : vector<32xf32> to vector<1x32xf32>
    %jit3A_46 = arith.constant 0.000000e+00 : f32
    %broadcast_in_dim3A_47 = vector.shape_cast %eq3A_37 : vector<10000x1xi1> to vector<10000x1xi1>
    %broadcast_in_dim3A_48 = vector.broadcast %broadcast_in_dim3A_47 : vector<10000x1xi1> to vector<10000x32xi1>
    %broadcast_in_dim3A_49 = vector.broadcast %jit3A_46 : f32 to vector<10000x32xf32>
    %select_n3A_50 = arith.select %broadcast_in_dim3A_48, %select_n3A, %broadcast_in_dim3A_49 : vector<10000x32xi1>, vector<10000x32xf32>
    %reduce_sum3A_51 = arith.constant dense<0.000000e+00> : vector<32xf32>
    %reduce_sum3A_52 = vector.multi_reduction <add>, %select_n3A_50, %reduce_sum3A_51 [0] : vector<10000x32xf32> to vector<32xf32>
    %broadcast_in_dim3A_53 = vector.shape_cast %reduce_sum3A_52 : vector<32xf32> to vector<1x32xf32>
    %convert_element_type3A_54 = arith.extui %eq3A_37 : vector<10000x1xi1> to vector<10000x1xi32>
    %convert_element_type3A_55 = arith.sitofp %convert_element_type3A_54 : vector<10000x1xi32> to vector<10000x1xf32>
    %reduce_sum3A_56 = arith.constant dense<0.000000e+00> : vector<1xf32>
    %reduce_sum3A_57 = vector.multi_reduction <add>, %convert_element_type3A_55, %reduce_sum3A_56 [0] : vector<10000x1xf32> to vector<1xf32>
    %broadcast_in_dim3A_58 = vector.shape_cast %reduce_sum3A_57 : vector<1xf32> to vector<1x1xf32>
    %eq3A_59 = arith.constant 2 : i32
    %eq3A_60 = vector.broadcast %eq3A_59 : i32 to vector<10000x1xi32>
    %eq3A_61 = arith.cmpi eq, %get3A_16, %eq3A_60 : vector<10000x1xi32>
    %jit3A_62 = arith.constant 0xFF800000 : f32
    %broadcast_in_dim3A_63 = vector.shape_cast %eq3A_61 : vector<10000x1xi1> to vector<10000x1xi1>
    %broadcast_in_dim3A_64 = vector.broadcast %broadcast_in_dim3A_63 : vector<10000x1xi1> to vector<10000x32xi1>
    %broadcast_in_dim3A_65 = vector.broadcast %jit3A_62 : f32 to vector<10000x32xf32>
    %select_n3A_66 = arith.select %broadcast_in_dim3A_64, %select_n3A, %broadcast_in_dim3A_65 : vector<10000x32xi1>, vector<10000x32xf32>
    %reduce_max3A_67 = arith.constant dense<0xFF800000> : vector<32xf32>
    %reduce_max3A_68 = vector.multi_reduction <maximumf>, %select_n3A_66, %reduce_max3A_67 [0] : vector<10000x32xf32> to vector<32xf32>
    %broadcast_in_dim3A_69 = vector.shape_cast %reduce_max3A_68 : vector<32xf32> to vector<1x32xf32>
    %jit3A_70 = arith.constant 0.000000e+00 : f32
    %broadcast_in_dim3A_71 = vector.shape_cast %eq3A_61 : vector<10000x1xi1> to vector<10000x1xi1>
    %broadcast_in_dim3A_72 = vector.broadcast %broadcast_in_dim3A_71 : vector<10000x1xi1> to vector<10000x32xi1>
    %broadcast_in_dim3A_73 = vector.broadcast %jit3A_70 : f32 to vector<10000x32xf32>
    %select_n3A_74 = arith.select %broadcast_in_dim3A_72, %select_n3A, %broadcast_in_dim3A_73 : vector<10000x32xi1>, vector<10000x32xf32>
    %reduce_sum3A_75 = arith.constant dense<0.000000e+00> : vector<32xf32>
    %reduce_sum3A_76 = vector.multi_reduction <add>, %select_n3A_74, %reduce_sum3A_75 [0] : vector<10000x32xf32> to vector<32xf32>
    %broadcast_in_dim3A_77 = vector.shape_cast %reduce_sum3A_76 : vector<32xf32> to vector<1x32xf32>
    %convert_element_type3A_78 = arith.extui %eq3A_61 : vector<10000x1xi1> to vector<10000x1xi32>
    %convert_element_type3A_79 = arith.sitofp %convert_element_type3A_78 : vector<10000x1xi32> to vector<10000x1xf32>
    %reduce_sum3A_80 = arith.constant dense<0.000000e+00> : vector<1xf32>
    %reduce_sum3A_81 = vector.multi_reduction <add>, %convert_element_type3A_79, %reduce_sum3A_80 [0] : vector<10000x1xf32> to vector<1xf32>
    %broadcast_in_dim3A_82 = vector.shape_cast %reduce_sum3A_81 : vector<1xf32> to vector<1x1xf32>
    %eq3A_83 = arith.constant 3 : i32
    %eq3A_84 = vector.broadcast %eq3A_83 : i32 to vector<10000x1xi32>
    %eq3A_85 = arith.cmpi eq, %get3A_16, %eq3A_84 : vector<10000x1xi32>
    %jit3A_86 = arith.constant 0xFF800000 : f32
    %broadcast_in_dim3A_87 = vector.shape_cast %eq3A_85 : vector<10000x1xi1> to vector<10000x1xi1>
    %broadcast_in_dim3A_88 = vector.broadcast %broadcast_in_dim3A_87 : vector<10000x1xi1> to vector<10000x32xi1>
    %broadcast_in_dim3A_89 = vector.broadcast %jit3A_86 : f32 to vector<10000x32xf32>
    %select_n3A_90 = arith.select %broadcast_in_dim3A_88, %select_n3A, %broadcast_in_dim3A_89 : vector<10000x32xi1>, vector<10000x32xf32>
    %reduce_max3A_91 = arith.constant dense<0xFF800000> : vector<32xf32>
    %reduce_max3A_92 = vector.multi_reduction <maximumf>, %select_n3A_90, %reduce_max3A_91 [0] : vector<10000x32xf32> to vector<32xf32>
    %broadcast_in_dim3A_93 = vector.shape_cast %reduce_max3A_92 : vector<32xf32> to vector<1x32xf32>
    %jit3A_94 = arith.constant 0.000000e+00 : f32
    %broadcast_in_dim3A_95 = vector.shape_cast %eq3A_85 : vector<10000x1xi1> to vector<10000x1xi1>
    %broadcast_in_dim3A_96 = vector.broadcast %broadcast_in_dim3A_95 : vector<10000x1xi1> to vector<10000x32xi1>
    %broadcast_in_dim3A_97 = vector.broadcast %jit3A_94 : f32 to vector<10000x32xf32>
    %select_n3A_98 = arith.select %broadcast_in_dim3A_96, %select_n3A, %broadcast_in_dim3A_97 : vector<10000x32xi1>, vector<10000x32xf32>
    %reduce_sum3A_99 = arith.constant dense<0.000000e+00> : vector<32xf32>
    %reduce_sum3A_100 = vector.multi_reduction <add>, %select_n3A_98, %reduce_sum3A_99 [0] : vector<10000x32xf32> to vector<32xf32>
    %broadcast_in_dim3A_101 = vector.shape_cast %reduce_sum3A_100 : vector<32xf32> to vector<1x32xf32>
    %convert_element_type3A_102 = arith.extui %eq3A_85 : vector<10000x1xi1> to vector<10000x1xi32>
    %convert_element_type3A_103 = arith.sitofp %convert_element_type3A_102 : vector<10000x1xi32> to vector<10000x1xf32>
    %reduce_sum3A_104 = arith.constant dense<0.000000e+00> : vector<1xf32>
    %reduce_sum3A_105 = vector.multi_reduction <add>, %convert_element_type3A_103, %reduce_sum3A_104 [0] : vector<10000x1xf32> to vector<1xf32>
    %broadcast_in_dim3A_106 = vector.shape_cast %reduce_sum3A_105 : vector<1xf32> to vector<1x1xf32>
    %eq3A_107 = arith.constant 4 : i32
    %eq3A_108 = vector.broadcast %eq3A_107 : i32 to vector<10000x1xi32>
    %eq3A_109 = arith.cmpi eq, %get3A_16, %eq3A_108 : vector<10000x1xi32>
    %jit3A_110 = arith.constant 0xFF800000 : f32
    %broadcast_in_dim3A_111 = vector.shape_cast %eq3A_109 : vector<10000x1xi1> to vector<10000x1xi1>
    %broadcast_in_dim3A_112 = vector.broadcast %broadcast_in_dim3A_111 : vector<10000x1xi1> to vector<10000x32xi1>
    %broadcast_in_dim3A_113 = vector.broadcast %jit3A_110 : f32 to vector<10000x32xf32>
    %select_n3A_114 = arith.select %broadcast_in_dim3A_112, %select_n3A, %broadcast_in_dim3A_113 : vector<10000x32xi1>, vector<10000x32xf32>
    %reduce_max3A_115 = arith.constant dense<0xFF800000> : vector<32xf32>
    %reduce_max3A_116 = vector.multi_reduction <maximumf>, %select_n3A_114, %reduce_max3A_115 [0] : vector<10000x32xf32> to vector<32xf32>
    %broadcast_in_dim3A_117 = vector.shape_cast %reduce_max3A_116 : vector<32xf32> to vector<1x32xf32>
    %jit3A_118 = arith.constant 0.000000e+00 : f32
    %broadcast_in_dim3A_119 = vector.shape_cast %eq3A_109 : vector<10000x1xi1> to vector<10000x1xi1>
    %broadcast_in_dim3A_120 = vector.broadcast %broadcast_in_dim3A_119 : vector<10000x1xi1> to vector<10000x32xi1>
    %broadcast_in_dim3A_121 = vector.broadcast %jit3A_118 : f32 to vector<10000x32xf32>
    %select_n3A_122 = arith.select %broadcast_in_dim3A_120, %select_n3A, %broadcast_in_dim3A_121 : vector<10000x32xi1>, vector<10000x32xf32>
    %reduce_sum3A_123 = arith.constant dense<0.000000e+00> : vector<32xf32>
    %reduce_sum3A_124 = vector.multi_reduction <add>, %select_n3A_122, %reduce_sum3A_123 [0] : vector<10000x32xf32> to vector<32xf32>
    %broadcast_in_dim3A_125 = vector.shape_cast %reduce_sum3A_124 : vector<32xf32> to vector<1x32xf32>
    %convert_element_type3A_126 = arith.extui %eq3A_109 : vector<10000x1xi1> to vector<10000x1xi32>
    %convert_element_type3A_127 = arith.sitofp %convert_element_type3A_126 : vector<10000x1xi32> to vector<10000x1xf32>
    %reduce_sum3A_128 = arith.constant dense<0.000000e+00> : vector<1xf32>
    %reduce_sum3A_129 = vector.multi_reduction <add>, %convert_element_type3A_127, %reduce_sum3A_128 [0] : vector<10000x1xf32> to vector<1xf32>
    %broadcast_in_dim3A_130 = vector.shape_cast %reduce_sum3A_129 : vector<1xf32> to vector<1x1xf32>
    %eq3A_131 = arith.constant 5 : i32
    %eq3A_132 = vector.broadcast %eq3A_131 : i32 to vector<10000x1xi32>
    %eq3A_133 = arith.cmpi eq, %get3A_16, %eq3A_132 : vector<10000x1xi32>
    %jit3A_134 = arith.constant 0xFF800000 : f32
    %broadcast_in_dim3A_135 = vector.shape_cast %eq3A_133 : vector<10000x1xi1> to vector<10000x1xi1>
    %broadcast_in_dim3A_136 = vector.broadcast %broadcast_in_dim3A_135 : vector<10000x1xi1> to vector<10000x32xi1>
    %broadcast_in_dim3A_137 = vector.broadcast %jit3A_134 : f32 to vector<10000x32xf32>
    %select_n3A_138 = arith.select %broadcast_in_dim3A_136, %select_n3A, %broadcast_in_dim3A_137 : vector<10000x32xi1>, vector<10000x32xf32>
    %reduce_max3A_139 = arith.constant dense<0xFF800000> : vector<32xf32>
    %reduce_max3A_140 = vector.multi_reduction <maximumf>, %select_n3A_138, %reduce_max3A_139 [0] : vector<10000x32xf32> to vector<32xf32>
    %broadcast_in_dim3A_141 = vector.shape_cast %reduce_max3A_140 : vector<32xf32> to vector<1x32xf32>
    %jit3A_142 = arith.constant 0.000000e+00 : f32
    %broadcast_in_dim3A_143 = vector.shape_cast %eq3A_133 : vector<10000x1xi1> to vector<10000x1xi1>
    %broadcast_in_dim3A_144 = vector.broadcast %broadcast_in_dim3A_143 : vector<10000x1xi1> to vector<10000x32xi1>
    %broadcast_in_dim3A_145 = vector.broadcast %jit3A_142 : f32 to vector<10000x32xf32>
    %select_n3A_146 = arith.select %broadcast_in_dim3A_144, %select_n3A, %broadcast_in_dim3A_145 : vector<10000x32xi1>, vector<10000x32xf32>
    %reduce_sum3A_147 = arith.constant dense<0.000000e+00> : vector<32xf32>
    %reduce_sum3A_148 = vector.multi_reduction <add>, %select_n3A_146, %reduce_sum3A_147 [0] : vector<10000x32xf32> to vector<32xf32>
    %broadcast_in_dim3A_149 = vector.shape_cast %reduce_sum3A_148 : vector<32xf32> to vector<1x32xf32>
    %convert_element_type3A_150 = arith.extui %eq3A_133 : vector<10000x1xi1> to vector<10000x1xi32>
    %convert_element_type3A_151 = arith.sitofp %convert_element_type3A_150 : vector<10000x1xi32> to vector<10000x1xf32>
    %reduce_sum3A_152 = arith.constant dense<0.000000e+00> : vector<1xf32>
    %reduce_sum3A_153 = vector.multi_reduction <add>, %convert_element_type3A_151, %reduce_sum3A_152 [0] : vector<10000x1xf32> to vector<1xf32>
    %broadcast_in_dim3A_154 = vector.shape_cast %reduce_sum3A_153 : vector<1xf32> to vector<1x1xf32>
    %eq3A_155 = arith.constant 6 : i32
    %eq3A_156 = vector.broadcast %eq3A_155 : i32 to vector<10000x1xi32>
    %eq3A_157 = arith.cmpi eq, %get3A_16, %eq3A_156 : vector<10000x1xi32>
    %jit3A_158 = arith.constant 0xFF800000 : f32
    %broadcast_in_dim3A_159 = vector.shape_cast %eq3A_157 : vector<10000x1xi1> to vector<10000x1xi1>
    %broadcast_in_dim3A_160 = vector.broadcast %broadcast_in_dim3A_159 : vector<10000x1xi1> to vector<10000x32xi1>
    %broadcast_in_dim3A_161 = vector.broadcast %jit3A_158 : f32 to vector<10000x32xf32>
    %select_n3A_162 = arith.select %broadcast_in_dim3A_160, %select_n3A, %broadcast_in_dim3A_161 : vector<10000x32xi1>, vector<10000x32xf32>
    %reduce_max3A_163 = arith.constant dense<0xFF800000> : vector<32xf32>
    %reduce_max3A_164 = vector.multi_reduction <maximumf>, %select_n3A_162, %reduce_max3A_163 [0] : vector<10000x32xf32> to vector<32xf32>
    %broadcast_in_dim3A_165 = vector.shape_cast %reduce_max3A_164 : vector<32xf32> to vector<1x32xf32>
    %jit3A_166 = arith.constant 0.000000e+00 : f32
    %broadcast_in_dim3A_167 = vector.shape_cast %eq3A_157 : vector<10000x1xi1> to vector<10000x1xi1>
    %broadcast_in_dim3A_168 = vector.broadcast %broadcast_in_dim3A_167 : vector<10000x1xi1> to vector<10000x32xi1>
    %broadcast_in_dim3A_169 = vector.broadcast %jit3A_166 : f32 to vector<10000x32xf32>
    %select_n3A_170 = arith.select %broadcast_in_dim3A_168, %select_n3A, %broadcast_in_dim3A_169 : vector<10000x32xi1>, vector<10000x32xf32>
    %reduce_sum3A_171 = arith.constant dense<0.000000e+00> : vector<32xf32>
    %reduce_sum3A_172 = vector.multi_reduction <add>, %select_n3A_170, %reduce_sum3A_171 [0] : vector<10000x32xf32> to vector<32xf32>
    %broadcast_in_dim3A_173 = vector.shape_cast %reduce_sum3A_172 : vector<32xf32> to vector<1x32xf32>
    %convert_element_type3A_174 = arith.extui %eq3A_157 : vector<10000x1xi1> to vector<10000x1xi32>
    %convert_element_type3A_175 = arith.sitofp %convert_element_type3A_174 : vector<10000x1xi32> to vector<10000x1xf32>
    %reduce_sum3A_176 = arith.constant dense<0.000000e+00> : vector<1xf32>
    %reduce_sum3A_177 = vector.multi_reduction <add>, %convert_element_type3A_175, %reduce_sum3A_176 [0] : vector<10000x1xf32> to vector<1xf32>
    %broadcast_in_dim3A_178 = vector.shape_cast %reduce_sum3A_177 : vector<1xf32> to vector<1x1xf32>
    %eq3A_179 = arith.constant 7 : i32
    %eq3A_180 = vector.broadcast %eq3A_179 : i32 to vector<10000x1xi32>
    %eq3A_181 = arith.cmpi eq, %get3A_16, %eq3A_180 : vector<10000x1xi32>
    %jit3A_182 = arith.constant 0xFF800000 : f32
    %broadcast_in_dim3A_183 = vector.shape_cast %eq3A_181 : vector<10000x1xi1> to vector<10000x1xi1>
    %broadcast_in_dim3A_184 = vector.broadcast %broadcast_in_dim3A_183 : vector<10000x1xi1> to vector<10000x32xi1>
    %broadcast_in_dim3A_185 = vector.broadcast %jit3A_182 : f32 to vector<10000x32xf32>
    %select_n3A_186 = arith.select %broadcast_in_dim3A_184, %select_n3A, %broadcast_in_dim3A_185 : vector<10000x32xi1>, vector<10000x32xf32>
    %reduce_max3A_187 = arith.constant dense<0xFF800000> : vector<32xf32>
    %reduce_max3A_188 = vector.multi_reduction <maximumf>, %select_n3A_186, %reduce_max3A_187 [0] : vector<10000x32xf32> to vector<32xf32>
    %broadcast_in_dim3A_189 = vector.shape_cast %reduce_max3A_188 : vector<32xf32> to vector<1x32xf32>
    %jit3A_190 = arith.constant 0.000000e+00 : f32
    %broadcast_in_dim3A_191 = vector.shape_cast %eq3A_181 : vector<10000x1xi1> to vector<10000x1xi1>
    %broadcast_in_dim3A_192 = vector.broadcast %broadcast_in_dim3A_191 : vector<10000x1xi1> to vector<10000x32xi1>
    %broadcast_in_dim3A_193 = vector.broadcast %jit3A_190 : f32 to vector<10000x32xf32>
    %select_n3A_194 = arith.select %broadcast_in_dim3A_192, %select_n3A, %broadcast_in_dim3A_193 : vector<10000x32xi1>, vector<10000x32xf32>
    %reduce_sum3A_195 = arith.constant dense<0.000000e+00> : vector<32xf32>
    %reduce_sum3A_196 = vector.multi_reduction <add>, %select_n3A_194, %reduce_sum3A_195 [0] : vector<10000x32xf32> to vector<32xf32>
    %broadcast_in_dim3A_197 = vector.shape_cast %reduce_sum3A_196 : vector<32xf32> to vector<1x32xf32>
    %convert_element_type3A_198 = arith.extui %eq3A_181 : vector<10000x1xi1> to vector<10000x1xi32>
    %convert_element_type3A_199 = arith.sitofp %convert_element_type3A_198 : vector<10000x1xi32> to vector<10000x1xf32>
    %reduce_sum3A_200 = arith.constant dense<0.000000e+00> : vector<1xf32>
    %reduce_sum3A_201 = vector.multi_reduction <add>, %convert_element_type3A_199, %reduce_sum3A_200 [0] : vector<10000x1xf32> to vector<1xf32>
    %broadcast_in_dim3A_202 = vector.shape_cast %reduce_sum3A_201 : vector<1xf32> to vector<1x1xf32>
    %eq3A_203 = arith.constant 8 : i32
    %eq3A_204 = vector.broadcast %eq3A_203 : i32 to vector<10000x1xi32>
    %eq3A_205 = arith.cmpi eq, %get3A_16, %eq3A_204 : vector<10000x1xi32>
    %jit3A_206 = arith.constant 0xFF800000 : f32
    %broadcast_in_dim3A_207 = vector.shape_cast %eq3A_205 : vector<10000x1xi1> to vector<10000x1xi1>
    %broadcast_in_dim3A_208 = vector.broadcast %broadcast_in_dim3A_207 : vector<10000x1xi1> to vector<10000x32xi1>
    %broadcast_in_dim3A_209 = vector.broadcast %jit3A_206 : f32 to vector<10000x32xf32>
    %select_n3A_210 = arith.select %broadcast_in_dim3A_208, %select_n3A, %broadcast_in_dim3A_209 : vector<10000x32xi1>, vector<10000x32xf32>
    %reduce_max3A_211 = arith.constant dense<0xFF800000> : vector<32xf32>
    %reduce_max3A_212 = vector.multi_reduction <maximumf>, %select_n3A_210, %reduce_max3A_211 [0] : vector<10000x32xf32> to vector<32xf32>
    %broadcast_in_dim3A_213 = vector.shape_cast %reduce_max3A_212 : vector<32xf32> to vector<1x32xf32>
    %jit3A_214 = arith.constant 0.000000e+00 : f32
    %broadcast_in_dim3A_215 = vector.shape_cast %eq3A_205 : vector<10000x1xi1> to vector<10000x1xi1>
    %broadcast_in_dim3A_216 = vector.broadcast %broadcast_in_dim3A_215 : vector<10000x1xi1> to vector<10000x32xi1>
    %broadcast_in_dim3A_217 = vector.broadcast %jit3A_214 : f32 to vector<10000x32xf32>
    %select_n3A_218 = arith.select %broadcast_in_dim3A_216, %select_n3A, %broadcast_in_dim3A_217 : vector<10000x32xi1>, vector<10000x32xf32>
    %reduce_sum3A_219 = arith.constant dense<0.000000e+00> : vector<32xf32>
    %reduce_sum3A_220 = vector.multi_reduction <add>, %select_n3A_218, %reduce_sum3A_219 [0] : vector<10000x32xf32> to vector<32xf32>
    %broadcast_in_dim3A_221 = vector.shape_cast %reduce_sum3A_220 : vector<32xf32> to vector<1x32xf32>
    %convert_element_type3A_222 = arith.extui %eq3A_205 : vector<10000x1xi1> to vector<10000x1xi32>
    %convert_element_type3A_223 = arith.sitofp %convert_element_type3A_222 : vector<10000x1xi32> to vector<10000x1xf32>
    %reduce_sum3A_224 = arith.constant dense<0.000000e+00> : vector<1xf32>
    %reduce_sum3A_225 = vector.multi_reduction <add>, %convert_element_type3A_223, %reduce_sum3A_224 [0] : vector<10000x1xf32> to vector<1xf32>
    %broadcast_in_dim3A_226 = vector.shape_cast %reduce_sum3A_225 : vector<1xf32> to vector<1x1xf32>
    %eq3A_227 = arith.constant 9 : i32
    %eq3A_228 = vector.broadcast %eq3A_227 : i32 to vector<10000x1xi32>
    %eq3A_229 = arith.cmpi eq, %get3A_16, %eq3A_228 : vector<10000x1xi32>
    %jit3A_230 = arith.constant 0xFF800000 : f32
    %broadcast_in_dim3A_231 = vector.shape_cast %eq3A_229 : vector<10000x1xi1> to vector<10000x1xi1>
    %broadcast_in_dim3A_232 = vector.broadcast %broadcast_in_dim3A_231 : vector<10000x1xi1> to vector<10000x32xi1>
    %broadcast_in_dim3A_233 = vector.broadcast %jit3A_230 : f32 to vector<10000x32xf32>
    %select_n3A_234 = arith.select %broadcast_in_dim3A_232, %select_n3A, %broadcast_in_dim3A_233 : vector<10000x32xi1>, vector<10000x32xf32>
    %reduce_max3A_235 = arith.constant dense<0xFF800000> : vector<32xf32>
    %reduce_max3A_236 = vector.multi_reduction <maximumf>, %select_n3A_234, %reduce_max3A_235 [0] : vector<10000x32xf32> to vector<32xf32>
    %broadcast_in_dim3A_237 = vector.shape_cast %reduce_max3A_236 : vector<32xf32> to vector<1x32xf32>
    %jit3A_238 = arith.constant 0.000000e+00 : f32
    %broadcast_in_dim3A_239 = vector.shape_cast %eq3A_229 : vector<10000x1xi1> to vector<10000x1xi1>
    %broadcast_in_dim3A_240 = vector.broadcast %broadcast_in_dim3A_239 : vector<10000x1xi1> to vector<10000x32xi1>
    %broadcast_in_dim3A_241 = vector.broadcast %jit3A_238 : f32 to vector<10000x32xf32>
    %select_n3A_242 = arith.select %broadcast_in_dim3A_240, %select_n3A, %broadcast_in_dim3A_241 : vector<10000x32xi1>, vector<10000x32xf32>
    %reduce_sum3A_243 = arith.constant dense<0.000000e+00> : vector<32xf32>
    %reduce_sum3A_244 = vector.multi_reduction <add>, %select_n3A_242, %reduce_sum3A_243 [0] : vector<10000x32xf32> to vector<32xf32>
    %broadcast_in_dim3A_245 = vector.shape_cast %reduce_sum3A_244 : vector<32xf32> to vector<1x32xf32>
    %convert_element_type3A_246 = arith.extui %eq3A_229 : vector<10000x1xi1> to vector<10000x1xi32>
    %convert_element_type3A_247 = arith.sitofp %convert_element_type3A_246 : vector<10000x1xi32> to vector<10000x1xf32>
    %reduce_sum3A_248 = arith.constant dense<0.000000e+00> : vector<1xf32>
    %reduce_sum3A_249 = vector.multi_reduction <add>, %convert_element_type3A_247, %reduce_sum3A_248 [0] : vector<10000x1xf32> to vector<1xf32>
    %broadcast_in_dim3A_250 = vector.shape_cast %reduce_sum3A_249 : vector<1xf32> to vector<1x1xf32>
    %eq3A_251 = arith.constant 10 : i32
    %eq3A_252 = vector.broadcast %eq3A_251 : i32 to vector<10000x1xi32>
    %eq3A_253 = arith.cmpi eq, %get3A_16, %eq3A_252 : vector<10000x1xi32>
    %jit3A_254 = arith.constant 0xFF800000 : f32
    %broadcast_in_dim3A_255 = vector.shape_cast %eq3A_253 : vector<10000x1xi1> to vector<10000x1xi1>
    %broadcast_in_dim3A_256 = vector.broadcast %broadcast_in_dim3A_255 : vector<10000x1xi1> to vector<10000x32xi1>
    %broadcast_in_dim3A_257 = vector.broadcast %jit3A_254 : f32 to vector<10000x32xf32>
    %select_n3A_258 = arith.select %broadcast_in_dim3A_256, %select_n3A, %broadcast_in_dim3A_257 : vector<10000x32xi1>, vector<10000x32xf32>
    %reduce_max3A_259 = arith.constant dense<0xFF800000> : vector<32xf32>
    %reduce_max3A_260 = vector.multi_reduction <maximumf>, %select_n3A_258, %reduce_max3A_259 [0] : vector<10000x32xf32> to vector<32xf32>
    %broadcast_in_dim3A_261 = vector.shape_cast %reduce_max3A_260 : vector<32xf32> to vector<1x32xf32>
    %jit3A_262 = arith.constant 0.000000e+00 : f32
    %broadcast_in_dim3A_263 = vector.shape_cast %eq3A_253 : vector<10000x1xi1> to vector<10000x1xi1>
    %broadcast_in_dim3A_264 = vector.broadcast %broadcast_in_dim3A_263 : vector<10000x1xi1> to vector<10000x32xi1>
    %broadcast_in_dim3A_265 = vector.broadcast %jit3A_262 : f32 to vector<10000x32xf32>
    %select_n3A_266 = arith.select %broadcast_in_dim3A_264, %select_n3A, %broadcast_in_dim3A_265 : vector<10000x32xi1>, vector<10000x32xf32>
    %reduce_sum3A_267 = arith.constant dense<0.000000e+00> : vector<32xf32>
    %reduce_sum3A_268 = vector.multi_reduction <add>, %select_n3A_266, %reduce_sum3A_267 [0] : vector<10000x32xf32> to vector<32xf32>
    %broadcast_in_dim3A_269 = vector.shape_cast %reduce_sum3A_268 : vector<32xf32> to vector<1x32xf32>
    %convert_element_type3A_270 = arith.extui %eq3A_253 : vector<10000x1xi1> to vector<10000x1xi32>
    %convert_element_type3A_271 = arith.sitofp %convert_element_type3A_270 : vector<10000x1xi32> to vector<10000x1xf32>
    %reduce_sum3A_272 = arith.constant dense<0.000000e+00> : vector<1xf32>
    %reduce_sum3A_273 = vector.multi_reduction <add>, %convert_element_type3A_271, %reduce_sum3A_272 [0] : vector<10000x1xf32> to vector<1xf32>
    %broadcast_in_dim3A_274 = vector.shape_cast %reduce_sum3A_273 : vector<1xf32> to vector<1x1xf32>
    %eq3A_275 = arith.constant 11 : i32
    %eq3A_276 = vector.broadcast %eq3A_275 : i32 to vector<10000x1xi32>
    %eq3A_277 = arith.cmpi eq, %get3A_16, %eq3A_276 : vector<10000x1xi32>
    %jit3A_278 = arith.constant 0xFF800000 : f32
    %broadcast_in_dim3A_279 = vector.shape_cast %eq3A_277 : vector<10000x1xi1> to vector<10000x1xi1>
    %broadcast_in_dim3A_280 = vector.broadcast %broadcast_in_dim3A_279 : vector<10000x1xi1> to vector<10000x32xi1>
    %broadcast_in_dim3A_281 = vector.broadcast %jit3A_278 : f32 to vector<10000x32xf32>
    %select_n3A_282 = arith.select %broadcast_in_dim3A_280, %select_n3A, %broadcast_in_dim3A_281 : vector<10000x32xi1>, vector<10000x32xf32>
    %reduce_max3A_283 = arith.constant dense<0xFF800000> : vector<32xf32>
    %reduce_max3A_284 = vector.multi_reduction <maximumf>, %select_n3A_282, %reduce_max3A_283 [0] : vector<10000x32xf32> to vector<32xf32>
    %broadcast_in_dim3A_285 = vector.shape_cast %reduce_max3A_284 : vector<32xf32> to vector<1x32xf32>
    %jit3A_286 = arith.constant 0.000000e+00 : f32
    %broadcast_in_dim3A_287 = vector.shape_cast %eq3A_277 : vector<10000x1xi1> to vector<10000x1xi1>
    %broadcast_in_dim3A_288 = vector.broadcast %broadcast_in_dim3A_287 : vector<10000x1xi1> to vector<10000x32xi1>
    %broadcast_in_dim3A_289 = vector.broadcast %jit3A_286 : f32 to vector<10000x32xf32>
    %select_n3A_290 = arith.select %broadcast_in_dim3A_288, %select_n3A, %broadcast_in_dim3A_289 : vector<10000x32xi1>, vector<10000x32xf32>
    %reduce_sum3A_291 = arith.constant dense<0.000000e+00> : vector<32xf32>
    %reduce_sum3A_292 = vector.multi_reduction <add>, %select_n3A_290, %reduce_sum3A_291 [0] : vector<10000x32xf32> to vector<32xf32>
    %broadcast_in_dim3A_293 = vector.shape_cast %reduce_sum3A_292 : vector<32xf32> to vector<1x32xf32>
    %convert_element_type3A_294 = arith.extui %eq3A_277 : vector<10000x1xi1> to vector<10000x1xi32>
    %convert_element_type3A_295 = arith.sitofp %convert_element_type3A_294 : vector<10000x1xi32> to vector<10000x1xf32>
    %reduce_sum3A_296 = arith.constant dense<0.000000e+00> : vector<1xf32>
    %reduce_sum3A_297 = vector.multi_reduction <add>, %convert_element_type3A_295, %reduce_sum3A_296 [0] : vector<10000x1xf32> to vector<1xf32>
    %broadcast_in_dim3A_298 = vector.shape_cast %reduce_sum3A_297 : vector<1xf32> to vector<1x1xf32>
    %eq3A_299 = arith.constant 12 : i32
    %eq3A_300 = vector.broadcast %eq3A_299 : i32 to vector<10000x1xi32>
    %eq3A_301 = arith.cmpi eq, %get3A_16, %eq3A_300 : vector<10000x1xi32>
    %jit3A_302 = arith.constant 0xFF800000 : f32
    %broadcast_in_dim3A_303 = vector.shape_cast %eq3A_301 : vector<10000x1xi1> to vector<10000x1xi1>
    %broadcast_in_dim3A_304 = vector.broadcast %broadcast_in_dim3A_303 : vector<10000x1xi1> to vector<10000x32xi1>
    %broadcast_in_dim3A_305 = vector.broadcast %jit3A_302 : f32 to vector<10000x32xf32>
    %select_n3A_306 = arith.select %broadcast_in_dim3A_304, %select_n3A, %broadcast_in_dim3A_305 : vector<10000x32xi1>, vector<10000x32xf32>
    %reduce_max3A_307 = arith.constant dense<0xFF800000> : vector<32xf32>
    %reduce_max3A_308 = vector.multi_reduction <maximumf>, %select_n3A_306, %reduce_max3A_307 [0] : vector<10000x32xf32> to vector<32xf32>
    %broadcast_in_dim3A_309 = vector.shape_cast %reduce_max3A_308 : vector<32xf32> to vector<1x32xf32>
    %jit3A_310 = arith.constant 0.000000e+00 : f32
    %broadcast_in_dim3A_311 = vector.shape_cast %eq3A_301 : vector<10000x1xi1> to vector<10000x1xi1>
    %broadcast_in_dim3A_312 = vector.broadcast %broadcast_in_dim3A_311 : vector<10000x1xi1> to vector<10000x32xi1>
    %broadcast_in_dim3A_313 = vector.broadcast %jit3A_310 : f32 to vector<10000x32xf32>
    %select_n3A_314 = arith.select %broadcast_in_dim3A_312, %select_n3A, %broadcast_in_dim3A_313 : vector<10000x32xi1>, vector<10000x32xf32>
    %reduce_sum3A_315 = arith.constant dense<0.000000e+00> : vector<32xf32>
    %reduce_sum3A_316 = vector.multi_reduction <add>, %select_n3A_314, %reduce_sum3A_315 [0] : vector<10000x32xf32> to vector<32xf32>
    %broadcast_in_dim3A_317 = vector.shape_cast %reduce_sum3A_316 : vector<32xf32> to vector<1x32xf32>
    %convert_element_type3A_318 = arith.extui %eq3A_301 : vector<10000x1xi1> to vector<10000x1xi32>
    %convert_element_type3A_319 = arith.sitofp %convert_element_type3A_318 : vector<10000x1xi32> to vector<10000x1xf32>
    %reduce_sum3A_320 = arith.constant dense<0.000000e+00> : vector<1xf32>
    %reduce_sum3A_321 = vector.multi_reduction <add>, %convert_element_type3A_319, %reduce_sum3A_320 [0] : vector<10000x1xf32> to vector<1xf32>
    %broadcast_in_dim3A_322 = vector.shape_cast %reduce_sum3A_321 : vector<1xf32> to vector<1x1xf32>
    %eq3A_323 = arith.constant 13 : i32
    %eq3A_324 = vector.broadcast %eq3A_323 : i32 to vector<10000x1xi32>
    %eq3A_325 = arith.cmpi eq, %get3A_16, %eq3A_324 : vector<10000x1xi32>
    %jit3A_326 = arith.constant 0xFF800000 : f32
    %broadcast_in_dim3A_327 = vector.shape_cast %eq3A_325 : vector<10000x1xi1> to vector<10000x1xi1>
    %broadcast_in_dim3A_328 = vector.broadcast %broadcast_in_dim3A_327 : vector<10000x1xi1> to vector<10000x32xi1>
    %broadcast_in_dim3A_329 = vector.broadcast %jit3A_326 : f32 to vector<10000x32xf32>
    %select_n3A_330 = arith.select %broadcast_in_dim3A_328, %select_n3A, %broadcast_in_dim3A_329 : vector<10000x32xi1>, vector<10000x32xf32>
    %reduce_max3A_331 = arith.constant dense<0xFF800000> : vector<32xf32>
    %reduce_max3A_332 = vector.multi_reduction <maximumf>, %select_n3A_330, %reduce_max3A_331 [0] : vector<10000x32xf32> to vector<32xf32>
    %broadcast_in_dim3A_333 = vector.shape_cast %reduce_max3A_332 : vector<32xf32> to vector<1x32xf32>
    %jit3A_334 = arith.constant 0.000000e+00 : f32
    %broadcast_in_dim3A_335 = vector.shape_cast %eq3A_325 : vector<10000x1xi1> to vector<10000x1xi1>
    %broadcast_in_dim3A_336 = vector.broadcast %broadcast_in_dim3A_335 : vector<10000x1xi1> to vector<10000x32xi1>
    %broadcast_in_dim3A_337 = vector.broadcast %jit3A_334 : f32 to vector<10000x32xf32>
    %select_n3A_338 = arith.select %broadcast_in_dim3A_336, %select_n3A, %broadcast_in_dim3A_337 : vector<10000x32xi1>, vector<10000x32xf32>
    %reduce_sum3A_339 = arith.constant dense<0.000000e+00> : vector<32xf32>
    %reduce_sum3A_340 = vector.multi_reduction <add>, %select_n3A_338, %reduce_sum3A_339 [0] : vector<10000x32xf32> to vector<32xf32>
    %broadcast_in_dim3A_341 = vector.shape_cast %reduce_sum3A_340 : vector<32xf32> to vector<1x32xf32>
    %convert_element_type3A_342 = arith.extui %eq3A_325 : vector<10000x1xi1> to vector<10000x1xi32>
    %convert_element_type3A_343 = arith.sitofp %convert_element_type3A_342 : vector<10000x1xi32> to vector<10000x1xf32>
    %reduce_sum3A_344 = arith.constant dense<0.000000e+00> : vector<1xf32>
    %reduce_sum3A_345 = vector.multi_reduction <add>, %convert_element_type3A_343, %reduce_sum3A_344 [0] : vector<10000x1xf32> to vector<1xf32>
    %broadcast_in_dim3A_346 = vector.shape_cast %reduce_sum3A_345 : vector<1xf32> to vector<1x1xf32>
    %eq3A_347 = arith.constant 14 : i32
    %eq3A_348 = vector.broadcast %eq3A_347 : i32 to vector<10000x1xi32>
    %eq3A_349 = arith.cmpi eq, %get3A_16, %eq3A_348 : vector<10000x1xi32>
    %jit3A_350 = arith.constant 0xFF800000 : f32
    %broadcast_in_dim3A_351 = vector.shape_cast %eq3A_349 : vector<10000x1xi1> to vector<10000x1xi1>
    %broadcast_in_dim3A_352 = vector.broadcast %broadcast_in_dim3A_351 : vector<10000x1xi1> to vector<10000x32xi1>
    %broadcast_in_dim3A_353 = vector.broadcast %jit3A_350 : f32 to vector<10000x32xf32>
    %select_n3A_354 = arith.select %broadcast_in_dim3A_352, %select_n3A, %broadcast_in_dim3A_353 : vector<10000x32xi1>, vector<10000x32xf32>
    %reduce_max3A_355 = arith.constant dense<0xFF800000> : vector<32xf32>
    %reduce_max3A_356 = vector.multi_reduction <maximumf>, %select_n3A_354, %reduce_max3A_355 [0] : vector<10000x32xf32> to vector<32xf32>
    %broadcast_in_dim3A_357 = vector.shape_cast %reduce_max3A_356 : vector<32xf32> to vector<1x32xf32>
    %jit3A_358 = arith.constant 0.000000e+00 : f32
    %broadcast_in_dim3A_359 = vector.shape_cast %eq3A_349 : vector<10000x1xi1> to vector<10000x1xi1>
    %broadcast_in_dim3A_360 = vector.broadcast %broadcast_in_dim3A_359 : vector<10000x1xi1> to vector<10000x32xi1>
    %broadcast_in_dim3A_361 = vector.broadcast %jit3A_358 : f32 to vector<10000x32xf32>
    %select_n3A_362 = arith.select %broadcast_in_dim3A_360, %select_n3A, %broadcast_in_dim3A_361 : vector<10000x32xi1>, vector<10000x32xf32>
    %reduce_sum3A_363 = arith.constant dense<0.000000e+00> : vector<32xf32>
    %reduce_sum3A_364 = vector.multi_reduction <add>, %select_n3A_362, %reduce_sum3A_363 [0] : vector<10000x32xf32> to vector<32xf32>
    %broadcast_in_dim3A_365 = vector.shape_cast %reduce_sum3A_364 : vector<32xf32> to vector<1x32xf32>
    %convert_element_type3A_366 = arith.extui %eq3A_349 : vector<10000x1xi1> to vector<10000x1xi32>
    %convert_element_type3A_367 = arith.sitofp %convert_element_type3A_366 : vector<10000x1xi32> to vector<10000x1xf32>
    %reduce_sum3A_368 = arith.constant dense<0.000000e+00> : vector<1xf32>
    %reduce_sum3A_369 = vector.multi_reduction <add>, %convert_element_type3A_367, %reduce_sum3A_368 [0] : vector<10000x1xf32> to vector<1xf32>
    %broadcast_in_dim3A_370 = vector.shape_cast %reduce_sum3A_369 : vector<1xf32> to vector<1x1xf32>
    %eq3A_371 = arith.constant 15 : i32
    %eq3A_372 = vector.broadcast %eq3A_371 : i32 to vector<10000x1xi32>
    %eq3A_373 = arith.cmpi eq, %get3A_16, %eq3A_372 : vector<10000x1xi32>
    %jit3A_374 = arith.constant 0xFF800000 : f32
    %broadcast_in_dim3A_375 = vector.shape_cast %eq3A_373 : vector<10000x1xi1> to vector<10000x1xi1>
    %broadcast_in_dim3A_376 = vector.broadcast %broadcast_in_dim3A_375 : vector<10000x1xi1> to vector<10000x32xi1>
    %broadcast_in_dim3A_377 = vector.broadcast %jit3A_374 : f32 to vector<10000x32xf32>
    %select_n3A_378 = arith.select %broadcast_in_dim3A_376, %select_n3A, %broadcast_in_dim3A_377 : vector<10000x32xi1>, vector<10000x32xf32>
    %reduce_max3A_379 = arith.constant dense<0xFF800000> : vector<32xf32>
    %reduce_max3A_380 = vector.multi_reduction <maximumf>, %select_n3A_378, %reduce_max3A_379 [0] : vector<10000x32xf32> to vector<32xf32>
    %broadcast_in_dim3A_381 = vector.shape_cast %reduce_max3A_380 : vector<32xf32> to vector<1x32xf32>
    %jit3A_382 = arith.constant 0.000000e+00 : f32
    %broadcast_in_dim3A_383 = vector.shape_cast %eq3A_373 : vector<10000x1xi1> to vector<10000x1xi1>
    %broadcast_in_dim3A_384 = vector.broadcast %broadcast_in_dim3A_383 : vector<10000x1xi1> to vector<10000x32xi1>
    %broadcast_in_dim3A_385 = vector.broadcast %jit3A_382 : f32 to vector<10000x32xf32>
    %select_n3A_386 = arith.select %broadcast_in_dim3A_384, %select_n3A, %broadcast_in_dim3A_385 : vector<10000x32xi1>, vector<10000x32xf32>
    %reduce_sum3A_387 = arith.constant dense<0.000000e+00> : vector<32xf32>
    %reduce_sum3A_388 = vector.multi_reduction <add>, %select_n3A_386, %reduce_sum3A_387 [0] : vector<10000x32xf32> to vector<32xf32>
    %broadcast_in_dim3A_389 = vector.shape_cast %reduce_sum3A_388 : vector<32xf32> to vector<1x32xf32>
    %convert_element_type3A_390 = arith.extui %eq3A_373 : vector<10000x1xi1> to vector<10000x1xi32>
    %convert_element_type3A_391 = arith.sitofp %convert_element_type3A_390 : vector<10000x1xi32> to vector<10000x1xf32>
    %reduce_sum3A_392 = arith.constant dense<0.000000e+00> : vector<1xf32>
    %reduce_sum3A_393 = vector.multi_reduction <add>, %convert_element_type3A_391, %reduce_sum3A_392 [0] : vector<10000x1xf32> to vector<1xf32>
    %broadcast_in_dim3A_394 = vector.shape_cast %reduce_sum3A_393 : vector<1xf32> to vector<1x1xf32>
    %concatenate3A = tpu.concatenate %broadcast_in_dim3A_23, %broadcast_in_dim3A_45, %broadcast_in_dim3A_69, %broadcast_in_dim3A_93, %broadcast_in_dim3A_117, %broadcast_in_dim3A_141, %broadcast_in_dim3A_165, %broadcast_in_dim3A_189, %broadcast_in_dim3A_213, %broadcast_in_dim3A_237, %broadcast_in_dim3A_261, %broadcast_in_dim3A_285, %broadcast_in_dim3A_309, %broadcast_in_dim3A_333, %broadcast_in_dim3A_357, %broadcast_in_dim3A_381 in 0 : vector<1x32xf32>, vector<1x32xf32>, vector<1x32xf32>, vector<1x32xf32>, vector<1x32xf32>, vector<1x32xf32>, vector<1x32xf32>, vector<1x32xf32>, vector<1x32xf32>, vector<1x32xf32>, vector<1x32xf32>, vector<1x32xf32>, vector<1x32xf32>, vector<1x32xf32>, vector<1x32xf32>, vector<1x32xf32> -> vector<16x32xf32>
    %concatenate3A_395 = tpu.concatenate %broadcast_in_dim3A_30, %broadcast_in_dim3A_53, %broadcast_in_dim3A_77, %broadcast_in_dim3A_101, %broadcast_in_dim3A_125, %broadcast_in_dim3A_149, %broadcast_in_dim3A_173, %broadcast_in_dim3A_197, %broadcast_in_dim3A_221, %broadcast_in_dim3A_245, %broadcast_in_dim3A_269, %broadcast_in_dim3A_293, %broadcast_in_dim3A_317, %broadcast_in_dim3A_341, %broadcast_in_dim3A_365, %broadcast_in_dim3A_389 in 0 : vector<1x32xf32>, vector<1x32xf32>, vector<1x32xf32>, vector<1x32xf32>, vector<1x32xf32>, vector<1x32xf32>, vector<1x32xf32>, vector<1x32xf32>, vector<1x32xf32>, vector<1x32xf32>, vector<1x32xf32>, vector<1x32xf32>, vector<1x32xf32>, vector<1x32xf32>, vector<1x32xf32>, vector<1x32xf32> -> vector<16x32xf32>
    %concatenate3A_396 = tpu.concatenate %broadcast_in_dim3A_34, %broadcast_in_dim3A_58, %broadcast_in_dim3A_82, %broadcast_in_dim3A_106, %broadcast_in_dim3A_130, %broadcast_in_dim3A_154, %broadcast_in_dim3A_178, %broadcast_in_dim3A_202, %broadcast_in_dim3A_226, %broadcast_in_dim3A_250, %broadcast_in_dim3A_274, %broadcast_in_dim3A_298, %broadcast_in_dim3A_322, %broadcast_in_dim3A_346, %broadcast_in_dim3A_370, %broadcast_in_dim3A_394 in 0 : vector<1x1xf32>, vector<1x1xf32>, vector<1x1xf32>, vector<1x1xf32>, vector<1x1xf32>, vector<1x1xf32>, vector<1x1xf32>, vector<1x1xf32>, vector<1x1xf32>, vector<1x1xf32>, vector<1x1xf32>, vector<1x1xf32>, vector<1x1xf32>, vector<1x1xf32>, vector<1x1xf32>, vector<1x1xf32> -> vector<16x1xf32>
    %max3A = arith.constant 1.000000e+00 : f32
    %max3A_397 = vector.broadcast %max3A : f32 to vector<16x1xf32>
    %max3A_398 = arith.maximumf %concatenate3A_396, %max3A_397 : vector<16x1xf32>
    %div3A = vector.broadcast %max3A_398 : vector<16x1xf32> to vector<16x32xf32>
    %div3A_399 = arith.divf %concatenate3A_395, %div3A : vector<16x32xf32>
    %concatenate3A_400 = tpu.concatenate %concatenate3A, %div3A_399, %concatenate3A_395 in 1 : vector<16x32xf32>, vector<16x32xf32>, vector<16x32xf32> -> vector<16x96xf32>
    %get3A_401 = arith.constant 0 : index
    %get3A_402 = arith.constant 0 : index
    %get3A_403 = vector.load %arg4[%get3A_401, %get3A_402] : memref<96x16xf32, #tpu.memory_space<vmem>>, vector<96x16xf32>
    %dot_general3A = arith.constant dense<0.000000e+00> : vector<16x16xf32>
    %dot_general3A_404 = tpu.matmul %concatenate3A_400, %get3A_403, %dot_general3A {dimension_numbers = #tpu.dot_dimension_numbers<[1], [0], [0], [1], [0, 0, 1, 1], [], []>, transpose_lhs_hint = false} : vector<16x96xf32>, vector<96x16xf32>, vector<16x16xf32> -> vector<16x16xf32>
    %get3A_405 = arith.constant 0 : index
    %get3A_406 = arith.constant 0 : index
    %get3A_407 = vector.load %arg5[%get3A_405, %get3A_406] : memref<1x16xf32, #tpu.memory_space<vmem>>, vector<1x16xf32>
    %add3A_408 = vector.broadcast %get3A_407 : vector<1x16xf32> to vector<16x16xf32>
    %add3A_409 = arith.addf %dot_general3A_404, %add3A_408 : vector<16x16xf32>
    %ge3A_410 = arith.constant 0.000000e+00 : f32
    %ge3A_411 = vector.broadcast %ge3A_410 : f32 to vector<16x16xf32>
    %ge3A_412 = arith.cmpf oge, %add3A_409, %ge3A_411 : vector<16x16xf32>
    %mul3A_413 = arith.constant 2.000000e-01 : f32
    %mul3A_414 = vector.broadcast %mul3A_413 : f32 to vector<16x16xf32>
    %mul3A_415 = arith.mulf %mul3A_414, %add3A_409 : vector<16x16xf32>
    %select_n3A_416 = arith.select %ge3A_412, %add3A_409, %mul3A_415 : vector<16x16xi1>, vector<16x16xf32>
    %get3A_417 = arith.constant 0 : index
    %get3A_418 = arith.constant 0 : index
    %get3A_419 = vector.load %arg6[%get3A_417, %get3A_418] : memref<1x16xf32, #tpu.memory_space<vmem>>, vector<1x16xf32>
    %get3A_420 = arith.constant 0 : index
    %get3A_421 = arith.constant 0 : index
    %get3A_422 = vector.load %arg8[%get3A_420, %get3A_421] : memref<1x16xf32, #tpu.memory_space<vmem>>, vector<1x16xf32>
    %sub3A = vector.broadcast %get3A_422 : vector<1x16xf32> to vector<16x16xf32>
    %sub3A_423 = arith.subf %select_n3A_416, %sub3A : vector<16x16xf32>
    %mul3A_424 = vector.broadcast %get3A_419 : vector<1x16xf32> to vector<16x16xf32>
    %mul3A_425 = arith.mulf %mul3A_424, %sub3A_423 : vector<16x16xf32>
    %get3A_426 = arith.constant 0 : index
    %get3A_427 = arith.constant 0 : index
    %get3A_428 = vector.load %arg9[%get3A_426, %get3A_427] : memref<1x16xf32, #tpu.memory_space<vmem>>, vector<1x16xf32>
    %add3A_429 = arith.constant 1.000000e-03 : f32
    %add3A_430 = vector.broadcast %add3A_429 : f32 to vector<1x16xf32>
    %add3A_431 = arith.addf %get3A_428, %add3A_430 : vector<1x16xf32>
    %sqrt3A = math.sqrt %add3A_431 : vector<1x16xf32>
    %div3A_432 = vector.broadcast %sqrt3A : vector<1x16xf32> to vector<16x16xf32>
    %div3A_433 = arith.divf %mul3A_425, %div3A_432 : vector<16x16xf32>
    %get3A_434 = arith.constant 0 : index
    %get3A_435 = arith.constant 0 : index
    %get3A_436 = vector.load %arg7[%get3A_434, %get3A_435] : memref<1x16xf32, #tpu.memory_space<vmem>>, vector<1x16xf32>
    %add3A_437 = vector.broadcast %get3A_436 : vector<1x16xf32> to vector<16x16xf32>
    %add3A_438 = arith.addf %div3A_433, %add3A_437 : vector<16x16xf32>
    %get3A_439 = arith.constant 0 : index
    %get3A_440 = arith.constant 0 : index
    %get3A_441 = vector.load %arg10[%get3A_439, %get3A_440] : memref<16x32xf32, #tpu.memory_space<vmem>>, vector<16x32xf32>
    %dot_general3A_442 = arith.constant dense<0.000000e+00> : vector<16x32xf32>
    %dot_general3A_443 = tpu.matmul %add3A_438, %get3A_441, %dot_general3A_442 {dimension_numbers = #tpu.dot_dimension_numbers<[1], [0], [0], [1], [0, 0, 1, 1], [], []>, transpose_lhs_hint = false} : vector<16x16xf32>, vector<16x32xf32>, vector<16x32xf32> -> vector<16x32xf32>
    %get3A_444 = arith.constant 0 : index
    %get3A_445 = arith.constant 0 : index
    %get3A_446 = vector.load %arg11[%get3A_444, %get3A_445] : memref<1x32xf32, #tpu.memory_space<vmem>>, vector<1x32xf32>
    %add3A_447 = vector.broadcast %get3A_446 : vector<1x32xf32> to vector<16x32xf32>
    %add3A_448 = arith.addf %dot_general3A_443, %add3A_447 : vector<16x32xf32>
    %ge3A_449 = arith.constant 0.000000e+00 : f32
    %ge3A_450 = vector.broadcast %ge3A_449 : f32 to vector<16x32xf32>
    %ge3A_451 = arith.cmpf oge, %add3A_448, %ge3A_450 : vector<16x32xf32>
    %mul3A_452 = arith.constant 2.000000e-01 : f32
    %mul3A_453 = vector.broadcast %mul3A_452 : f32 to vector<16x32xf32>
    %mul3A_454 = arith.mulf %mul3A_453, %add3A_448 : vector<16x32xf32>
    %select_n3A_455 = arith.select %ge3A_451, %add3A_448, %mul3A_454 : vector<16x32xi1>, vector<16x32xf32>
    %get3A_456 = arith.constant 0 : index
    %get3A_457 = arith.constant 0 : index
    %get3A_458 = vector.load %arg12[%get3A_456, %get3A_457] : memref<1x32xf32, #tpu.memory_space<vmem>>, vector<1x32xf32>
    %get3A_459 = arith.constant 0 : index
    %get3A_460 = arith.constant 0 : index
    %get3A_461 = vector.load %arg14[%get3A_459, %get3A_460] : memref<1x32xf32, #tpu.memory_space<vmem>>, vector<1x32xf32>
    %sub3A_462 = vector.broadcast %get3A_461 : vector<1x32xf32> to vector<16x32xf32>
    %sub3A_463 = arith.subf %select_n3A_455, %sub3A_462 : vector<16x32xf32>
    %mul3A_464 = vector.broadcast %get3A_458 : vector<1x32xf32> to vector<16x32xf32>
    %mul3A_465 = arith.mulf %mul3A_464, %sub3A_463 : vector<16x32xf32>
    %get3A_466 = arith.constant 0 : index
    %get3A_467 = arith.constant 0 : index
    %get3A_468 = vector.load %arg15[%get3A_466, %get3A_467] : memref<1x32xf32, #tpu.memory_space<vmem>>, vector<1x32xf32>
    %add3A_469 = arith.constant 1.000000e-03 : f32
    %add3A_470 = vector.broadcast %add3A_469 : f32 to vector<1x32xf32>
    %add3A_471 = arith.addf %get3A_468, %add3A_470 : vector<1x32xf32>
    %sqrt3A_472 = math.sqrt %add3A_471 : vector<1x32xf32>
    %div3A_473 = vector.broadcast %sqrt3A_472 : vector<1x32xf32> to vector<16x32xf32>
    %div3A_474 = arith.divf %mul3A_465, %div3A_473 : vector<16x32xf32>
    %get3A_475 = arith.constant 0 : index
    %get3A_476 = arith.constant 0 : index
    %get3A_477 = vector.load %arg13[%get3A_475, %get3A_476] : memref<1x32xf32, #tpu.memory_space<vmem>>, vector<1x32xf32>
    %add3A_478 = vector.broadcast %get3A_477 : vector<1x32xf32> to vector<16x32xf32>
    %add3A_479 = arith.addf %div3A_474, %add3A_478 : vector<16x32xf32>
    %get3A_480 = arith.constant 0 : index
    %get3A_481 = arith.constant 0 : index
    %get3A_482 = vector.load %arg16[%get3A_480, %get3A_481] : memref<32x4xf32, #tpu.memory_space<vmem>>, vector<32x4xf32>
    %dot_general3A_483 = arith.constant dense<0.000000e+00> : vector<16x4xf32>
    %dot_general3A_484 = tpu.matmul %add3A_479, %get3A_482, %dot_general3A_483 {dimension_numbers = #tpu.dot_dimension_numbers<[1], [0], [0], [1], [0, 0, 1, 1], [], []>, transpose_lhs_hint = false} : vector<16x32xf32>, vector<32x4xf32>, vector<16x4xf32> -> vector<16x4xf32>
    %get3A_485 = arith.constant 0 : index
    %get3A_486 = arith.constant 0 : index
    %get3A_487 = vector.load %arg17[%get3A_485, %get3A_486] : memref<1x4xf32, #tpu.memory_space<vmem>>, vector<1x4xf32>
    %add3A_488 = vector.broadcast %get3A_487 : vector<1x4xf32> to vector<16x4xf32>
    %add3A_489 = arith.addf %dot_general3A_484, %add3A_488 : vector<16x4xf32>
    %swap3A = arith.constant 0 : index
    %swap3A_490 = arith.constant 0 : index
    %swap3A_491 = vector.load %arg18[%swap3A, %swap3A_490] : memref<16x4xf32, #tpu.memory_space<vmem>>, vector<16x4xf32>
    tpu.vector_store %arg18[%swap3A, %swap3A_490], %add3A_489 {strides = array<i32>} : memref<16x4xf32, #tpu.memory_space<vmem>>, vector<16x4xf32>,
    return
  }
}

</mosaic_0001>

<sc_bundles>
// kernel: kernel.10.cloned.1.call-start
scs
__scs_entry_jumppad:
0x0: {  	(pc) =	sbr.rel $0x88, $3  }
0x1: {  	(tag) =	ssettag $0x0;
	lr =	simm.s32 $0x1  }
0x2: {  	[smem:$0x3F82] =	sst lr;
	_ =	strace $0xD0000000  }
0x3: {  	_ = 	snop  }
0x4: {  	_ = 	snop  }
0x5: {  	_ = 	snop  }
0x6: {  	_ = 	snop  }
0x7: {  	_ = 	snop  }
__scs_overlays_trampoline_lowered:
0x8: {  	[smem:$0x3F91] =	sst s0  }
0x9: {  	[smem:$0x3F92] =	sst s1  }
0xa: {  	[smem:$0x3F93] =	sst s2  }
0xb: {  	[smem:$0x3F94] =	sst s3  }
0xc: {  	[smem:$0x3F95] =	sst s4  }
0xd: {  	[smem:$0x3F96] =	sst s5  }
0xe: {  	[smem:$0x3F97] =	sst s6  }
0xf: {  	[smem:$0x3F98] =	sst s7  }
0x10: {  	[smem:$0x3F99] =	sst s8  }
0x11: {  	[smem:$0x3F9A] =	sst s9;
	s0 =	simm.s32 @!p0 $0x0  }
0x12: {  	s1 =	sld [smem:$0x3F80];
	s0 =	simm.s32 @p0 $0x1  }
0x13: {  	[smem:$0x3F9B] =	sst s0;
	s0 =	simm.s32 @!p1 $0x0  }
0x14: {  	s2 =	sld [smem:$0x3F7F];
	s0 =	simm.s32 @p1 $0x1  }
0x15: {  	[smem:$0x3F9C] =	sst s0;
	s0 =	simm.s32 @!p2 $0x0  }
0x16: {  	s3 =	sld [smem:$0x3FDB];
	s0 =	simm.s32 @p2 $0x1  }
0x17: {  	s4 =	simm.s32 $0x1BF5;
	[smem:$0x3F9E] =	sst s0  }
0x18: {  	s0 =	sld [smem:$0x3F81];
	_ =	swait.ge [sflag:s4], $0x0  }
0x19: {  	s7 =	sld [smem:$0x3F82]  }
0x1a: {  	s8 =	sadd.s32 $0xFFFFE003, lr  }
0x1b: {  	s9 =	sadd.s32 $0xFFFFFEF7, lr;
	s5 =	simm.s32 $0xFFFFFFFF;
	p2 =	slt.u32 s8, $0xFFFFF086  }
0x1c: {  	p1 =	slt.u32 s9, $0xF7A;
	s5 =	simm.s32 @!p2 $0x0  }
0x1d: {  	s5 =	simm.s32 @p1 $0x1;
	p0 =	seq.s32 s7, s2  }
0x1e: {  	s7 =	smul.u32 @!p0 $0xF7A, s2;
	p2 =	seq.s32 @!p0 s5, $0x0  }
0x1f: {  	s9 =	smul.u32 $0xF7A, s1;
	s8 =	simm.s32 @!p0 $0x1BF5;
	p2 =	por !p2, p0  }
0x20: {  	[sflag:s8] =	ssyncset.s32 @!p0 $0xFFFFF086;
	s6 =	sadd.s32 @!p0 s3, s7;
	s7 =	simm.s32 @!p0 $0x108  }
0x21: {  	s3 =	sadd.s32 s3, s9;
	s6 =	sadd.s32 @!p0 $0x88, s6;
	s7 =	simm.s32 @p2 $0x1082  }
0x22: {  	[simem:s7], [sflag:s8] =	dma.local @!p0 [hbm:s6], $0xF7A  }
0x23: {  	s9 =	sor.u32 $0xD0000000, s2;
	s6 =	simm.s32 $0x108;
	_ =	swait.ge @!p0 [sflag:s8], $0x0  }
0x24: {  	s3 =	sadd.s32 $0x88, s3;
	s6 =	simm.s32 @!p1 $0x1082;
	[sflag:s4] =	ssyncset.s32 $0xFFFFF086  }
0x25: {  	[simem:s6], [sflag:s4] =	dma.local [hbm:s3], $0xF7A  }
0x26: {  	[smem:$0x3F82] =	sst s1;
	(tag) =	ssettag s2;
	_ =	strace s9  }
0x27: {  	s1 =	sld [smem:$0x3F92]  }
0x28: {  	s2 =	sld [smem:$0x3F93]  }
0x29: {  	s4 =	sld [smem:$0x3F95]  }
0x2a: {  	p0 =	seq.s32 s5, $0x0;
	s5 =	sld [smem:$0x3F96]  }
0x2b: {  	s6 =	sld [smem:$0x3F97]  }
0x2c: {  	s7 =	sld [smem:$0x3F98]  }
0x2d: {  	s3 =	simm.s32 $0x108;
	s8 =	sld [smem:$0x3F99]  }
0x2e: {  	s3 =	simm.s32 @!p0 $0x1082;
	s9 =	sld [smem:$0x3F9A]  }
0x2f: {  	lr =	sadd.s32 s0, s3;
	s0 =	sld [smem:$0x3F91]  }
0x30: {  	s3 =	sld [smem:$0x3F94]  }
0x31: {  	[smem:$0x3F9D] =	sst s10  }
0x32: {  	s10 =	sld [smem:$0x3F9B];
	_ =	sdelay $0x3  }
0x33: {  	p0 =	seq.s32 s10, $0x1;
	s10 =	sld [smem:$0x3F9D];
	_ =	sdelay $0x3  }
0x34: {  	[smem:$0x3F9D] =	sst s10  }
0x35: {  	s10 =	sld [smem:$0x3F9C];
	_ =	sdelay $0x3  }
0x36: {  	p1 =	seq.s32 s10, $0x1;
	s10 =	sld [smem:$0x3F9D];
	_ =	sdelay $0x3  }
0x37: {  	[smem:$0x3F9D] =	sst s10  }
0x38: {  	s10 =	sld [smem:$0x3F9E]  }
0x39: {  	_ = 	snop;
	(pc) =	sbr.ind lr, $3  }
0x3a: {  	_ = 	snop  }
0x3b: {  	_ = 	snop  }
0x3c: {  	p2 =	seq.s32 s10, $0x1;
	s10 =	sld [smem:$0x3F9D]  }
0x3d: {  	_ =	shalt  }
0x3e: {  	_ =	shalt  }
0x3f: {  	_ =	shalt  }
0x40: {  	_ =	shalt  }
0x41: {  	_ =	shalt  }
0x42: {  	_ =	shalt  }
0x43: {  	_ =	shalt  }
0x44: {  	_ =	shalt  }
0x45: {  	_ =	shalt  }
0x46: {  	_ =	shalt  }
0x47: {  	_ =	shalt  }
0x48: {  	_ =	shalt  }
0x49: {  	_ =	shalt  }
0x4a: {  	_ =	shalt  }
0x4b: {  	_ =	shalt  }
0x4c: {  	_ =	shalt  }
0x4d: {  	_ =	shalt  }
0x4e: {  	_ =	shalt  }
0x4f: {  	_ =	shalt  }
0x50: {  	_ =	shalt  }
0x51: {  	_ =	shalt  }
0x52: {  	_ =	shalt  }
0x53: {  	_ =	shalt  }
0x54: {  	_ =	shalt  }
0x55: {  	_ =	shalt  }
0x56: {  	_ =	shalt  }
0x57: {  	_ =	shalt  }
0x58: {  	_ =	shalt  }
0x59: {  	_ =	shalt  }
0x5a: {  	_ =	shalt  }
0x5b: {  	_ =	shalt  }
0x5c: {  	_ =	shalt  }
0x5d: {  	_ =	shalt  }
0x5e: {  	_ =	shalt  }
0x5f: {  	_ =	shalt  }
0x60: {  	_ =	shalt  }
0x61: {  	_ =	shalt  }
0x62: {  	_ =	shalt  }
0x63: {  	_ =	shalt  }
0x64: {  	_ =	shalt  }
0x65: {  	_ =	shalt  }
0x66: {  	_ =	shalt  }
0x67: {  	_ =	shalt  }
0x68: {  	_ =	shalt  }
0x69: {  	_ =	shalt  }
0x6a: {  	_ =	shalt  }
0x6b: {  	_ =	shalt  }
0x6c: {  	_ =	shalt  }
0x6d: {  	_ =	shalt  }
0x6e: {  	_ =	shalt  }
0x6f: {  	_ =	shalt  }
0x70: {  	_ =	shalt  }
0x71: {  	_ =	shalt  }
0x72: {  	_ =	shalt  }
0x73: {  	_ =	shalt  }
0x74: {  	_ =	shalt  }
0x75: {  	_ =	shalt  }
0x76: {  	_ =	shalt  }
0x77: {  	_ =	shalt  }
0x78: {  	_ =	shalt  }
0x79: {  	_ =	shalt  }
0x7a: {  	_ =	shalt  }
0x7b: {  	_ =	shalt  }
0x7c: {  	_ =	shalt  }
0x7d: {  	_ =	shalt  }
0x7e: {  	_ =	shalt  }
0x7f: {  	_ =	shalt  }
0x80: {  	_ =	shalt  }
0x81: {  	_ =	shalt  }
0x82: {  	_ =	shalt  }
0x83: {  	_ =	shalt  }
0x84: {  	_ =	shalt  }
0x85: {  	_ =	shalt  }
0x86: {  	_ =	shalt  }
0x87: {  	_ =	shalt  }
.Lfunc_end0:
.L_simem_size_0:
called_computation_lowered:
.L_overlay_start_0:
0x88: {  	s2 =	sld [smem:$0x3FD9]  }
0x89: {  	s3 =	sld [smem:$0x3FFE];
	_ =	sdelay $0x1  }
0x8a: {  	s1 =	srdreg.scid  }
0x8b: {  	s0 =	sand.u32 $0x1, s1  }
0x8c: {  	s17 =	sshll.u32 s0, $0xA;
	s2 =	sadd.s32 s3, s2  }
0x8d: {  	s2 =	sadd.s32 s2, s17  }
0x8e: {  	[smem:$0x3FA9] =	sst s2  }
0x8f: {  	_ = 	snop  }
0x90: {  	s2 =	sld [smem:$0x3FC9];
	(tm) =	ssettm $0x1  }
0x91: {  	s18 =	sld [smem:$0x3FFB];
	_ =	sdelay $0x3  }
0x92: {  	_ =	strace s18  }
0x93: {  	s3 =	sld [smem:$0x3FFC];
	_ =	sdelay $0x3  }
0x94: {  	_ =	strace s3  }
0x95: {  	s3 =	sld [smem:$0x3FFD];
	_ =	sdelay $0x3  }
0x96: {  	_ =	strace s3  }
0x97: {  	_ =	strace $0x8FFFFFFF  }
0x98: {  	s19 =	sld [smem:$0x3FDB];
	_ =	sdelay $0x1  }
0x99: {  	s4 =	simm.s32 $_scs_section_size  }
0x9a: {  	s5 =	simm.s32 $_size__tile_overlayer_lowered;
	s6 =	simm.s32 $_tile_overlayer_lowered  }
0x9b: {  	s22 =	simm.s32 $0x1BFF;
	s21 =	sshll.u32 s6, $0x1;
	s3 =	sadd.s32 s4, s19  }
0x9c: {  	s7 =	simm.s32 $0x0;
	s20 =	sshll.u32 s5, $0x1;
	s5 =	sadd.s32 s21, s3  }
0x9d: {  	[timem:s7], [sflag:s22] =	dma.local [hbm:s5], s20  }
0x9e: {  	_ =	swait.ge [sflag:s22], s20  }
0x9f: {  	s4 =	ssub.s32 $0x0, s20;
	[sflag:s22] =	ssyncset.done $0x0  }
0xa0: {  	[sflag:s22] =	ssyncadd.s32 s4;
	_ =	sdelay $0x1  }
0xa1: {  	s23 =	simm.s32 $0x1B8B  }
0xa2: {  	_ =	swait.ge [sflag:s23], $0x1  }
0xa3: {  	[sflag:s23] =	ssyncset.done $0x0  }
0xa4: {  	s25 =	simm.s32 $0x1B8E;
	s24 =	sld [smem:$0x3FFE];
	[sflag:s23] =	ssyncadd.s32 $0xFFFFFFFF  }
0xa5: {  	s26 =	simm.s32 $execute0_lowered;
	[smem:$0x3FD2] =	sst s25  }
0xa6: {  	s5 =	sshll.u32 s26, $0x1;
	_ =	strace $0x80000046;
	[dreg:$0x1] =	wrdreg $0xFFFFFFFF  }
0xa7: {  	s28 =	simm.s32 $_size_execute0_lowered;
	s3 =	sadd.s32 s3, s5;
	[dreg:$0x0] =	wrdreg $0x0  }
0xa8: {  	s5 =	sshll.u32 s28, $0x1;
	[dreg:$0x2] =	wrdreg s3  }
0xa9: {  	[dreg:$0x3] =	wrdreg s5  }
0xaa: {  	[dreg:$0x4] =	wrdreg $0xC0  }
0xab: {  	_ =	task [dreg:s7], $0x5FFFF  }
0xac: {  	[dreg:$0x1] =	wrdreg $0xFFFFFFFF  }
0xad: {  	[dreg:$0x0] =	wrdreg $0x60  }
0xae: {  	[dreg:$0x2] =	wrdreg s2  }
0xaf: {  	[dreg:$0x3] =	wrdreg s24  }
0xb0: {  	[dreg:$0x4] =	wrdreg $0x9  }
0xb1: {  	_ =	task.clear_ibuf [dreg:s7], $0x5FFFF;
	_ =	strace $0x90000046  }
0xb2: {  	s29 =	simm.s32 $0x9;
	_ =	strace $0x80000048  }
0xb3: {  	_ =	swait.ge [sflag:s29], $0x1  }
0xb4: {  	[sflag:s29] =	ssyncadd.s32 $0xFFFFFFFF  }
0xb5: {  	_ =	strace $0x90000048  }
0xb6: {  	_ =	sfence  }
0xb7: {  	s30 =	sld [smem:$0x0];
	_ =	sdelay $0x2  }
0xb8: {  	s31 =	sshll.u32 s1, $0xD;
	s1 =	sshrl.u32 s1, $0x2  }
0xb9: {  	s3 =	sand.u32 $0x4000, s31;
	s1 =	sadd.s32 s1, s30  }
0xba: {  	s0 =	sor.u32 s3, s0;
	s1 =	sshll.u32 s1, $0x11  }
0xbb: {  	s0 =	sor.u32 s1, s0  }
0xbc: {  	s0 =	sadd.s32 $0x8F2B, s0  }
0xbd: {  	[sflag:s0] =	ssyncadd.remote.s32 $0x1  }
0xbe: {  	_ =	sfence.sel $0xFFFF  }
0xbf: {  	[dreg:$0x0] =	wrdreg $0xFFFFFFFF;
	(pc) =	sbr.abs _section_cstart, $3  }
0xc0: {  	[dreg:$0x1] =	wrdreg $0xFFFFFFFF  }
0xc1: {  	_ =	task.clear_ibuf [dreg:s7], $0x2FFFF;
	_ =	strace $0x9FFFFFFF  }
0xc2: {  	(tm) =	ssettm $0x7FFFFFFF  }
0xc3: {  	_ =	shalt  }
tec
execute0_lowered:
.L_overlay_start_1:
0x0: {  	(tag) =	ssettag $0x1  }
0x1: {  	s2 =	rddreg [dreg:$0x0];
	s1 =	srdreg.scid  }
0x2: {  	s0 =	stileid.u32;
	s4 =	rddreg [dreg:$0x1]  }
0x3: {  	s3 =	simm.s32 $0x0;
	s10 =	simm.s32 $0x1388;
	s11 =	simm.s32 $0x28  }
0x4: {  	s12 =	simm.s32 $0x2710;
	s13 =	simm.s32 $0x3B10;
	s14 =	simm.s32 $0x1  }
0x5: {  	s15 =	simm.s32 $0x2;
	s5 =	sand.u32 $0x1, s1;
	s6 =	sshll.u32 s0, $0x1  }
0x6: {  	s1 =	rddreg [dreg:$0x2];
	s7 =	smul.u32 $0x27100, s0;
	s6 =	sor.u32 s5, s6  }
0x7: {  	s16 =	simm.s32 $0x0;
	[smem:$0x7FF] =	sst s3;
	s6 =	smul.u32 $0x1388, s6  }
0x8: {  	_ =	strace $0x80000047;
	s8 =	ssub.s32 $0x2, s5;
	s5 =	smul.u32 $0x13880, s5  }
0x9: {  	s7 =	sadd.s32 s7, s4;
	s31 =	sshrl.u32 s8, $0x1;
	s6 =	sshrl.u32 s6, $0x3  }
0xa: {  	s8 =	ssub.s32 s8, s31;
	s9 =	sadd.s32 s5, s7;
	s6 =	sadd.s32 s6, s4  }
0xb: {  	s7 =	sadd.s32 $0x280600, s9;
	s4 =	sadd.s32 $0x5600, s6;
	s5 =	sadd.s32 $0xA600, s6  }
0xc: {  	s6 =	smax.u32 s8, $0x1;
	s8 =	sadd.s32 $0xF600, s9;
	s9 =	simm.s32 $0x3  }
.LBB2_1:
0xd: {  	[tilespmem:s3], [sflag:$0x3] =	stream.linear.gather [hbm4b:s4+s3], $0x1388, $0x38;
	[tilespmem:$0x4F10] =	vst v63  }
0xe: {  	_ =	swait.ge [sflag:s9], $0x1388  }
0xf: {  	[sflag:s9] =	ssyncset.done $0x0  }
0x10: {  	[sflag:s9] =	ssyncadd.s32 $0xFFFFEC78  }
0x11: {  	[tilespmem:s10], [sflag:$0x3] =	stream.linear.gather [hbm4b:s5+s3], $0x1388, $0x38;
	[tilespmem:$0x4F10] =	vst v63  }
0x12: {  	_ =	swait.ge [sflag:s9], $0x1388  }
0x13: {  	[sflag:s9] =	ssyncset.done $0x0  }
0x14: {  	s17 =	simm.s32 $0x0;
	[sflag:s9] =	ssyncadd.s32 $0xFFFFEC78  }
0x15: {  	[tilespmem:s12], [sflag:$0x1] =	stream.indirect.gather [hbm4b:s2+s11], $0x80, s17, s11, $0xb8;
	[tilespmem:$0x4F10] =	vst v63  }
0x16: {  	s31 =	simm.s32 $0x1388  }
0x17: {  	[tilespmem:s13], [sflag:$0x2] =	stream.indirect.gather [hbm4b:s2+s11], $0x80, s31, s11, $0xb8;
	[tilespmem:$0x4F10] =	vst v63  }
0x18: {  	_ =	swait.ge [sflag:s14], $0x1400  }
0x19: {  	[sflag:s14] =	ssyncset.done $0x0  }
0x1a: {  	[sflag:s14] =	ssyncadd.s32 $0xFFFFEC00  }
0x1b: {  	[hbm4b:s8+s3] =	stream.linear.scatter [tilespmem:s12], [sflag:$0x3], $0x1400, $0x38;
	[tilespmem:$0x4F10] =	vst v63  }
0x1c: {  	_ =	swait.ge [sflag:s9], $0x1400  }
0x1d: {  	[sflag:s9] =	ssyncset.done $0x0  }
0x1e: {  	[sflag:s9] =	ssyncadd.s32 $0xFFFFEC00  }
0x1f: {  	_ =	swait.ge [sflag:s15], $0x1400  }
0x20: {  	[sflag:s15] =	ssyncset.done $0x0  }
0x21: {  	[sflag:s15] =	ssyncadd.s32 $0xFFFFEC00  }
0x22: {  	[hbm4b:s7+s3] =	stream.linear.scatter [tilespmem:s13], [sflag:$0x3], $0x1400, $0x38;
	[tilespmem:$0x4F10] =	vst v63  }
0x23: {  	s19 =	simm.s32 $0xA0;
	s20 =	simm.s32 $0x140;
	_ =	swait.ge [sflag:s9], $0x1400  }
0x24: {  	s18 =	sadd.s32 $0x280, s8;
	s17 =	sadd.s32 $0x280, s7;
	[sflag:s9] =	ssyncset.done $0x0  }
.LBB2_2:
0x25: {  	s21 =	sshra.s32 s19, $0x2  }
0x26: {  	[sflag:s9] =	ssyncadd.s32 $0xFFFFEC00;
	s19 =	smov.u32 s20;
	s22 =	sadd.s32 $0xA0, s20  }
0x27: {  	[tilespmem:s12], [sflag:$0x1] =	stream.indirect.gather [hbm4b:s2+s11], $0x80, s21, s11, $0xb8;
	[tilespmem:$0x4F10] =	vst v63  }
0x28: {  	p0 =	sne.s32 s20, $0x4D80;
	s20 =	sadd.s32 $0x1388, s21  }
0x29: {  	[tilespmem:s13], [sflag:$0x2] =	stream.indirect.gather [hbm4b:s2+s11], $0x80, s20, s11, $0xb8;
	[tilespmem:$0x4F10] =	vst v63  }
0x2a: {  	_ =	swait.ge [sflag:s14], $0x1400  }
0x2b: {  	[sflag:s14] =	ssyncset.done $0x0  }
0x2c: {  	[sflag:s14] =	ssyncadd.s32 $0xFFFFEC00  }
0x2d: {  	[hbm4b:s18+s3] =	stream.linear.scatter [tilespmem:s12], [sflag:$0x3], $0x1400, $0x38;
	[tilespmem:$0x4F10] =	vst v63  }
0x2e: {  	_ =	swait.ge [sflag:s9], $0x1400  }
0x2f: {  	[sflag:s9] =	ssyncset.done $0x0  }
0x30: {  	[sflag:s9] =	ssyncadd.s32 $0xFFFFEC00  }
0x31: {  	_ =	swait.ge [sflag:s15], $0x1400  }
.Ltmp0:
0x32: {  	[sflag:s15] =	ssyncset.done $0x0;
	(pc) =	sbr.rel @p0 .LBB2_2-.Ltmp0, $4  }
0x33: {  	[sflag:s15] =	ssyncadd.s32 $0xFFFFEC00  }
0x34: {  	[hbm4b:s17+s3] =	stream.linear.scatter [tilespmem:s13], [sflag:$0x3], $0x1400, $0x38;
	[tilespmem:$0x4F10] =	vst v63  }
0x35: {  	s20 =	smov.u32 s22;
	_ =	swait.ge [sflag:s9], $0x1400  }
0x36: {  	s18 =	sadd.s32 $0x280, s18;
	s17 =	sadd.s32 $0x280, s17;
	[sflag:s9] =	ssyncset.done $0x0  }
0x37: {  	s19 =	sshra.s32 s19, $0x2;
	[sflag:s9] =	ssyncadd.s32 $0xFFFFEC00  }
0x38: {  	[tilespmem:s12], [sflag:$0x1] =	stream.indirect.gather [hbm4b:s2+s11], $0x80, s19, s11, $0xb8;
	[tilespmem:$0x4F10] =	vst v63  }
0x39: {  	s19 =	sadd.s32 $0x1388, s19  }
0x3a: {  	[tilespmem:s13], [sflag:$0x2] =	stream.indirect.gather [hbm4b:s2+s11], $0x80, s19, s11, $0xb8;
	[tilespmem:$0x4F10] =	vst v63  }
0x3b: {  	_ =	swait.ge [sflag:s14], $0x1400  }
0x3c: {  	[sflag:s14] =	ssyncset.done $0x0  }
0x3d: {  	[sflag:s14] =	ssyncadd.s32 $0xFFFFEC00  }
0x3e: {  	[hbm4b:s18+s3] =	stream.linear.scatter [tilespmem:s12], [sflag:$0x3], $0x1400, $0x38;
	[tilespmem:$0x4F10] =	vst v63  }
0x3f: {  	_ =	swait.ge [sflag:s9], $0x1400  }
0x40: {  	[sflag:s9] =	ssyncset.done $0x0  }
0x41: {  	[sflag:s9] =	ssyncadd.s32 $0xFFFFEC00  }
0x42: {  	s16 =	sadd.s32 $0x1, s16;
	_ =	swait.ge [sflag:s15], $0x1400  }
0x43: {  	p0 =	sne.s32 s16, s6;
	[sflag:s15] =	ssyncset.done $0x0  }
.Ltmp1:
0x44: {  	[sflag:s15] =	ssyncadd.s32 $0xFFFFEC00;
	(pc) =	sbr.rel @p0 .LBB2_1-.Ltmp1, $4  }
0x45: {  	[hbm4b:s17+s3] =	stream.linear.scatter [tilespmem:s13], [sflag:$0x3], $0x1400, $0x38;
	[tilespmem:$0x4F10] =	vst v63  }
0x46: {  	_ =	swait.ge [sflag:s9], $0x1400  }
0x47: {  	[sflag:s9] =	ssyncset.done $0x0  }
0x48: {  	[sflag:s9] =	ssyncadd.s32 $0xFFFFEC00  }
0x49: {  	_ =	sfence.sel $0x180000  }
0x4a: {  	[bflag:$0x0] =	sbarrier.arrive $0xFFFF  }
0x4b: {  	p0 =	sne.s32 s0, $0x0;
	_ =	strace $0x90000047  }
0x4c: {  	s0 =	sadd.s32 @!p0 $0x100000, s1;
	[bflag:$0x2] =	sbarrier.arrive $0xFFFF  }
0x4d: {  	[sflag:s0] =	ssyncadd.tile.s32 @!p0 $0x1;
	_ =	shalt  }
.Lfunc_end2:
_tile_overlayer_lowered:
.L_overlay_start_2:
0x4e: {  	(tag) =	ssettag $0x2  }
0x4f: {  	s0 =	rddreg [dreg:$0x0];
	s2 =	stileid.u32  }
0x50: {  	s1 =	rddreg [dreg:$0x1];
	p0 =	sne.s32 s2, $0x0  }
0x51: {  	s3 =	rddreg [dreg:$0x2];
	[bflag:$0x3] =	sbarrier.arrive $0xFFFF;
	s2 =	simm.s32 @!p0 $0x1C03  }
0x52: {  	[timem:s3], [sflag:s2] =	dma.local @!p0 [hbm:s0], s1  }
0x53: {  	s0 =	simm.s32 @!p0 $0x3  }
0x54: {  	_ =	swait.ge @!p0 [sflag:s0], s1  }
0x55: {  	s1 =	ssub.s32 @!p0 $0x0, s1;
	[sflag:s0] =	ssyncset.done @!p0 $0x0  }
0x56: {  	[sflag:s0] =	ssyncadd.s32 @!p0 s1  }
0x57: {  	[bflag:$0x3] =	sbarrier.arrive $0xFFFF  }
0x58: {  	_ =	shalt  }

// kernel: kernel.13.cloned.1.call-start
scs
__scs_entry_jumppad:
0x0: {  	(pc) =	sbr.rel $0x88, $3  }
0x1: {  	(tag) =	ssettag $0x0;
	lr =	simm.s32 $0x1  }
0x2: {  	[smem:$0x3F82] =	sst lr;
	_ =	strace $0xD0000000  }
0x3: {  	_ = 	snop  }
0x4: {  	_ = 	snop  }
0x5: {  	_ = 	snop  }
0x6: {  	_ = 	snop  }
0x7: {  	_ = 	snop  }
__scs_overlays_trampoline_lowered:
0x8: {  	[smem:$0x3F91] =	sst s0  }
0x9: {  	[smem:$0x3F92] =	sst s1  }
0xa: {  	[smem:$0x3F93] =	sst s2  }
0xb: {  	[smem:$0x3F94] =	sst s3  }
0xc: {  	[smem:$0x3F95] =	sst s4  }
0xd: {  	[smem:$0x3F96] =	sst s5  }
0xe: {  	[smem:$0x3F97] =	sst s6  }
0xf: {  	[smem:$0x3F98] =	sst s7  }
0x10: {  	[smem:$0x3F99] =	sst s8  }
0x11: {  	[smem:$0x3F9A] =	sst s9;
	s0 =	simm.s32 @!p0 $0x0  }
0x12: {  	s1 =	sld [smem:$0x3F80];
	s0 =	simm.s32 @p0 $0x1  }
0x13: {  	[smem:$0x3F9B] =	sst s0;
	s0 =	simm.s32 @!p1 $0x0  }
0x14: {  	s2 =	sld [smem:$0x3F7F];
	s0 =	simm.s32 @p1 $0x1  }
0x15: {  	[smem:$0x3F9C] =	sst s0;
	s0 =	simm.s32 @!p2 $0x0  }
0x16: {  	s3 =	sld [smem:$0x3FDB];
	s0 =	simm.s32 @p2 $0x1  }
0x17: {  	s4 =	simm.s32 $0x1BF5;
	[smem:$0x3F9E] =	sst s0  }
0x18: {  	s0 =	sld [smem:$0x3F81];
	_ =	swait.ge [sflag:s4], $0x0  }
0x19: {  	s7 =	sld [smem:$0x3F82]  }
0x1a: {  	s8 =	sadd.s32 $0xFFFFE003, lr  }
0x1b: {  	s9 =	sadd.s32 $0xFFFFFEF7, lr;
	s5 =	simm.s32 $0xFFFFFFFF;
	p2 =	slt.u32 s8, $0xFFFFF086  }
0x1c: {  	p1 =	slt.u32 s9, $0xF7A;
	s5 =	simm.s32 @!p2 $0x0  }
0x1d: {  	s5 =	simm.s32 @p1 $0x1;
	p0 =	seq.s32 s7, s2  }
0x1e: {  	s7 =	smul.u32 @!p0 $0xF7A, s2;
	p2 =	seq.s32 @!p0 s5, $0x0  }
0x1f: {  	s9 =	smul.u32 $0xF7A, s1;
	s8 =	simm.s32 @!p0 $0x1BF5;
	p2 =	por !p2, p0  }
0x20: {  	[sflag:s8] =	ssyncset.s32 @!p0 $0xFFFFF086;
	s6 =	sadd.s32 @!p0 s3, s7;
	s7 =	simm.s32 @!p0 $0x108  }
0x21: {  	s3 =	sadd.s32 s3, s9;
	s6 =	sadd.s32 @!p0 $0x88, s6;
	s7 =	simm.s32 @p2 $0x1082  }
0x22: {  	[simem:s7], [sflag:s8] =	dma.local @!p0 [hbm:s6], $0xF7A  }
0x23: {  	s9 =	sor.u32 $0xD0000000, s2;
	s6 =	simm.s32 $0x108;
	_ =	swait.ge @!p0 [sflag:s8], $0x0  }
0x24: {  	s3 =	sadd.s32 $0x88, s3;
	s6 =	simm.s32 @!p1 $0x1082;
	[sflag:s4] =	ssyncset.s32 $0xFFFFF086  }
0x25: {  	[simem:s6], [sflag:s4] =	dma.local [hbm:s3], $0xF7A  }
0x26: {  	[smem:$0x3F82] =	sst s1;
	(tag) =	ssettag s2;
	_ =	strace s9  }
0x27: {  	s1 =	sld [smem:$0x3F92]  }
0x28: {  	s2 =	sld [smem:$0x3F93]  }
0x29: {  	s4 =	sld [smem:$0x3F95]  }
0x2a: {  	p0 =	seq.s32 s5, $0x0;
	s5 =	sld [smem:$0x3F96]  }
0x2b: {  	s6 =	sld [smem:$0x3F97]  }
0x2c: {  	s7 =	sld [smem:$0x3F98]  }
0x2d: {  	s3 =	simm.s32 $0x108;
	s8 =	sld [smem:$0x3F99]  }
0x2e: {  	s3 =	simm.s32 @!p0 $0x1082;
	s9 =	sld [smem:$0x3F9A]  }
0x2f: {  	lr =	sadd.s32 s0, s3;
	s0 =	sld [smem:$0x3F91]  }
0x30: {  	s3 =	sld [smem:$0x3F94]  }
0x31: {  	[smem:$0x3F9D] =	sst s10  }
0x32: {  	s10 =	sld [smem:$0x3F9B];
	_ =	sdelay $0x3  }
0x33: {  	p0 =	seq.s32 s10, $0x1;
	s10 =	sld [smem:$0x3F9D];
	_ =	sdelay $0x3  }
0x34: {  	[smem:$0x3F9D] =	sst s10  }
0x35: {  	s10 =	sld [smem:$0x3F9C];
	_ =	sdelay $0x3  }
0x36: {  	p1 =	seq.s32 s10, $0x1;
	s10 =	sld [smem:$0x3F9D];
	_ =	sdelay $0x3  }
0x37: {  	[smem:$0x3F9D] =	sst s10  }
0x38: {  	s10 =	sld [smem:$0x3F9E]  }
0x39: {  	_ = 	snop;
	(pc) =	sbr.ind lr, $3  }
0x3a: {  	_ = 	snop  }
0x3b: {  	_ = 	snop  }
0x3c: {  	p2 =	seq.s32 s10, $0x1;
	s10 =	sld [smem:$0x3F9D]  }
0x3d: {  	_ =	shalt  }
0x3e: {  	_ =	shalt  }
0x3f: {  	_ =	shalt  }
0x40: {  	_ =	shalt  }
0x41: {  	_ =	shalt  }
0x42: {  	_ =	shalt  }
0x43: {  	_ =	shalt  }
0x44: {  	_ =	shalt  }
0x45: {  	_ =	shalt  }
0x46: {  	_ =	shalt  }
0x47: {  	_ =	shalt  }
0x48: {  	_ =	shalt  }
0x49: {  	_ =	shalt  }
0x4a: {  	_ =	shalt  }
0x4b: {  	_ =	shalt  }
0x4c: {  	_ =	shalt  }
0x4d: {  	_ =	shalt  }
0x4e: {  	_ =	shalt  }
0x4f: {  	_ =	shalt  }
0x50: {  	_ =	shalt  }
0x51: {  	_ =	shalt  }
0x52: {  	_ =	shalt  }
0x53: {  	_ =	shalt  }
0x54: {  	_ =	shalt  }
0x55: {  	_ =	shalt  }
0x56: {  	_ =	shalt  }
0x57: {  	_ =	shalt  }
0x58: {  	_ =	shalt  }
0x59: {  	_ =	shalt  }
0x5a: {  	_ =	shalt  }
0x5b: {  	_ =	shalt  }
0x5c: {  	_ =	shalt  }
0x5d: {  	_ =	shalt  }
0x5e: {  	_ =	shalt  }
0x5f: {  	_ =	shalt  }
0x60: {  	_ =	shalt  }
0x61: {  	_ =	shalt  }
0x62: {  	_ =	shalt  }
0x63: {  	_ =	shalt  }
0x64: {  	_ =	shalt  }
0x65: {  	_ =	shalt  }
0x66: {  	_ =	shalt  }
0x67: {  	_ =	shalt  }
0x68: {  	_ =	shalt  }
0x69: {  	_ =	shalt  }
0x6a: {  	_ =	shalt  }
0x6b: {  	_ =	shalt  }
0x6c: {  	_ =	shalt  }
0x6d: {  	_ =	shalt  }
0x6e: {  	_ =	shalt  }
0x6f: {  	_ =	shalt  }
0x70: {  	_ =	shalt  }
0x71: {  	_ =	shalt  }
0x72: {  	_ =	shalt  }
0x73: {  	_ =	shalt  }
0x74: {  	_ =	shalt  }
0x75: {  	_ =	shalt  }
0x76: {  	_ =	shalt  }
0x77: {  	_ =	shalt  }
0x78: {  	_ =	shalt  }
0x79: {  	_ =	shalt  }
0x7a: {  	_ =	shalt  }
0x7b: {  	_ =	shalt  }
0x7c: {  	_ =	shalt  }
0x7d: {  	_ =	shalt  }
0x7e: {  	_ =	shalt  }
0x7f: {  	_ =	shalt  }
0x80: {  	_ =	shalt  }
0x81: {  	_ =	shalt  }
0x82: {  	_ =	shalt  }
0x83: {  	_ =	shalt  }
0x84: {  	_ =	shalt  }
0x85: {  	_ =	shalt  }
0x86: {  	_ =	shalt  }
0x87: {  	_ =	shalt  }
.Lfunc_end0:
.L_simem_size_0:
called_computation.1_lowered:
.L_overlay_start_0:
0x88: {  	s2 =	sld [smem:$0x3FD9]  }
0x89: {  	s3 =	sld [smem:$0x3FFE];
	_ =	sdelay $0x1  }
0x8a: {  	s1 =	srdreg.scid  }
0x8b: {  	s0 =	sand.u32 $0x1, s1  }
0x8c: {  	s16 =	sshll.u32 s0, $0xA;
	s2 =	sadd.s32 s3, s2  }
0x8d: {  	s2 =	sadd.s32 s2, s16  }
0x8e: {  	[smem:$0x3FA9] =	sst s2  }
0x8f: {  	_ = 	snop  }
0x90: {  	(tm) =	ssettm $0x1  }
0x91: {  	s17 =	sld [smem:$0x3FFB];
	_ =	sdelay $0x3  }
0x92: {  	_ =	strace s17  }
0x93: {  	s2 =	sld [smem:$0x3FFC];
	_ =	sdelay $0x3  }
0x94: {  	_ =	strace s2  }
0x95: {  	s2 =	sld [smem:$0x3FFD];
	_ =	sdelay $0x3  }
0x96: {  	_ =	strace s2  }
0x97: {  	_ =	strace $0x8FFFFFFF  }
0x98: {  	s18 =	sld [smem:$0x3FDB];
	_ =	sdelay $0x1  }
0x99: {  	s19 =	simm.s32 $_scs_section_size  }
0x9a: {  	s4 =	simm.s32 $_size__tile_overlayer_lowered;
	s5 =	simm.s32 $_tile_overlayer_lowered  }
0x9b: {  	s22 =	simm.s32 $0x1BFF;
	s21 =	sshll.u32 s5, $0x1;
	s2 =	sadd.s32 s19, s18  }
0x9c: {  	s6 =	simm.s32 $0x0;
	s20 =	sshll.u32 s4, $0x1;
	s4 =	sadd.s32 s21, s2  }
0x9d: {  	[timem:s6], [sflag:s22] =	dma.local [hbm:s4], s20  }
0x9e: {  	_ =	swait.ge [sflag:s22], s20  }
0x9f: {  	s3 =	ssub.s32 $0x0, s20;
	[sflag:s22] =	ssyncset.done $0x0  }
0xa0: {  	[sflag:s22] =	ssyncadd.s32 s3;
	_ =	sdelay $0x1  }
0xa1: {  	s23 =	simm.s32 $0x1B8B  }
0xa2: {  	_ =	swait.ge [sflag:s23], $0x1  }
0xa3: {  	[sflag:s23] =	ssyncset.done $0x0  }
0xa4: {  	s25 =	simm.s32 $0x1B8E;
	s24 =	sld [smem:$0x3FFE];
	[sflag:s23] =	ssyncadd.s32 $0xFFFFFFFF  }
0xa5: {  	s26 =	simm.s32 $execute0_lowered;
	[smem:$0x3FD2] =	sst s25  }
0xa6: {  	s4 =	sshll.u32 s26, $0x1;
	_ =	strace $0x80000049;
	[dreg:$0x1] =	wrdreg $0xFFFFFFFF  }
0xa7: {  	s28 =	simm.s32 $_size_execute0_lowered;
	s2 =	sadd.s32 s2, s4;
	[dreg:$0x0] =	wrdreg $0x0  }
0xa8: {  	s4 =	sshll.u32 s28, $0x1;
	[dreg:$0x2] =	wrdreg s2  }
0xa9: {  	[dreg:$0x3] =	wrdreg s4  }
0xaa: {  	[dreg:$0x4] =	wrdreg $0xC0  }
0xab: {  	_ =	task [dreg:s6], $0x5FFFF  }
0xac: {  	[dreg:$0x1] =	wrdreg $0xFFFFFFFF  }
0xad: {  	[dreg:$0x0] =	wrdreg $0x60  }
0xae: {  	[dreg:$0x2] =	wrdreg s24  }
0xaf: {  	[dreg:$0x3] =	wrdreg $0x18880  }
0xb0: {  	[dreg:$0x4] =	wrdreg $0x9  }
0xb1: {  	_ =	task.clear_ibuf [dreg:s6], $0x5FFFF;
	_ =	strace $0x90000049  }
0xb2: {  	s29 =	simm.s32 $0x9;
	_ =	strace $0x8000004B  }
0xb3: {  	_ =	swait.ge [sflag:s29], $0x1  }
0xb4: {  	[sflag:s29] =	ssyncadd.s32 $0xFFFFFFFF  }
0xb5: {  	_ =	strace $0x9000004B  }
0xb6: {  	_ =	sfence  }
0xb7: {  	s30 =	sld [smem:$0x0];
	_ =	sdelay $0x2  }
0xb8: {  	s31 =	sshll.u32 s1, $0xD;
	s1 =	sshrl.u32 s1, $0x2  }
0xb9: {  	s3 =	sand.u32 $0x4000, s31;
	s1 =	sadd.s32 s1, s30  }
0xba: {  	s0 =	sor.u32 s3, s0;
	s1 =	sshll.u32 s1, $0x11  }
0xbb: {  	s0 =	sor.u32 s1, s0  }
0xbc: {  	s0 =	sadd.s32 $0x8F2B, s0  }
0xbd: {  	[sflag:s0] =	ssyncadd.remote.s32 $0x1  }
0xbe: {  	_ =	sfence.sel $0xFFFF  }
0xbf: {  	[dreg:$0x0] =	wrdreg $0xFFFFFFFF;
	(pc) =	sbr.abs _section_cstart, $3  }
0xc0: {  	[dreg:$0x1] =	wrdreg $0xFFFFFFFF  }
0xc1: {  	_ =	task.clear_ibuf [dreg:s6], $0x2FFFF;
	_ =	strace $0x9FFFFFFF  }
0xc2: {  	(tm) =	ssettm $0x7FFFFFFF  }
0xc3: {  	_ =	shalt  }
tec
execute0_lowered:
.L_overlay_start_1:
0x0: {  	(tag) =	ssettag $0x1  }
0x1: {  	s0 =	srdreg.scid;
	s5 =	rddreg [dreg:$0x0]  }
0x2: {  	s15 =	stileid.u32;
	s1 =	rddreg [dreg:$0x1];
	s2 =	simm.s32 $0x0  }
0x3: {  	s14 =	simm.s32 $0x1360;
	s17 =	simm.s32 $0x0;
	s4 =	sand.u32 $0x1, s0  }
0x4: {  	s25 =	sshll.u32 s15, $0x1;
	s0 =	rddreg [dreg:$0x2];
	s8 =	smul.u32 $0x2780, s15  }
0x5: {  	[smem:$0x7FF] =	sst s2;
	s9 =	sadd.s32 $0xF600, s5;
	s11 =	smul.u32 $0x2710, s15  }
0x6: {  	p0 =	sne.s32 s15, $0x0;
	s15 =	sshll.u32 s15, $0x6;
	s7 =	smul.u32 $0x27800, s4  }
0x7: {  	s6 =	sor.u32 s4, s25;
	_ =	strace $0x8000004A;
	s13 =	smul.u32 $0x1388, s4  }
0x8: {  	s12 =	ssub.s32 $0x2, s4;
	s15 =	sor.u32 $0x1C02, s15;
	s3 =	smul.u32 $0x1388, s6  }
0x9: {  	s26 =	sshrl.u32 s12, $0x1;
	s28 =	smul.u32 $0x2710, s6;
	s16 =	sadd.s32 s8, s1  }
0xa: {  	s7 =	sadd.s32 s8, s7;
	s12 =	ssub.s32 s12, s26;
	s29 =	sadd.s32 s13, s11  }
0xb: {  	s11 =	simm.s32 $0x1388;
	s13 =	simm.s32 $0x28;
	s16 =	sshrl.u32 s16, $0x3  }
0xc: {  	s3 =	sshrl.u32 s3, $0x3;
	s7 =	sshrl.u32 s7, $0x3;
	s30 =	sshll.u32 s29, $0x1  }
0xd: {  	s10 =	sadd.s32 s3, s5;
	s3 =	sadd.s32 $0x5D800, s5;
	s7 =	sadd.s32 s7, s5  }
0xe: {  	s5 =	sadd.s32 s9, s28;
	s31 =	sadd.s32 s9, s30;
	s9 =	sshrl.u32 @!p0 s1, $0x3  }
0xf: {  	s4 =	sadd.s32 $0x5600, s10;
	s6 =	sadd.s32 $0x62800, s7;
	s7 =	smax.u32 s12, $0x1  }
0x10: {  	s8 =	sadd.s32 $0x50, s31;
	s10 =	simm.s32 $0x2;
	s12 =	simm.s32 $0x1  }
.LBB2_1:
0x11: {  	s18 =	simm.s32 @!p0 $0x1C02  }
0x12: {  	[spmem:s9], [sflag:s18] =	dma.local @!p0 [hbm:s3], $0x4F00  }
0x13: {  	s18 =	simm.s32 @!p0 $0x2  }
0x14: {  	_ =	swait.ge @!p0 [sflag:s18], $0x4F00  }
0x15: {  	[sflag:s18] =	ssyncset.done @!p0 $0x0  }
0x16: {  	[sflag:s18] =	ssyncadd.s32 @!p0 $0xFFFFB100  }
0x17: {  	[bflag:$0x0] =	sbarrier.arrive $0xFFFF  }
0x18: {  	[tilespmem:s2], [sflag:$0x2] =	stream.linear.gather [hbm4b:s4+s2], $0x1388, $0x38;
	[tilespmem:$0x4008] =	vst v63  }
0x19: {  	s19 =	simm.s32 $0x1;
	_ =	swait.ge [sflag:s10], $0x1388  }
0x1a: {  	s30 =	sand.u32 $0x1, s19;
	[sflag:s10] =	ssyncset.done $0x0  }
0x1b: {  	p1 =	seq.s32 s30, $0x1;
	s18 =	simm.s32 $0x1608;
	[sflag:s10] =	ssyncadd.s32 $0xFFFFEC78  }
0x1c: {  	[tilespmem:s11], [sflag:$0x1] =	stream.linear.gather [hbm4b:s5+s2], $0x280, $0x38;
	[tilespmem:$0x4008] =	vst v63  }
0x1d: {  	s18 =	simm.s32 @!p1 $0x1388  }
0x1e: {  	[tilespmem:s18], [sflag:$0x1] =	stream.linear.gather [hbm4b:s8+s2], $0x280, $0x38;
	[tilespmem:$0x4008] =	vst v63  }
0x1f: {  	s31 =	sand.u32 $0x1, s2;
	s20 =	smov.u32 s8;
	_ =	swait.ge [sflag:s12], $0x280  }
0x20: {  	p1 =	seq.s32 s31, $0x1;
	s18 =	simm.s32 $0x0;
	[sflag:s12] =	ssyncset.done $0x0  }
.LBB2_2:
0x21: {  	s21 =	simm.s32 $0x1608;
	[sflag:s12] =	ssyncadd.s32 $0xFFFFFD80  }
0x22: {  	s22 =	smov.u32 s19;
	s23 =	sadd.s32 $0x1, s19;
	s21 =	simm.s32 @!p1 $0x1388  }
0x23: {  	[spmem:s1] =	stream.indirect.scatter.add.f32 [tilespmem:s21], [sflag:$0x2], $0x10, s18, s13, $0xb8;
	[tilespmem:$0x4008] =	vst v63  }
0x24: {  	s20 =	sadd.s32 $0x50, s20;
	s21 =	sand.u32 $0x1, s23  }
0x25: {  	p2 =	sne.s32 s19, $0x7B;
	_ =	swait.ge [sflag:s10], $0x280;
	p1 =	seq.s32 s21, $0x1  }
.Ltmp0:
0x26: {  	s21 =	simm.s32 $0x1608;
	[sflag:s10] =	ssyncset.done $0x0;
	(pc) =	sbr.rel @p2 .LBB2_2-.Ltmp0, $4  }
0x27: {  	s21 =	simm.s32 @!p1 $0x1388;
	[sflag:s10] =	ssyncadd.s32 $0xFFFFFD80  }
0x28: {  	[tilespmem:s21], [sflag:$0x1] =	stream.linear.gather [hbm4b:s20+s2], $0x280, $0x38;
	[tilespmem:$0x4008] =	vst v63  }
0x29: {  	s19 =	sand.u32 $0x1, s22;
	s18 =	sadd.s32 $0x28, s18;
	_ =	swait.ge [sflag:s12], $0x280  }
0x2a: {  	p1 =	seq.s32 s19, $0x1;
	s19 =	smov.u32 s23;
	[sflag:s12] =	ssyncset.done $0x0  }
0x2b: {  	s19 =	simm.s32 $0x1608  }
0x2c: {  	[sflag:s12] =	ssyncadd.s32 $0xFFFFFD80;
	s19 =	simm.s32 @!p1 $0x1388  }
0x2d: {  	[spmem:s1] =	stream.indirect.scatter.add.f32 [tilespmem:s19], [sflag:$0x2], $0x10, s18, s13, $0xb8;
	[tilespmem:$0x4008] =	vst v63  }
0x2e: {  	_ =	swait.ge [sflag:s10], $0x280  }
0x2f: {  	[sflag:s10] =	ssyncset.done $0x0  }
0x30: {  	[sflag:s10] =	ssyncadd.s32 $0xFFFFFD80  }
0x31: {  	_ =	swait.ge [sflag:s12], $0x280  }
0x32: {  	[sflag:s12] =	ssyncset.done $0x0  }
0x33: {  	[sflag:s12] =	ssyncadd.s32 $0xFFFFFD80  }
0x34: {  	[spmem:s1] =	stream.indirect.scatter.add.f32 [tilespmem:s11], [sflag:$0x2], $0x10, s14, s13, $0xb8;
	[tilespmem:$0x4008] =	vst v63  }
0x35: {  	_ =	swait.ge [sflag:s10], $0x280  }
0x36: {  	s17 =	sadd.s32 $0x1, s17;
	[sflag:s10] =	ssyncset.done $0x0  }
0x37: {  	p1 =	sne.s32 s17, s7;
	[sflag:s10] =	ssyncadd.s32 $0xFFFFFD80  }
.Ltmp1:
0x38: {  	[bflag:$0x0] =	sbarrier.arrive $0xFFFF;
	(pc) =	sbr.rel @p1 .LBB2_1-.Ltmp1, $4  }
0x39: {  	[hbm:s6], [sflag:s15] =	dma.local [spmem:s16], $0x4F0  }
0x3a: {  	_ =	swait.ge [sflag:s10], $0x4F0  }
0x3b: {  	[sflag:s10] =	ssyncset.done $0x0  }
0x3c: {  	[sflag:s10] =	ssyncadd.s32 $0xFFFFFB10  }
0x3d: {  	_ =	sfence.sel $0x180000  }
0x3e: {  	[bflag:$0x0] =	sbarrier.arrive $0xFFFF  }
0x3f: {  	_ =	strace $0x9000004A  }
0x40: {  	s0 =	sadd.s32 @!p0 $0x100000, s0;
	[bflag:$0x2] =	sbarrier.arrive $0xFFFF  }
0x41: {  	[sflag:s0] =	ssyncadd.tile.s32 @!p0 $0x1;
	_ =	shalt  }
.Lfunc_end2:
_tile_overlayer_lowered:
.L_overlay_start_2:
0x42: {  	(tag) =	ssettag $0x2  }
0x43: {  	s0 =	rddreg [dreg:$0x0];
	s2 =	stileid.u32  }
0x44: {  	s1 =	rddreg [dreg:$0x1];
	p0 =	sne.s32 s2, $0x0  }
0x45: {  	s3 =	rddreg [dreg:$0x2];
	[bflag:$0x3] =	sbarrier.arrive $0xFFFF;
	s2 =	simm.s32 @!p0 $0x1C02  }
0x46: {  	[timem:s3], [sflag:s2] =	dma.local @!p0 [hbm:s0], s1  }
0x47: {  	s0 =	simm.s32 @!p0 $0x2  }
0x48: {  	_ =	swait.ge @!p0 [sflag:s0], s1  }
0x49: {  	s1 =	ssub.s32 @!p0 $0x0, s1;
	[sflag:s0] =	ssyncset.done @!p0 $0x0  }
0x4a: {  	[sflag:s0] =	ssyncadd.s32 @!p0 s1  }
0x4b: {  	[bflag:$0x3] =	sbarrier.arrive $0xFFFF  }
0x4c: {  	_ =	shalt  }

// kernel: kernel.16.cloned.1.call-start
scs
__scs_entry_jumppad:
0x0: {  	(pc) =	sbr.rel $0x88, $3  }
0x1: {  	(tag) =	ssettag $0x0;
	lr =	simm.s32 $0x1  }
0x2: {  	[smem:$0x3F82] =	sst lr;
	_ =	strace $0xD0000000  }
0x3: {  	_ = 	snop  }
0x4: {  	_ = 	snop  }
0x5: {  	_ = 	snop  }
0x6: {  	_ = 	snop  }
0x7: {  	_ = 	snop  }
__scs_overlays_trampoline_lowered:
0x8: {  	[smem:$0x3F91] =	sst s0  }
0x9: {  	[smem:$0x3F92] =	sst s1  }
0xa: {  	[smem:$0x3F93] =	sst s2  }
0xb: {  	[smem:$0x3F94] =	sst s3  }
0xc: {  	[smem:$0x3F95] =	sst s4  }
0xd: {  	[smem:$0x3F96] =	sst s5  }
0xe: {  	[smem:$0x3F97] =	sst s6  }
0xf: {  	[smem:$0x3F98] =	sst s7  }
0x10: {  	[smem:$0x3F99] =	sst s8  }
0x11: {  	[smem:$0x3F9A] =	sst s9;
	s0 =	simm.s32 @!p0 $0x0  }
0x12: {  	s1 =	sld [smem:$0x3F80];
	s0 =	simm.s32 @p0 $0x1  }
0x13: {  	[smem:$0x3F9B] =	sst s0;
	s0 =	simm.s32 @!p1 $0x0  }
0x14: {  	s2 =	sld [smem:$0x3F7F];
	s0 =	simm.s32 @p1 $0x1  }
0x15: {  	[smem:$0x3F9C] =	sst s0;
	s0 =	simm.s32 @!p2 $0x0  }
0x16: {  	s3 =	sld [smem:$0x3FDB];
	s0 =	simm.s32 @p2 $0x1  }
0x17: {  	s4 =	simm.s32 $0x1BF5;
	[smem:$0x3F9E] =	sst s0  }
0x18: {  	s0 =	sld [smem:$0x3F81];
	_ =	swait.ge [sflag:s4], $0x0  }
0x19: {  	s7 =	sld [smem:$0x3F82]  }
0x1a: {  	s8 =	sadd.s32 $0xFFFFE003, lr  }
0x1b: {  	s9 =	sadd.s32 $0xFFFFFEF7, lr;
	s5 =	simm.s32 $0xFFFFFFFF;
	p2 =	slt.u32 s8, $0xFFFFF086  }
0x1c: {  	p1 =	slt.u32 s9, $0xF7A;
	s5 =	simm.s32 @!p2 $0x0  }
0x1d: {  	s5 =	simm.s32 @p1 $0x1;
	p0 =	seq.s32 s7, s2  }
0x1e: {  	s7 =	smul.u32 @!p0 $0xF7A, s2;
	p2 =	seq.s32 @!p0 s5, $0x0  }
0x1f: {  	s9 =	smul.u32 $0xF7A, s1;
	s8 =	simm.s32 @!p0 $0x1BF5;
	p2 =	por !p2, p0  }
0x20: {  	[sflag:s8] =	ssyncset.s32 @!p0 $0xFFFFF086;
	s6 =	sadd.s32 @!p0 s3, s7;
	s7 =	simm.s32 @!p0 $0x108  }
0x21: {  	s3 =	sadd.s32 s3, s9;
	s6 =	sadd.s32 @!p0 $0x88, s6;
	s7 =	simm.s32 @p2 $0x1082  }
0x22: {  	[simem:s7], [sflag:s8] =	dma.local @!p0 [hbm:s6], $0xF7A  }
0x23: {  	s9 =	sor.u32 $0xD0000000, s2;
	s6 =	simm.s32 $0x108;
	_ =	swait.ge @!p0 [sflag:s8], $0x0  }
0x24: {  	s3 =	sadd.s32 $0x88, s3;
	s6 =	simm.s32 @!p1 $0x1082;
	[sflag:s4] =	ssyncset.s32 $0xFFFFF086  }
0x25: {  	[simem:s6], [sflag:s4] =	dma.local [hbm:s3], $0xF7A  }
0x26: {  	[smem:$0x3F82] =	sst s1;
	(tag) =	ssettag s2;
	_ =	strace s9  }
0x27: {  	s1 =	sld [smem:$0x3F92]  }
0x28: {  	s2 =	sld [smem:$0x3F93]  }
0x29: {  	s4 =	sld [smem:$0x3F95]  }
0x2a: {  	p0 =	seq.s32 s5, $0x0;
	s5 =	sld [smem:$0x3F96]  }
0x2b: {  	s6 =	sld [smem:$0x3F97]  }
0x2c: {  	s7 =	sld [smem:$0x3F98]  }
0x2d: {  	s3 =	simm.s32 $0x108;
	s8 =	sld [smem:$0x3F99]  }
0x2e: {  	s3 =	simm.s32 @!p0 $0x1082;
	s9 =	sld [smem:$0x3F9A]  }
0x2f: {  	lr =	sadd.s32 s0, s3;
	s0 =	sld [smem:$0x3F91]  }
0x30: {  	s3 =	sld [smem:$0x3F94]  }
0x31: {  	[smem:$0x3F9D] =	sst s10  }
0x32: {  	s10 =	sld [smem:$0x3F9B];
	_ =	sdelay $0x3  }
0x33: {  	p0 =	seq.s32 s10, $0x1;
	s10 =	sld [smem:$0x3F9D];
	_ =	sdelay $0x3  }
0x34: {  	[smem:$0x3F9D] =	sst s10  }
0x35: {  	s10 =	sld [smem:$0x3F9C];
	_ =	sdelay $0x3  }
0x36: {  	p1 =	seq.s32 s10, $0x1;
	s10 =	sld [smem:$0x3F9D];
	_ =	sdelay $0x3  }
0x37: {  	[smem:$0x3F9D] =	sst s10  }
0x38: {  	s10 =	sld [smem:$0x3F9E]  }
0x39: {  	_ = 	snop;
	(pc) =	sbr.ind lr, $3  }
0x3a: {  	_ = 	snop  }
0x3b: {  	_ = 	snop  }
0x3c: {  	p2 =	seq.s32 s10, $0x1;
	s10 =	sld [smem:$0x3F9D]  }
0x3d: {  	_ =	shalt  }
0x3e: {  	_ =	shalt  }
0x3f: {  	_ =	shalt  }
0x40: {  	_ =	shalt  }
0x41: {  	_ =	shalt  }
0x42: {  	_ =	shalt  }
0x43: {  	_ =	shalt  }
0x44: {  	_ =	shalt  }
0x45: {  	_ =	shalt  }
0x46: {  	_ =	shalt  }
0x47: {  	_ =	shalt  }
0x48: {  	_ =	shalt  }
0x49: {  	_ =	shalt  }
0x4a: {  	_ =	shalt  }
0x4b: {  	_ =	shalt  }
0x4c: {  	_ =	shalt  }
0x4d: {  	_ =	shalt  }
0x4e: {  	_ =	shalt  }
0x4f: {  	_ =	shalt  }
0x50: {  	_ =	shalt  }
0x51: {  	_ =	shalt  }
0x52: {  	_ =	shalt  }
0x53: {  	_ =	shalt  }
0x54: {  	_ =	shalt  }
0x55: {  	_ =	shalt  }
0x56: {  	_ =	shalt  }
0x57: {  	_ =	shalt  }
0x58: {  	_ =	shalt  }
0x59: {  	_ =	shalt  }
0x5a: {  	_ =	shalt  }
0x5b: {  	_ =	shalt  }
0x5c: {  	_ =	shalt  }
0x5d: {  	_ =	shalt  }
0x5e: {  	_ =	shalt  }
0x5f: {  	_ =	shalt  }
0x60: {  	_ =	shalt  }
0x61: {  	_ =	shalt  }
0x62: {  	_ =	shalt  }
0x63: {  	_ =	shalt  }
0x64: {  	_ =	shalt  }
0x65: {  	_ =	shalt  }
0x66: {  	_ =	shalt  }
0x67: {  	_ =	shalt  }
0x68: {  	_ =	shalt  }
0x69: {  	_ =	shalt  }
0x6a: {  	_ =	shalt  }
0x6b: {  	_ =	shalt  }
0x6c: {  	_ =	shalt  }
0x6d: {  	_ =	shalt  }
0x6e: {  	_ =	shalt  }
0x6f: {  	_ =	shalt  }
0x70: {  	_ =	shalt  }
0x71: {  	_ =	shalt  }
0x72: {  	_ =	shalt  }
0x73: {  	_ =	shalt  }
0x74: {  	_ =	shalt  }
0x75: {  	_ =	shalt  }
0x76: {  	_ =	shalt  }
0x77: {  	_ =	shalt  }
0x78: {  	_ =	shalt  }
0x79: {  	_ =	shalt  }
0x7a: {  	_ =	shalt  }
0x7b: {  	_ =	shalt  }
0x7c: {  	_ =	shalt  }
0x7d: {  	_ =	shalt  }
0x7e: {  	_ =	shalt  }
0x7f: {  	_ =	shalt  }
0x80: {  	_ =	shalt  }
0x81: {  	_ =	shalt  }
0x82: {  	_ =	shalt  }
0x83: {  	_ =	shalt  }
0x84: {  	_ =	shalt  }
0x85: {  	_ =	shalt  }
0x86: {  	_ =	shalt  }
0x87: {  	_ =	shalt  }
.Lfunc_end0:
.L_simem_size_0:
called_computation.2_lowered:
.L_overlay_start_0:
0x88: {  	s2 =	sld [smem:$0x3FD9]  }
0x89: {  	s3 =	sld [smem:$0x3FFE];
	_ =	sdelay $0x1  }
0x8a: {  	s1 =	srdreg.scid  }
0x8b: {  	s0 =	sand.u32 $0x1, s1  }
0x8c: {  	s16 =	sshll.u32 s0, $0xA;
	s2 =	sadd.s32 s3, s2  }
0x8d: {  	s2 =	sadd.s32 s2, s16  }
0x8e: {  	[smem:$0x3FA9] =	sst s2  }
0x8f: {  	_ = 	snop  }
0x90: {  	(tm) =	ssettm $0x1  }
0x91: {  	s17 =	sld [smem:$0x3FFB];
	_ =	sdelay $0x3  }
0x92: {  	_ =	strace s17  }
0x93: {  	s2 =	sld [smem:$0x3FFC];
	_ =	sdelay $0x3  }
0x94: {  	_ =	strace s2  }
0x95: {  	s2 =	sld [smem:$0x3FFD];
	_ =	sdelay $0x3  }
0x96: {  	_ =	strace s2  }
0x97: {  	_ =	strace $0x8FFFFFFF  }
0x98: {  	s18 =	sld [smem:$0x3FDB];
	_ =	sdelay $0x1  }
0x99: {  	s19 =	simm.s32 $_scs_section_size  }
0x9a: {  	s4 =	simm.s32 $_size__tile_overlayer_lowered;
	s5 =	simm.s32 $_tile_overlayer_lowered  }
0x9b: {  	s22 =	simm.s32 $0x1BFF;
	s21 =	sshll.u32 s5, $0x1;
	s2 =	sadd.s32 s19, s18  }
0x9c: {  	s6 =	simm.s32 $0x0;
	s20 =	sshll.u32 s4, $0x1;
	s4 =	sadd.s32 s21, s2  }
0x9d: {  	[timem:s6], [sflag:s22] =	dma.local [hbm:s4], s20  }
0x9e: {  	_ =	swait.ge [sflag:s22], s20  }
0x9f: {  	s3 =	ssub.s32 $0x0, s20;
	[sflag:s22] =	ssyncset.done $0x0  }
0xa0: {  	[sflag:s22] =	ssyncadd.s32 s3;
	_ =	sdelay $0x1  }
0xa1: {  	s23 =	simm.s32 $0x1B8B  }
0xa2: {  	_ =	swait.ge [sflag:s23], $0x1  }
0xa3: {  	[sflag:s23] =	ssyncset.done $0x0  }
0xa4: {  	s25 =	simm.s32 $0x1B8E;
	s24 =	sld [smem:$0x3FFE];
	[sflag:s23] =	ssyncadd.s32 $0xFFFFFFFF  }
0xa5: {  	s26 =	simm.s32 $execute0_lowered;
	[smem:$0x3FD2] =	sst s25  }
0xa6: {  	s4 =	sshll.u32 s26, $0x1;
	_ =	strace $0x8000004C;
	[dreg:$0x1] =	wrdreg $0xFFFFFFFF  }
0xa7: {  	s28 =	simm.s32 $_size_execute0_lowered;
	s2 =	sadd.s32 s2, s4;
	[dreg:$0x0] =	wrdreg $0x0  }
0xa8: {  	s4 =	sshll.u32 s28, $0x1;
	[dreg:$0x2] =	wrdreg s2  }
0xa9: {  	[dreg:$0x3] =	wrdreg s4  }
0xaa: {  	[dreg:$0x4] =	wrdreg $0xC0  }
0xab: {  	_ =	task [dreg:s6], $0x5FFFF  }
0xac: {  	[dreg:$0x1] =	wrdreg $0xFFFFFFFF  }
0xad: {  	[dreg:$0x0] =	wrdreg $0x60  }
0xae: {  	[dreg:$0x2] =	wrdreg s24  }
0xaf: {  	[dreg:$0x3] =	wrdreg $0x2C100  }
0xb0: {  	[dreg:$0x4] =	wrdreg $0x9  }
0xb1: {  	_ =	task.clear_ibuf [dreg:s6], $0x5FFFF;
	_ =	strace $0x9000004C  }
0xb2: {  	s29 =	simm.s32 $0x9;
	_ =	strace $0x8000004E  }
0xb3: {  	_ =	swait.ge [sflag:s29], $0x1  }
0xb4: {  	[sflag:s29] =	ssyncadd.s32 $0xFFFFFFFF  }
0xb5: {  	_ =	strace $0x9000004E  }
0xb6: {  	_ =	sfence  }
0xb7: {  	s30 =	sld [smem:$0x0];
	_ =	sdelay $0x2  }
0xb8: {  	s31 =	sshll.u32 s1, $0xD;
	s1 =	sshrl.u32 s1, $0x2  }
0xb9: {  	s3 =	sand.u32 $0x4000, s31;
	s1 =	sadd.s32 s1, s30  }
0xba: {  	s0 =	sor.u32 s3, s0;
	s1 =	sshll.u32 s1, $0x11  }
0xbb: {  	s0 =	sor.u32 s1, s0  }
0xbc: {  	s0 =	sadd.s32 $0x8F2B, s0  }
0xbd: {  	[sflag:s0] =	ssyncadd.remote.s32 $0x1  }
0xbe: {  	_ =	sfence.sel $0xFFFF  }
0xbf: {  	[dreg:$0x0] =	wrdreg $0xFFFFFFFF;
	(pc) =	sbr.abs _section_cstart, $3  }
0xc0: {  	[dreg:$0x1] =	wrdreg $0xFFFFFFFF  }
0xc1: {  	_ =	task.clear_ibuf [dreg:s6], $0x2FFFF;
	_ =	strace $0x9FFFFFFF  }
0xc2: {  	(tm) =	ssettm $0x7FFFFFFF  }
0xc3: {  	_ =	shalt  }
tec
execute0_lowered:
.L_overlay_start_1:
0x0: {  	(tag) =	ssettag $0x1  }
0x1: {  	s0 =	srdreg.scid  }
0x2: {  	s15 =	stileid.u32;
	s5 =	rddreg [dreg:$0x0]  }
0x3: {  	s1 =	rddreg [dreg:$0x1];
	s2 =	simm.s32 $0x0;
	s11 =	simm.s32 $0x2710  }
0x4: {  	s12 =	simm.s32 $0x28;
	s13 =	simm.s32 $0x1;
	s14 =	simm.s32 $0x26E8  }
0x5: {  	s17 =	simm.s32 $0x0;
	s4 =	sand.u32 $0x1, s0;
	s31 =	sshll.u32 s15, $0x1  }
0x6: {  	[smem:$0x7FF] =	sst s2;
	s8 =	smul.u32 $0x2780, s15;
	s3 =	sadd.s32 $0x5600, s5  }
0x7: {  	p0 =	sne.s32 s15, $0x0;
	s15 =	sshll.u32 s15, $0x6;
	s0 =	sor.u32 s4, s31  }
0x8: {  	s7 =	smul.u32 $0x27800, s4;
	s9 =	ssub.s32 $0x2, s4;
	s4 =	sadd.s32 $0x5D800, s5  }
0x9: {  	s15 =	sor.u32 $0x1C02, s15;
	s6 =	smul.u32 $0x271, s0;
	s0 =	rddreg [dreg:$0x2]  }
0xa: {  	_ =	strace $0x8000004D;
	s10 =	sshrl.u32 s9, $0x1;
	s16 =	sadd.s32 s8, s1  }
0xb: {  	s7 =	sadd.s32 s8, s7;
	s9 =	ssub.s32 s9, s10;
	s10 =	simm.s32 $0x2  }
0xc: {  	s16 =	sshrl.u32 s16, $0x3;
	s6 =	sadd.s32 s6, s5;
	s7 =	sshrl.u32 s7, $0x3  }
0xd: {  	s8 =	smax.u32 s9, $0x1;
	s9 =	sshrl.u32 @!p0 s1, $0x3;
	s7 =	sadd.s32 s7, s5  }
0xe: {  	s5 =	sadd.s32 $0xA600, s6;
	s6 =	sadd.s32 $0x6C600, s6;
	s7 =	sadd.s32 $0x62800, s7  }
.LBB2_1:
0xf: {  	s18 =	simm.s32 @!p0 $0x1C02  }
0x10: {  	[spmem:s9], [sflag:s18] =	dma.local @!p0 [hbm:s4], $0x4F00  }
0x11: {  	s18 =	simm.s32 @!p0 $0x2  }
0x12: {  	_ =	swait.ge @!p0 [sflag:s18], $0x4F00  }
0x13: {  	[sflag:s18] =	ssyncset.done @!p0 $0x0  }
0x14: {  	[sflag:s18] =	ssyncadd.s32 @!p0 $0xFFFFB100  }
0x15: {  	[bflag:$0x0] =	sbarrier.arrive $0xFFFF  }
0x16: {  	[tilespmem:s2], [sflag:$0x2] =	stream.linear.gather [hbm4b:s5+s2], $0x1388, $0x38;
	[tilespmem:$0x5390] =	vst v63  }
0x17: {  	_ =	swait.ge [sflag:s10], $0x1388  }
0x18: {  	[sflag:s10] =	ssyncset.done $0x0  }
0x19: {  	s18 =	simm.s32 $0x1388;
	[sflag:s10] =	ssyncadd.s32 $0xFFFFEC78  }
0x1a: {  	[tilespmem:s18], [sflag:$0x2] =	stream.linear.gather [hbm4b:s6+s2], $0x1388, $0x38;
	[tilespmem:$0x5390] =	vst v63  }
0x1b: {  	s20 =	simm.s32 $0x1;
	_ =	swait.ge [sflag:s10], $0x1388  }
0x1c: {  	s19 =	sand.u32 $0x1, s20;
	[sflag:s10] =	ssyncset.done $0x0  }
0x1d: {  	p1 =	seq.s32 s19, $0x1;
	s19 =	simm.s32 $0x2990;
	[sflag:s10] =	ssyncadd.s32 $0xFFFFEC78  }
0x1e: {  	[tilespmem:s11], [sflag:$0x1] =	stream.indirect.gather [hbm4b:s3+s12], $0x10, s2, s12, $0xb8;
	[tilespmem:$0x5390] =	vst v63  }
0x1f: {  	s19 =	simm.s32 @!p1 $0x2710  }
0x20: {  	[tilespmem:s19], [sflag:$0x1] =	stream.indirect.gather [hbm4b:s3+s12], $0x10, s12, s12, $0xb8;
	[tilespmem:$0x5390] =	vst v63  }
0x21: {  	s31 =	sand.u32 $0x1, s2;
	_ =	swait.ge [sflag:s13], $0x280  }
0x22: {  	p1 =	seq.s32 s31, $0x1;
	s19 =	simm.s32 $0x28;
	[sflag:s13] =	ssyncset.done $0x0  }
.LBB2_2:
0x23: {  	s21 =	simm.s32 $0x2990;
	[sflag:s13] =	ssyncadd.s32 $0xFFFFFD80  }
0x24: {  	s22 =	smov.u32 s20;
	s23 =	sadd.s32 $0x1, s20;
	s21 =	simm.s32 @!p1 $0x2710  }
0x25: {  	[spmem:s1] =	stream.indirect.scatter.add.f32 [tilespmem:s21], [sflag:$0x2], $0x10, s18, s12, $0xb8;
	[tilespmem:$0x5390] =	vst v63  }
0x26: {  	s19 =	sadd.s32 $0x28, s19;
	s21 =	sand.u32 $0x1, s23  }
0x27: {  	p2 =	sne.s32 s20, $0x7B;
	_ =	swait.ge [sflag:s10], $0x280;
	p1 =	seq.s32 s21, $0x1  }
.Ltmp0:
0x28: {  	s21 =	simm.s32 $0x2990;
	[sflag:s10] =	ssyncset.done $0x0;
	(pc) =	sbr.rel @p2 .LBB2_2-.Ltmp0, $4  }
0x29: {  	s21 =	simm.s32 @!p1 $0x2710;
	[sflag:s10] =	ssyncadd.s32 $0xFFFFFD80  }
0x2a: {  	[tilespmem:s21], [sflag:$0x1] =	stream.indirect.gather [hbm4b:s3+s12], $0x10, s19, s12, $0xb8;
	[tilespmem:$0x5390] =	vst v63  }
0x2b: {  	s20 =	sand.u32 $0x1, s22;
	s18 =	sadd.s32 $0x28, s18;
	_ =	swait.ge [sflag:s13], $0x280  }
0x2c: {  	p1 =	seq.s32 s20, $0x1;
	s20 =	smov.u32 s23;
	[sflag:s13] =	ssyncset.done $0x0  }
0x2d: {  	s19 =	simm.s32 $0x2990  }
0x2e: {  	[sflag:s13] =	ssyncadd.s32 $0xFFFFFD80;
	s19 =	simm.s32 @!p1 $0x2710  }
0x2f: {  	[spmem:s1] =	stream.indirect.scatter.add.f32 [tilespmem:s19], [sflag:$0x2], $0x10, s18, s12, $0xb8;
	[tilespmem:$0x5390] =	vst v63  }
0x30: {  	_ =	swait.ge [sflag:s10], $0x280  }
0x31: {  	[sflag:s10] =	ssyncset.done $0x0  }
0x32: {  	[sflag:s10] =	ssyncadd.s32 $0xFFFFFD80  }
0x33: {  	_ =	swait.ge [sflag:s13], $0x280  }
0x34: {  	[sflag:s13] =	ssyncset.done $0x0  }
0x35: {  	[sflag:s13] =	ssyncadd.s32 $0xFFFFFD80  }
0x36: {  	[spmem:s1] =	stream.indirect.scatter.add.f32 [tilespmem:s11], [sflag:$0x2], $0x10, s14, s12, $0xb8;
	[tilespmem:$0x5390] =	vst v63  }
0x37: {  	_ =	swait.ge [sflag:s10], $0x280  }
0x38: {  	s17 =	sadd.s32 $0x1, s17;
	[sflag:s10] =	ssyncset.done $0x0  }
0x39: {  	p1 =	sne.s32 s17, s8;
	[sflag:s10] =	ssyncadd.s32 $0xFFFFFD80  }
.Ltmp1:
0x3a: {  	[bflag:$0x0] =	sbarrier.arrive $0xFFFF;
	(pc) =	sbr.rel @p1 .LBB2_1-.Ltmp1, $4  }
0x3b: {  	[hbm:s7], [sflag:s15] =	dma.local [spmem:s16], $0x4F0  }
0x3c: {  	_ =	swait.ge [sflag:s10], $0x4F0  }
0x3d: {  	[sflag:s10] =	ssyncset.done $0x0  }
0x3e: {  	[sflag:s10] =	ssyncadd.s32 $0xFFFFFB10  }
0x3f: {  	_ =	sfence.sel $0x180000  }
0x40: {  	[bflag:$0x0] =	sbarrier.arrive $0xFFFF  }
0x41: {  	_ =	strace $0x9000004D  }
0x42: {  	s0 =	sadd.s32 @!p0 $0x100000, s0;
	[bflag:$0x2] =	sbarrier.arrive $0xFFFF  }
0x43: {  	[sflag:s0] =	ssyncadd.tile.s32 @!p0 $0x1;
	_ =	shalt  }
.Lfunc_end2:
_tile_overlayer_lowered:
.L_overlay_start_2:
0x44: {  	(tag) =	ssettag $0x2  }
0x45: {  	s0 =	rddreg [dreg:$0x0];
	s2 =	stileid.u32  }
0x46: {  	s1 =	rddreg [dreg:$0x1];
	p0 =	sne.s32 s2, $0x0  }
0x47: {  	s3 =	rddreg [dreg:$0x2];
	[bflag:$0x3] =	sbarrier.arrive $0xFFFF;
	s2 =	simm.s32 @!p0 $0x1C02  }
0x48: {  	[timem:s3], [sflag:s2] =	dma.local @!p0 [hbm:s0], s1  }
0x49: {  	s0 =	simm.s32 @!p0 $0x2  }
0x4a: {  	_ =	swait.ge @!p0 [sflag:s0], s1  }
0x4b: {  	s1 =	ssub.s32 @!p0 $0x0, s1;
	[sflag:s0] =	ssyncset.done @!p0 $0x0  }
0x4c: {  	[sflag:s0] =	ssyncadd.s32 @!p0 s1  }
0x4d: {  	[bflag:$0x3] =	sbarrier.arrive $0xFFFF  }
0x4e: {  	_ =	shalt  }

// kernel: kernel.19.cloned.1.call-start
scs
__scs_entry_jumppad:
0x0: {  	(pc) =	sbr.rel $0x88, $3  }
0x1: {  	(tag) =	ssettag $0x0;
	lr =	simm.s32 $0x1  }
0x2: {  	[smem:$0x3F82] =	sst lr;
	_ =	strace $0xD0000000  }
0x3: {  	_ = 	snop  }
0x4: {  	_ = 	snop  }
0x5: {  	_ = 	snop  }
0x6: {  	_ = 	snop  }
0x7: {  	_ = 	snop  }
__scs_overlays_trampoline_lowered:
0x8: {  	[smem:$0x3F91] =	sst s0  }
0x9: {  	[smem:$0x3F92] =	sst s1  }
0xa: {  	[smem:$0x3F93] =	sst s2  }
0xb: {  	[smem:$0x3F94] =	sst s3  }
0xc: {  	[smem:$0x3F95] =	sst s4  }
0xd: {  	[smem:$0x3F96] =	sst s5  }
0xe: {  	[smem:$0x3F97] =	sst s6  }
0xf: {  	[smem:$0x3F98] =	sst s7  }
0x10: {  	[smem:$0x3F99] =	sst s8  }
0x11: {  	[smem:$0x3F9A] =	sst s9;
	s0 =	simm.s32 @!p0 $0x0  }
0x12: {  	s1 =	sld [smem:$0x3F80];
	s0 =	simm.s32 @p0 $0x1  }
0x13: {  	[smem:$0x3F9B] =	sst s0;
	s0 =	simm.s32 @!p1 $0x0  }
0x14: {  	s2 =	sld [smem:$0x3F7F];
	s0 =	simm.s32 @p1 $0x1  }
0x15: {  	[smem:$0x3F9C] =	sst s0;
	s0 =	simm.s32 @!p2 $0x0  }
0x16: {  	s3 =	sld [smem:$0x3FDB];
	s0 =	simm.s32 @p2 $0x1  }
0x17: {  	s4 =	simm.s32 $0x1BF5;
	[smem:$0x3F9E] =	sst s0  }
0x18: {  	s0 =	sld [smem:$0x3F81];
	_ =	swait.ge [sflag:s4], $0x0  }
0x19: {  	s7 =	sld [smem:$0x3F82]  }
0x1a: {  	s8 =	sadd.s32 $0xFFFFE003, lr  }
0x1b: {  	s9 =	sadd.s32 $0xFFFFFEF7, lr;
	s5 =	simm.s32 $0xFFFFFFFF;
	p2 =	slt.u32 s8, $0xFFFFF086  }
0x1c: {  	p1 =	slt.u32 s9, $0xF7A;
	s5 =	simm.s32 @!p2 $0x0  }
0x1d: {  	s5 =	simm.s32 @p1 $0x1;
	p0 =	seq.s32 s7, s2  }
0x1e: {  	s7 =	smul.u32 @!p0 $0xF7A, s2;
	p2 =	seq.s32 @!p0 s5, $0x0  }
0x1f: {  	s9 =	smul.u32 $0xF7A, s1;
	s8 =	simm.s32 @!p0 $0x1BF5;
	p2 =	por !p2, p0  }
0x20: {  	[sflag:s8] =	ssyncset.s32 @!p0 $0xFFFFF086;
	s6 =	sadd.s32 @!p0 s3, s7;
	s7 =	simm.s32 @!p0 $0x108  }
0x21: {  	s3 =	sadd.s32 s3, s9;
	s6 =	sadd.s32 @!p0 $0x88, s6;
	s7 =	simm.s32 @p2 $0x1082  }
0x22: {  	[simem:s7], [sflag:s8] =	dma.local @!p0 [hbm:s6], $0xF7A  }
0x23: {  	s9 =	sor.u32 $0xD0000000, s2;
	s6 =	simm.s32 $0x108;
	_ =	swait.ge @!p0 [sflag:s8], $0x0  }
0x24: {  	s3 =	sadd.s32 $0x88, s3;
	s6 =	simm.s32 @!p1 $0x1082;
	[sflag:s4] =	ssyncset.s32 $0xFFFFF086  }
0x25: {  	[simem:s6], [sflag:s4] =	dma.local [hbm:s3], $0xF7A  }
0x26: {  	[smem:$0x3F82] =	sst s1;
	(tag) =	ssettag s2;
	_ =	strace s9  }
0x27: {  	s1 =	sld [smem:$0x3F92]  }
0x28: {  	s2 =	sld [smem:$0x3F93]  }
0x29: {  	s4 =	sld [smem:$0x3F95]  }
0x2a: {  	p0 =	seq.s32 s5, $0x0;
	s5 =	sld [smem:$0x3F96]  }
0x2b: {  	s6 =	sld [smem:$0x3F97]  }
0x2c: {  	s7 =	sld [smem:$0x3F98]  }
0x2d: {  	s3 =	simm.s32 $0x108;
	s8 =	sld [smem:$0x3F99]  }
0x2e: {  	s3 =	simm.s32 @!p0 $0x1082;
	s9 =	sld [smem:$0x3F9A]  }
0x2f: {  	lr =	sadd.s32 s0, s3;
	s0 =	sld [smem:$0x3F91]  }
0x30: {  	s3 =	sld [smem:$0x3F94]  }
0x31: {  	[smem:$0x3F9D] =	sst s10  }
0x32: {  	s10 =	sld [smem:$0x3F9B];
	_ =	sdelay $0x3  }
0x33: {  	p0 =	seq.s32 s10, $0x1;
	s10 =	sld [smem:$0x3F9D];
	_ =	sdelay $0x3  }
0x34: {  	[smem:$0x3F9D] =	sst s10  }
0x35: {  	s10 =	sld [smem:$0x3F9C];
	_ =	sdelay $0x3  }
0x36: {  	p1 =	seq.s32 s10, $0x1;
	s10 =	sld [smem:$0x3F9D];
	_ =	sdelay $0x3  }
0x37: {  	[smem:$0x3F9D] =	sst s10  }
0x38: {  	s10 =	sld [smem:$0x3F9E]  }
0x39: {  	_ = 	snop;
	(pc) =	sbr.ind lr, $3  }
0x3a: {  	_ = 	snop  }
0x3b: {  	_ = 	snop  }
0x3c: {  	p2 =	seq.s32 s10, $0x1;
	s10 =	sld [smem:$0x3F9D]  }
0x3d: {  	_ =	shalt  }
0x3e: {  	_ =	shalt  }
0x3f: {  	_ =	shalt  }
0x40: {  	_ =	shalt  }
0x41: {  	_ =	shalt  }
0x42: {  	_ =	shalt  }
0x43: {  	_ =	shalt  }
0x44: {  	_ =	shalt  }
0x45: {  	_ =	shalt  }
0x46: {  	_ =	shalt  }
0x47: {  	_ =	shalt  }
0x48: {  	_ =	shalt  }
0x49: {  	_ =	shalt  }
0x4a: {  	_ =	shalt  }
0x4b: {  	_ =	shalt  }
0x4c: {  	_ =	shalt  }
0x4d: {  	_ =	shalt  }
0x4e: {  	_ =	shalt  }
0x4f: {  	_ =	shalt  }
0x50: {  	_ =	shalt  }
0x51: {  	_ =	shalt  }
0x52: {  	_ =	shalt  }
0x53: {  	_ =	shalt  }
0x54: {  	_ =	shalt  }
0x55: {  	_ =	shalt  }
0x56: {  	_ =	shalt  }
0x57: {  	_ =	shalt  }
0x58: {  	_ =	shalt  }
0x59: {  	_ =	shalt  }
0x5a: {  	_ =	shalt  }
0x5b: {  	_ =	shalt  }
0x5c: {  	_ =	shalt  }
0x5d: {  	_ =	shalt  }
0x5e: {  	_ =	shalt  }
0x5f: {  	_ =	shalt  }
0x60: {  	_ =	shalt  }
0x61: {  	_ =	shalt  }
0x62: {  	_ =	shalt  }
0x63: {  	_ =	shalt  }
0x64: {  	_ =	shalt  }
0x65: {  	_ =	shalt  }
0x66: {  	_ =	shalt  }
0x67: {  	_ =	shalt  }
0x68: {  	_ =	shalt  }
0x69: {  	_ =	shalt  }
0x6a: {  	_ =	shalt  }
0x6b: {  	_ =	shalt  }
0x6c: {  	_ =	shalt  }
0x6d: {  	_ =	shalt  }
0x6e: {  	_ =	shalt  }
0x6f: {  	_ =	shalt  }
0x70: {  	_ =	shalt  }
0x71: {  	_ =	shalt  }
0x72: {  	_ =	shalt  }
0x73: {  	_ =	shalt  }
0x74: {  	_ =	shalt  }
0x75: {  	_ =	shalt  }
0x76: {  	_ =	shalt  }
0x77: {  	_ =	shalt  }
0x78: {  	_ =	shalt  }
0x79: {  	_ =	shalt  }
0x7a: {  	_ =	shalt  }
0x7b: {  	_ =	shalt  }
0x7c: {  	_ =	shalt  }
0x7d: {  	_ =	shalt  }
0x7e: {  	_ =	shalt  }
0x7f: {  	_ =	shalt  }
0x80: {  	_ =	shalt  }
0x81: {  	_ =	shalt  }
0x82: {  	_ =	shalt  }
0x83: {  	_ =	shalt  }
0x84: {  	_ =	shalt  }
0x85: {  	_ =	shalt  }
0x86: {  	_ =	shalt  }
0x87: {  	_ =	shalt  }
.Lfunc_end0:
.L_simem_size_0:
called_computation.3_lowered:
.L_overlay_start_0:
0x88: {  	s2 =	sld [smem:$0x3FD9]  }
0x89: {  	s3 =	sld [smem:$0x3FFE];
	_ =	sdelay $0x1  }
0x8a: {  	s1 =	srdreg.scid  }
0x8b: {  	s0 =	sand.u32 $0x1, s1  }
0x8c: {  	s16 =	sshll.u32 s0, $0xA;
	s2 =	sadd.s32 s3, s2  }
0x8d: {  	s2 =	sadd.s32 s2, s16  }
0x8e: {  	[smem:$0x3FA9] =	sst s2  }
0x8f: {  	_ = 	snop  }
0x90: {  	(tm) =	ssettm $0x1  }
0x91: {  	s17 =	sld [smem:$0x3FFB];
	_ =	sdelay $0x3  }
0x92: {  	_ =	strace s17  }
0x93: {  	s2 =	sld [smem:$0x3FFC];
	_ =	sdelay $0x3  }
0x94: {  	_ =	strace s2  }
0x95: {  	s2 =	sld [smem:$0x3FFD];
	_ =	sdelay $0x3  }
0x96: {  	_ =	strace s2  }
0x97: {  	_ =	strace $0x8FFFFFFF  }
0x98: {  	s18 =	sld [smem:$0x3FDB];
	_ =	sdelay $0x1  }
0x99: {  	s19 =	simm.s32 $_scs_section_size  }
0x9a: {  	s4 =	simm.s32 $_size__tile_overlayer_lowered;
	s5 =	simm.s32 $_tile_overlayer_lowered  }
0x9b: {  	s22 =	simm.s32 $0x1BFF;
	s21 =	sshll.u32 s5, $0x1;
	s2 =	sadd.s32 s19, s18  }
0x9c: {  	s6 =	simm.s32 $0x0;
	s20 =	sshll.u32 s4, $0x1;
	s4 =	sadd.s32 s21, s2  }
0x9d: {  	[timem:s6], [sflag:s22] =	dma.local [hbm:s4], s20  }
0x9e: {  	_ =	swait.ge [sflag:s22], s20  }
0x9f: {  	s3 =	ssub.s32 $0x0, s20;
	[sflag:s22] =	ssyncset.done $0x0  }
0xa0: {  	[sflag:s22] =	ssyncadd.s32 s3;
	_ =	sdelay $0x1  }
0xa1: {  	s23 =	simm.s32 $0x1B8B  }
0xa2: {  	_ =	swait.ge [sflag:s23], $0x1  }
0xa3: {  	[sflag:s23] =	ssyncset.done $0x0  }
0xa4: {  	s25 =	simm.s32 $0x1B8E;
	s24 =	sld [smem:$0x3FFE];
	[sflag:s23] =	ssyncadd.s32 $0xFFFFFFFF  }
0xa5: {  	s26 =	simm.s32 $execute0_lowered;
	[smem:$0x3FD2] =	sst s25  }
0xa6: {  	s4 =	sshll.u32 s26, $0x1;
	_ =	strace $0x8000004F;
	[dreg:$0x1] =	wrdreg $0xFFFFFFFF  }
0xa7: {  	s28 =	simm.s32 $_size_execute0_lowered;
	s2 =	sadd.s32 s2, s4;
	[dreg:$0x0] =	wrdreg $0x0  }
0xa8: {  	s4 =	sshll.u32 s28, $0x1;
	[dreg:$0x2] =	wrdreg s2  }
0xa9: {  	[dreg:$0x3] =	wrdreg s4  }
0xaa: {  	[dreg:$0x4] =	wrdreg $0xC0  }
0xab: {  	_ =	task [dreg:s6], $0x5FFFF  }
0xac: {  	[dreg:$0x1] =	wrdreg $0xFFFFFFFF  }
0xad: {  	[dreg:$0x0] =	wrdreg $0x60  }
0xae: {  	[dreg:$0x2] =	wrdreg s24  }
0xaf: {  	[dreg:$0x3] =	wrdreg $0x31100  }
0xb0: {  	[dreg:$0x4] =	wrdreg $0x9  }
0xb1: {  	_ =	task.clear_ibuf [dreg:s6], $0x5FFFF;
	_ =	strace $0x9000004F  }
0xb2: {  	s29 =	simm.s32 $0x9;
	_ =	strace $0x80000051  }
0xb3: {  	_ =	swait.ge [sflag:s29], $0x1  }
0xb4: {  	[sflag:s29] =	ssyncadd.s32 $0xFFFFFFFF  }
0xb5: {  	_ =	strace $0x90000051  }
0xb6: {  	_ =	sfence  }
0xb7: {  	s30 =	sld [smem:$0x0];
	_ =	sdelay $0x2  }
0xb8: {  	s31 =	sshll.u32 s1, $0xD;
	s1 =	sshrl.u32 s1, $0x2  }
0xb9: {  	s3 =	sand.u32 $0x4000, s31;
	s1 =	sadd.s32 s1, s30  }
0xba: {  	s0 =	sor.u32 s3, s0;
	s1 =	sshll.u32 s1, $0x11  }
0xbb: {  	s0 =	sor.u32 s1, s0  }
0xbc: {  	s0 =	sadd.s32 $0x8F2B, s0  }
0xbd: {  	[sflag:s0] =	ssyncadd.remote.s32 $0x1  }
0xbe: {  	_ =	sfence.sel $0xFFFF  }
0xbf: {  	[dreg:$0x0] =	wrdreg $0xFFFFFFFF;
	(pc) =	sbr.abs _section_cstart, $3  }
0xc0: {  	[dreg:$0x1] =	wrdreg $0xFFFFFFFF  }
0xc1: {  	_ =	task.clear_ibuf [dreg:s6], $0x2FFFF;
	_ =	strace $0x9FFFFFFF  }
0xc2: {  	(tm) =	ssettm $0x7FFFFFFF  }
0xc3: {  	_ =	shalt  }
tec
execute0_lowered:
.L_overlay_start_1:
0x0: {  	(tag) =	ssettag $0x1  }
0x1: {  	s0 =	srdreg.scid  }
0x2: {  	s15 =	stileid.u32;
	s5 =	rddreg [dreg:$0x0]  }
0x3: {  	s1 =	rddreg [dreg:$0x1];
	s2 =	simm.s32 $0x0;
	s11 =	simm.s32 $0x2710  }
0x4: {  	s12 =	simm.s32 $0x28;
	s13 =	simm.s32 $0x1;
	s14 =	simm.s32 $0x26E8  }
0x5: {  	s17 =	simm.s32 $0x0;
	s4 =	sand.u32 $0x1, s0;
	s31 =	sshll.u32 s15, $0x1  }
0x6: {  	[smem:$0x7FF] =	sst s2;
	s8 =	smul.u32 $0x4F00, s15;
	s3 =	sadd.s32 $0xF600, s5  }
0x7: {  	p0 =	sne.s32 s15, $0x0;
	s15 =	sshll.u32 s15, $0x6;
	s0 =	sor.u32 s4, s31  }
0x8: {  	s7 =	smul.u32 $0x4F000, s4;
	s9 =	ssub.s32 $0x2, s4;
	s4 =	sadd.s32 $0x19400, s5  }
0x9: {  	s15 =	sor.u32 $0x1C02, s15;
	s6 =	smul.u32 $0x271, s0;
	s0 =	rddreg [dreg:$0x2]  }
0xa: {  	_ =	strace $0x80000050;
	s10 =	sshrl.u32 s9, $0x1;
	s16 =	sadd.s32 s8, s1  }
0xb: {  	s7 =	sadd.s32 s8, s7;
	s9 =	ssub.s32 s9, s10;
	s10 =	simm.s32 $0x2  }
0xc: {  	s16 =	sshrl.u32 s16, $0x3;
	s6 =	sadd.s32 s6, s5;
	s7 =	sshrl.u32 s7, $0x3  }
0xd: {  	s8 =	smax.u32 s9, $0x1;
	s9 =	sshrl.u32 @!p0 s1, $0x3;
	s7 =	sadd.s32 s7, s5  }
0xe: {  	s5 =	sadd.s32 $0xA600, s6;
	s6 =	sadd.s32 $0x6C600, s6;
	s7 =	sadd.s32 $0x23200, s7  }
.LBB2_1:
0xf: {  	s18 =	simm.s32 @!p0 $0x1C02  }
0x10: {  	[spmem:s9], [sflag:s18] =	dma.local @!p0 [hbm:s4], $0x9E00  }
0x11: {  	s18 =	simm.s32 @!p0 $0x2  }
0x12: {  	_ =	swait.ge @!p0 [sflag:s18], $0x9E00  }
0x13: {  	[sflag:s18] =	ssyncset.done @!p0 $0x0  }
0x14: {  	[sflag:s18] =	ssyncadd.s32 @!p0 $0xFFFF6200  }
0x15: {  	[bflag:$0x0] =	sbarrier.arrive $0xFFFF  }
0x16: {  	[tilespmem:s2], [sflag:$0x2] =	stream.linear.gather [hbm4b:s5+s2], $0x1388, $0x38;
	[tilespmem:$0x8010] =	vst v63  }
0x17: {  	_ =	swait.ge [sflag:s10], $0x1388  }
0x18: {  	[sflag:s10] =	ssyncset.done $0x0  }
0x19: {  	s18 =	simm.s32 $0x1388;
	[sflag:s10] =	ssyncadd.s32 $0xFFFFEC78  }
0x1a: {  	[tilespmem:s18], [sflag:$0x2] =	stream.linear.gather [hbm4b:s6+s2], $0x1388, $0x38;
	[tilespmem:$0x8010] =	vst v63  }
0x1b: {  	s20 =	simm.s32 $0x1;
	_ =	swait.ge [sflag:s10], $0x1388  }
0x1c: {  	s19 =	sand.u32 $0x1, s20;
	[sflag:s10] =	ssyncset.done $0x0  }
0x1d: {  	p1 =	seq.s32 s19, $0x1;
	s19 =	simm.s32 $0x2C10;
	[sflag:s10] =	ssyncadd.s32 $0xFFFFEC78  }
0x1e: {  	[tilespmem:s11], [sflag:$0x1] =	stream.indirect.gather [hbm4b:s3+s12], $0x20, s2, s12, $0xb8;
	[tilespmem:$0x8010] =	vst v63  }
0x1f: {  	s19 =	simm.s32 @!p1 $0x2710  }
0x20: {  	[tilespmem:s19], [sflag:$0x1] =	stream.indirect.gather [hbm4b:s3+s12], $0x20, s12, s12, $0xb8;
	[tilespmem:$0x8010] =	vst v63  }
0x21: {  	s31 =	sand.u32 $0x1, s2;
	_ =	swait.ge [sflag:s13], $0x500  }
0x22: {  	p1 =	seq.s32 s31, $0x1;
	s19 =	simm.s32 $0x28;
	[sflag:s13] =	ssyncset.done $0x0  }
.LBB2_2:
0x23: {  	s21 =	simm.s32 $0x2C10;
	[sflag:s13] =	ssyncadd.s32 $0xFFFFFB00  }
0x24: {  	s22 =	smov.u32 s20;
	s23 =	sadd.s32 $0x1, s20;
	s21 =	simm.s32 @!p1 $0x2710  }
0x25: {  	[spmem:s1] =	stream.indirect.scatter.add.f32 [tilespmem:s21], [sflag:$0x2], $0x20, s18, s12, $0xb8;
	[tilespmem:$0x8010] =	vst v63  }
0x26: {  	s19 =	sadd.s32 $0x28, s19;
	s21 =	sand.u32 $0x1, s23  }
0x27: {  	p2 =	sne.s32 s20, $0x7B;
	_ =	swait.ge [sflag:s10], $0x500;
	p1 =	seq.s32 s21, $0x1  }
.Ltmp0:
0x28: {  	s21 =	simm.s32 $0x2C10;
	[sflag:s10] =	ssyncset.done $0x0;
	(pc) =	sbr.rel @p2 .LBB2_2-.Ltmp0, $4  }
0x29: {  	s21 =	simm.s32 @!p1 $0x2710;
	[sflag:s10] =	ssyncadd.s32 $0xFFFFFB00  }
0x2a: {  	[tilespmem:s21], [sflag:$0x1] =	stream.indirect.gather [hbm4b:s3+s12], $0x20, s19, s12, $0xb8;
	[tilespmem:$0x8010] =	vst v63  }
0x2b: {  	s20 =	sand.u32 $0x1, s22;
	s18 =	sadd.s32 $0x28, s18;
	_ =	swait.ge [sflag:s13], $0x500  }
0x2c: {  	p1 =	seq.s32 s20, $0x1;
	s20 =	smov.u32 s23;
	[sflag:s13] =	ssyncset.done $0x0  }
0x2d: {  	s19 =	simm.s32 $0x2C10  }
0x2e: {  	[sflag:s13] =	ssyncadd.s32 $0xFFFFFB00;
	s19 =	simm.s32 @!p1 $0x2710  }
0x2f: {  	[spmem:s1] =	stream.indirect.scatter.add.f32 [tilespmem:s19], [sflag:$0x2], $0x20, s18, s12, $0xb8;
	[tilespmem:$0x8010] =	vst v63  }
0x30: {  	_ =	swait.ge [sflag:s10], $0x500  }
0x31: {  	[sflag:s10] =	ssyncset.done $0x0  }
0x32: {  	[sflag:s10] =	ssyncadd.s32 $0xFFFFFB00  }
0x33: {  	_ =	swait.ge [sflag:s13], $0x500  }
0x34: {  	[sflag:s13] =	ssyncset.done $0x0  }
0x35: {  	[sflag:s13] =	ssyncadd.s32 $0xFFFFFB00  }
0x36: {  	[spmem:s1] =	stream.indirect.scatter.add.f32 [tilespmem:s11], [sflag:$0x2], $0x20, s14, s12, $0xb8;
	[tilespmem:$0x8010] =	vst v63  }
0x37: {  	_ =	swait.ge [sflag:s10], $0x500  }
0x38: {  	s17 =	sadd.s32 $0x1, s17;
	[sflag:s10] =	ssyncset.done $0x0  }
0x39: {  	p1 =	sne.s32 s17, s8;
	[sflag:s10] =	ssyncadd.s32 $0xFFFFFB00  }
.Ltmp1:
0x3a: {  	[bflag:$0x0] =	sbarrier.arrive $0xFFFF;
	(pc) =	sbr.rel @p1 .LBB2_1-.Ltmp1, $4  }
0x3b: {  	[hbm:s7], [sflag:s15] =	dma.local [spmem:s16], $0x9E0  }
0x3c: {  	_ =	swait.ge [sflag:s10], $0x9E0  }
0x3d: {  	[sflag:s10] =	ssyncset.done $0x0  }
0x3e: {  	[sflag:s10] =	ssyncadd.s32 $0xFFFFF620  }
0x3f: {  	_ =	sfence.sel $0x180000  }
0x40: {  	[bflag:$0x0] =	sbarrier.arrive $0xFFFF  }
0x41: {  	_ =	strace $0x90000050  }
0x42: {  	s0 =	sadd.s32 @!p0 $0x100000, s0;
	[bflag:$0x2] =	sbarrier.arrive $0xFFFF  }
0x43: {  	[sflag:s0] =	ssyncadd.tile.s32 @!p0 $0x1;
	_ =	shalt  }
.Lfunc_end2:
_tile_overlayer_lowered:
.L_overlay_start_2:
0x44: {  	(tag) =	ssettag $0x2  }
0x45: {  	s0 =	rddreg [dreg:$0x0];
	s2 =	stileid.u32  }
0x46: {  	s1 =	rddreg [dreg:$0x1];
	p0 =	sne.s32 s2, $0x0  }
0x47: {  	s3 =	rddreg [dreg:$0x2];
	[bflag:$0x3] =	sbarrier.arrive $0xFFFF;
	s2 =	simm.s32 @!p0 $0x1C02  }
0x48: {  	[timem:s3], [sflag:s2] =	dma.local @!p0 [hbm:s0], s1  }
0x49: {  	s0 =	simm.s32 @!p0 $0x2  }
0x4a: {  	_ =	swait.ge @!p0 [sflag:s0], s1  }
0x4b: {  	s1 =	ssub.s32 @!p0 $0x0, s1;
	[sflag:s0] =	ssyncset.done @!p0 $0x0  }
0x4c: {  	[sflag:s0] =	ssyncadd.s32 @!p0 s1  }
0x4d: {  	[bflag:$0x3] =	sbarrier.arrive $0xFFFF  }
0x4e: {  	_ =	shalt  }

</sc_bundles>
